<compile_context>
chip_gen: v7x
topology: tpu7x:2x2x1
jax: 0.10.2.dev20260603
libtpu: 0.0.44.dev20260713+nightly
codegen_flags: <defaults>
</compile_context>

<pallas_src>
import functools

import jax
import jax.numpy as jnp
from jax import lax
from jax.experimental import pallas as pl
from jax.experimental.pallas import tpu as pltpu
from jax.experimental.pallas import tpu_sc as plsc

_B, _C, _N = 64, 32, 4096
_NS = 20
_NT = _B - _NS
_L = _NS * _C * _N
_NW = 32
_PER_W = _L // _NW
_CHUNK = 4096
_UNROLL = 8


def _threefry_bits(i):
    ks0 = jnp.uint32(0)
    ks1 = jnp.uint32(42)
    ks2 = jnp.uint32(0x1BD11BDA) ^ ks0 ^ ks1
    ks = (ks0, ks1, ks2)
    rots = ((13, 15, 26, 6), (17, 29, 16, 24))

    def rotl(x, r):
        return (x << jnp.uint32(r)) | (x >> jnp.uint32(32 - r))

    x0 = i + ks1
    x1 = rotl(x0, 13) ^ x0
    for r in rots[0][1:]:
        x0 = x0 + x1
        x1 = rotl(x1, r) ^ x0
    x0 = x0 + ks[1]
    x1 = x1 + ks[2] + jnp.uint32(1)
    for grp in range(1, 5):
        for r in rots[grp % 2]:
            x0 = x0 + x1
            x1 = rotl(x1, r) ^ x0
        x0 = x0 + ks[(grp + 1) % 3]
        x1 = x1 + ks[(grp + 2) % 3] + jnp.uint32(grp + 1)
    return x0 ^ x1


def _bits_to_uniform(bits):
    fb = (bits >> jnp.uint32(9)) | jnp.uint32(0x3F800000)
    return jax.lax.bitcast_convert_type(fb, jnp.float32) - jnp.float32(1.0)


def _gumbel_from_uniform(u):
    eps = jnp.float32(1e-20)
    return -jnp.log(-jnp.log(u + eps) + eps)




def _sc_body(out_hbm, scratch):
    wid = lax.axis_index("s") * 2 + lax.axis_index("c")
    base = wid * _PER_W
    full_base = _NT * _C * _N

    def chunk_body(ch, carry):
        off = base + ch * _CHUNK

        def vec_body(k, carry2):
            for j in range(_UNROLL):
                pos = off + k * (16 * _UNROLL) + j * 16
                i = (lax.iota(jnp.uint32, 16)
                     + (full_base + pos).astype(jnp.uint32))
                u = _bits_to_uniform(_threefry_bits(i))
                scratch[pl.ds(k * (16 * _UNROLL) + j * 16, 16)] = u
            return carry2

        lax.fori_loop(0, _CHUNK // (16 * _UNROLL), vec_body, 0, unroll=False)
        pltpu.sync_copy(scratch, out_hbm.at[pl.ds(off, _CHUNK)])
        return carry

    lax.fori_loop(0, _PER_W // _CHUNK, chunk_body, 0, unroll=False)


@functools.lru_cache(maxsize=1)
def _sc_uniform_fn():
    mesh = plsc.VectorSubcoreMesh(core_axis_name="c", subcore_axis_name="s")
    return pl.kernel(
        _sc_body,
        out_type=jax.ShapeDtypeStruct((_L,), jnp.float32),
        mesh=mesh,
        scratch_types=[pltpu.VMEM((_CHUNK,), jnp.float32)],
    )




def _finish(logp, g, o_ref):
    z = logp + g
    o_ref[0] = (z[0:1, :] >= jnp.max(z, axis=0, keepdims=True)).astype(
        jnp.float32)


def _logp(l):
    m = jnp.max(l, axis=0, keepdims=True)
    e = jnp.exp(l - m)
    p = e / jnp.sum(e, axis=0, keepdims=True)
    return jnp.log(p)


def _tc_main_body(l_ref, o_ref):
    b = pl.program_id(0)
    base = (b * (_C * _N)).astype(jnp.uint32)
    row = jax.lax.broadcasted_iota(jnp.uint32, (_C, _N), 0) << jnp.uint32(12)
    col = jax.lax.broadcasted_iota(jnp.uint32, (_C, _N), 1)
    u = _bits_to_uniform(_threefry_bits(base + row + col))
    _finish(_logp(l_ref[0]), _gumbel_from_uniform(u), o_ref)


def _tc_tail_body(l_ref, u_ref, o_ref):
    _finish(_logp(l_ref[0]), _gumbel_from_uniform(u_ref[0]), o_ref)


def kernel(logits):
    u_tail = _sc_uniform_fn()().reshape(_NS, _C, _N)

    out_main = pl.pallas_call(
        _tc_main_body,
        grid=(_NT,),
        in_specs=[pl.BlockSpec((1, _C, _N), lambda b: (b, 0, 0))],
        out_specs=pl.BlockSpec((1, 1, _N), lambda b: (b, 0, 0)),
        out_shape=jax.ShapeDtypeStruct((_NT, 1, _N), jnp.float32),
        compiler_params=pltpu.CompilerParams(
            dimension_semantics=("arbitrary",),
        ),
    )(logits)

    out_tail = pl.pallas_call(
        _tc_tail_body,
        grid=(_NS,),
        in_specs=[
            pl.BlockSpec((1, _C, _N), lambda b: (b + _NT, 0, 0)),
            pl.BlockSpec((1, _C, _N), lambda b: (b, 0, 0)),
        ],
        out_specs=pl.BlockSpec((1, 1, _N), lambda b: (b, 0, 0)),
        out_shape=jax.ShapeDtypeStruct((_NS, 1, _N), jnp.float32),
        compiler_params=pltpu.CompilerParams(
            dimension_semantics=("arbitrary",),
        ),
    )(logits, u_tail)

    return jnp.concatenate([out_main, out_tail], axis=0)

# --- scband reference (transcript-rebuilt; emitter-appended) ---
"""Pipeline reference for scband-gumbel-10685878632845 (READ-ONLY COPY).

The authoritative reference and input builder live on the scoring server;
editing this copy changes nothing except your own understanding.
"""

import jax, jax.numpy as jnp
import numpy as np


def setup_inputs(seed: int = 0) -> dict:
    key = jax.random.key(seed)
    logits = jax.random.normal(key, (64, 32, 4096), dtype=jnp.float32)
    return {"logits": logits}


def reference(logits):
    eps = 1e-20
    # gumbel_softmax_sample: softmax -> log -> + gumbel noise -> softmax, all along dim=-2
    p = jax.nn.softmax(logits, axis=-2)
    logp = jnp.log(p)
    U = jax.random.uniform(jax.random.key(42), logits.shape, dtype=logits.dtype)
    g = -jnp.log(-jnp.log(U + eps) + eps)
    temperature = 1.0
    y = jax.nn.softmax((logp + g) / temperature, axis=-2)
    # hard one-hot along class dim (dim 1 == dim -2 for 3D input)
    ind = jnp.argmax(y, axis=-2)  # [B, N]
    y_hard = jax.nn.one_hot(ind, logits.shape[-2], axis=1, dtype=y.dtype)  # [B, C, N]
    # straight-through estimator
    y_st = jax.lax.stop_gradient(y_hard - y) + y
    hard_mask = y_st[:, 0, :]
    return hard_mask[:, None, :]

if __name__ == "__main__":
    import jax
    _d = setup_inputs()
    print(jax.jit(kernel)(*tuple(_d.values())))

</pallas_src>

<mosaic_0001>
#map = affine_map<(d0, d1) -> (0)>
module attributes {stable_mosaic.version = 14 : i64} {
  func.func @_sc_body(%arg0: i32, %arg1: i32, %arg2: memref<2621440xf32, #tpu.memory_space<hbm>>, %arg3: memref<4096xf32, #tpu.memory_space<vmem>>) attributes {dimension_semantics = [#tpu.dimension_semantics<core_parallel>, #tpu.dimension_semantics<subcore_parallel>], iteration_bounds = array<i64: 2, 16>, scalar_prefetch = 0 : i64, scratch_operands = 1 : i64, tpu.core_type = #tpu.core_type<sc_vector_subcore>, window_params = [{transform_indices = #map}]} {
    %mul3A = arith.constant 2 : i32
    %mul3A_0 = arith.muli %arg1, %mul3A : i32
    %add3A = arith.addi %mul3A_0, %arg0 : i32
    %mul3A_1 = arith.constant 81920 : i32
    %mul3A_2 = arith.muli %add3A, %mul3A_1 : i32
    %scan3A = arith.constant 0 : i32
    %scan3A_3 = arith.constant 0 : i32
    %scan3A_4 = arith.constant 20 : i32
    %scan3A_5 = arith.addi %scan3A_3, %scan3A_4 : i32
    %scan3A_6 = arith.constant 1 : i32
    scf.for %scan3A_8 = %scan3A_3 to %scan3A_5 step %scan3A_6  : i32 {
      %mul3A_9 = arith.constant 4096 : i32
      %mul3A_10 = arith.muli %scan3A_8, %mul3A_9 : i32
      %add3A_11 = arith.addi %mul3A_2, %mul3A_10 : i32
      %scan3A_12 = arith.constant 0 : i32
      %scan3A_13 = arith.constant 0 : i32
      %scan3A_14 = arith.constant 32 : i32
      %scan3A_15 = arith.addi %scan3A_13, %scan3A_14 : i32
      %scan3A_16 = arith.constant 1 : i32
      scf.for %scan3A_18 = %scan3A_13 to %scan3A_15 step %scan3A_16  : i32 {
        %mul3A_19 = arith.constant 128 : i32
        %mul3A_20 = arith.muli %scan3A_18, %mul3A_19 : i32
        %add3A_21 = arith.addi %add3A_11, %mul3A_20 : i32
        %add3A_22 = arith.constant 0 : i32
        %add3A_23 = arith.addi %add3A_21, %add3A_22 : i32
        %iota3A = tpu.iota {dimensions = array<i32: 0>} : vector<16xi32>
        %add3A_24 = arith.constant 5767168 : i32
        %add3A_25 = arith.addi %add3A_24, %add3A_23 : i32
        %add3A_26 = vector.broadcast %add3A_25 : i32 to vector<16xi32>
        %add3A_27 = arith.addi %iota3A, %add3A_26 : vector<16xi32>
        %xor3A = arith.constant 466688986 : i32
        %xor3A_28 = arith.constant 0 : i32
        %xor3A_29 = arith.xori %xor3A, %xor3A_28 : i32
        %xor3A_30 = arith.constant 42 : i32
        %xor3A_31 = arith.xori %xor3A_29, %xor3A_30 : i32
        %add3A_32 = arith.constant 42 : i32
        %add3A_33 = vector.broadcast %add3A_32 : i32 to vector<16xi32>
        %add3A_34 = arith.addi %add3A_27, %add3A_33 : vector<16xi32>
        %shift_left3A = arith.constant 13 : i32
        %shift_left3A_35 = vector.broadcast %shift_left3A : i32 to vector<16xi32>
        %shift_left3A_36 = arith.shli %add3A_34, %shift_left3A_35 : vector<16xi32>
        %shift_right_logical3A = arith.constant 19 : i32
        %shift_right_logical3A_37 = vector.broadcast %shift_right_logical3A : i32 to vector<16xi32>
        %shift_right_logical3A_38 = arith.shrui %add3A_34, %shift_right_logical3A_37 : vector<16xi32>
        %or3A = arith.ori %shift_left3A_36, %shift_right_logical3A_38 : vector<16xi32>
        %xor3A_39 = arith.xori %or3A, %add3A_34 : vector<16xi32>
        %add3A_40 = arith.addi %add3A_34, %xor3A_39 : vector<16xi32>
        %shift_left3A_41 = arith.constant 15 : i32
        %shift_left3A_42 = vector.broadcast %shift_left3A_41 : i32 to vector<16xi32>
        %shift_left3A_43 = arith.shli %xor3A_39, %shift_left3A_42 : vector<16xi32>
        %shift_right_logical3A_44 = arith.constant 17 : i32
        %shift_right_logical3A_45 = vector.broadcast %shift_right_logical3A_44 : i32 to vector<16xi32>
        %shift_right_logical3A_46 = arith.shrui %xor3A_39, %shift_right_logical3A_45 : vector<16xi32>
        %or3A_47 = arith.ori %shift_left3A_43, %shift_right_logical3A_46 : vector<16xi32>
        %xor3A_48 = arith.xori %or3A_47, %add3A_40 : vector<16xi32>
        %add3A_49 = arith.addi %add3A_40, %xor3A_48 : vector<16xi32>
        %shift_left3A_50 = arith.constant 26 : i32
        %shift_left3A_51 = vector.broadcast %shift_left3A_50 : i32 to vector<16xi32>
        %shift_left3A_52 = arith.shli %xor3A_48, %shift_left3A_51 : vector<16xi32>
        %shift_right_logical3A_53 = arith.constant 6 : i32
        %shift_right_logical3A_54 = vector.broadcast %shift_right_logical3A_53 : i32 to vector<16xi32>
        %shift_right_logical3A_55 = arith.shrui %xor3A_48, %shift_right_logical3A_54 : vector<16xi32>
        %or3A_56 = arith.ori %shift_left3A_52, %shift_right_logical3A_55 : vector<16xi32>
        %xor3A_57 = arith.xori %or3A_56, %add3A_49 : vector<16xi32>
        %add3A_58 = arith.addi %add3A_49, %xor3A_57 : vector<16xi32>
        %shift_left3A_59 = arith.constant 6 : i32
        %shift_left3A_60 = vector.broadcast %shift_left3A_59 : i32 to vector<16xi32>
        %shift_left3A_61 = arith.shli %xor3A_57, %shift_left3A_60 : vector<16xi32>
        %shift_right_logical3A_62 = arith.constant 26 : i32
        %shift_right_logical3A_63 = vector.broadcast %shift_right_logical3A_62 : i32 to vector<16xi32>
        %shift_right_logical3A_64 = arith.shrui %xor3A_57, %shift_right_logical3A_63 : vector<16xi32>
        %or3A_65 = arith.ori %shift_left3A_61, %shift_right_logical3A_64 : vector<16xi32>
        %xor3A_66 = arith.xori %or3A_65, %add3A_58 : vector<16xi32>
        %add3A_67 = arith.constant 42 : i32
        %add3A_68 = vector.broadcast %add3A_67 : i32 to vector<16xi32>
        %add3A_69 = arith.addi %add3A_58, %add3A_68 : vector<16xi32>
        %add3A_70 = vector.broadcast %xor3A_31 : i32 to vector<16xi32>
        %add3A_71 = arith.addi %xor3A_66, %add3A_70 : vector<16xi32>
        %add3A_72 = arith.constant 1 : i32
        %add3A_73 = vector.broadcast %add3A_72 : i32 to vector<16xi32>
        %add3A_74 = arith.addi %add3A_71, %add3A_73 : vector<16xi32>
        %add3A_75 = arith.addi %add3A_69, %add3A_74 : vector<16xi32>
        %shift_left3A_76 = arith.constant 17 : i32
        %shift_left3A_77 = vector.broadcast %shift_left3A_76 : i32 to vector<16xi32>
        %shift_left3A_78 = arith.shli %add3A_74, %shift_left3A_77 : vector<16xi32>
        %shift_right_logical3A_79 = arith.constant 15 : i32
        %shift_right_logical3A_80 = vector.broadcast %shift_right_logical3A_79 : i32 to vector<16xi32>
        %shift_right_logical3A_81 = arith.shrui %add3A_74, %shift_right_logical3A_80 : vector<16xi32>
        %or3A_82 = arith.ori %shift_left3A_78, %shift_right_logical3A_81 : vector<16xi32>
        %xor3A_83 = arith.xori %or3A_82, %add3A_75 : vector<16xi32>
        %add3A_84 = arith.addi %add3A_75, %xor3A_83 : vector<16xi32>
        %shift_left3A_85 = arith.constant 29 : i32
        %shift_left3A_86 = vector.broadcast %shift_left3A_85 : i32 to vector<16xi32>
        %shift_left3A_87 = arith.shli %xor3A_83, %shift_left3A_86 : vector<16xi32>
        %shift_right_logical3A_88 = arith.constant 3 : i32
        %shift_right_logical3A_89 = vector.broadcast %shift_right_logical3A_88 : i32 to vector<16xi32>
        %shift_right_logical3A_90 = arith.shrui %xor3A_83, %shift_right_logical3A_89 : vector<16xi32>
        %or3A_91 = arith.ori %shift_left3A_87, %shift_right_logical3A_90 : vector<16xi32>
        %xor3A_92 = arith.xori %or3A_91, %add3A_84 : vector<16xi32>
        %add3A_93 = arith.addi %add3A_84, %xor3A_92 : vector<16xi32>
        %shift_left3A_94 = arith.constant 16 : i32
        %shift_left3A_95 = vector.broadcast %shift_left3A_94 : i32 to vector<16xi32>
        %shift_left3A_96 = arith.shli %xor3A_92, %shift_left3A_95 : vector<16xi32>
        %shift_right_logical3A_97 = arith.constant 16 : i32
        %shift_right_logical3A_98 = vector.broadcast %shift_right_logical3A_97 : i32 to vector<16xi32>
        %shift_right_logical3A_99 = arith.shrui %xor3A_92, %shift_right_logical3A_98 : vector<16xi32>
        %or3A_100 = arith.ori %shift_left3A_96, %shift_right_logical3A_99 : vector<16xi32>
        %xor3A_101 = arith.xori %or3A_100, %add3A_93 : vector<16xi32>
        %add3A_102 = arith.addi %add3A_93, %xor3A_101 : vector<16xi32>
        %shift_left3A_103 = arith.constant 24 : i32
        %shift_left3A_104 = vector.broadcast %shift_left3A_103 : i32 to vector<16xi32>
        %shift_left3A_105 = arith.shli %xor3A_101, %shift_left3A_104 : vector<16xi32>
        %shift_right_logical3A_106 = arith.constant 8 : i32
        %shift_right_logical3A_107 = vector.broadcast %shift_right_logical3A_106 : i32 to vector<16xi32>
        %shift_right_logical3A_108 = arith.shrui %xor3A_101, %shift_right_logical3A_107 : vector<16xi32>
        %or3A_109 = arith.ori %shift_left3A_105, %shift_right_logical3A_108 : vector<16xi32>
        %xor3A_110 = arith.xori %or3A_109, %add3A_102 : vector<16xi32>
        %add3A_111 = vector.broadcast %xor3A_31 : i32 to vector<16xi32>
        %add3A_112 = arith.addi %add3A_102, %add3A_111 : vector<16xi32>
        %add3A_113 = arith.constant 0 : i32
        %add3A_114 = vector.broadcast %add3A_113 : i32 to vector<16xi32>
        %add3A_115 = arith.addi %xor3A_110, %add3A_114 : vector<16xi32>
        %add3A_116 = arith.constant 2 : i32
        %add3A_117 = vector.broadcast %add3A_116 : i32 to vector<16xi32>
        %add3A_118 = arith.addi %add3A_115, %add3A_117 : vector<16xi32>
        %add3A_119 = arith.addi %add3A_112, %add3A_118 : vector<16xi32>
        %shift_left3A_120 = arith.constant 13 : i32
        %shift_left3A_121 = vector.broadcast %shift_left3A_120 : i32 to vector<16xi32>
        %shift_left3A_122 = arith.shli %add3A_118, %shift_left3A_121 : vector<16xi32>
        %shift_right_logical3A_123 = arith.constant 19 : i32
        %shift_right_logical3A_124 = vector.broadcast %shift_right_logical3A_123 : i32 to vector<16xi32>
        %shift_right_logical3A_125 = arith.shrui %add3A_118, %shift_right_logical3A_124 : vector<16xi32>
        %or3A_126 = arith.ori %shift_left3A_122, %shift_right_logical3A_125 : vector<16xi32>
        %xor3A_127 = arith.xori %or3A_126, %add3A_119 : vector<16xi32>
        %add3A_128 = arith.addi %add3A_119, %xor3A_127 : vector<16xi32>
        %shift_left3A_129 = arith.constant 15 : i32
        %shift_left3A_130 = vector.broadcast %shift_left3A_129 : i32 to vector<16xi32>
        %shift_left3A_131 = arith.shli %xor3A_127, %shift_left3A_130 : vector<16xi32>
        %shift_right_logical3A_132 = arith.constant 17 : i32
        %shift_right_logical3A_133 = vector.broadcast %shift_right_logical3A_132 : i32 to vector<16xi32>
        %shift_right_logical3A_134 = arith.shrui %xor3A_127, %shift_right_logical3A_133 : vector<16xi32>
        %or3A_135 = arith.ori %shift_left3A_131, %shift_right_logical3A_134 : vector<16xi32>
        %xor3A_136 = arith.xori %or3A_135, %add3A_128 : vector<16xi32>
        %add3A_137 = arith.addi %add3A_128, %xor3A_136 : vector<16xi32>
        %shift_left3A_138 = arith.constant 26 : i32
        %shift_left3A_139 = vector.broadcast %shift_left3A_138 : i32 to vector<16xi32>
        %shift_left3A_140 = arith.shli %xor3A_136, %shift_left3A_139 : vector<16xi32>
        %shift_right_logical3A_141 = arith.constant 6 : i32
        %shift_right_logical3A_142 = vector.broadcast %shift_right_logical3A_141 : i32 to vector<16xi32>
        %shift_right_logical3A_143 = arith.shrui %xor3A_136, %shift_right_logical3A_142 : vector<16xi32>
        %or3A_144 = arith.ori %shift_left3A_140, %shift_right_logical3A_143 : vector<16xi32>
        %xor3A_145 = arith.xori %or3A_144, %add3A_137 : vector<16xi32>
        %add3A_146 = arith.addi %add3A_137, %xor3A_145 : vector<16xi32>
        %shift_left3A_147 = arith.constant 6 : i32
        %shift_left3A_148 = vector.broadcast %shift_left3A_147 : i32 to vector<16xi32>
        %shift_left3A_149 = arith.shli %xor3A_145, %shift_left3A_148 : vector<16xi32>
        %shift_right_logical3A_150 = arith.constant 26 : i32
        %shift_right_logical3A_151 = vector.broadcast %shift_right_logical3A_150 : i32 to vector<16xi32>
        %shift_right_logical3A_152 = arith.shrui %xor3A_145, %shift_right_logical3A_151 : vector<16xi32>
        %or3A_153 = arith.ori %shift_left3A_149, %shift_right_logical3A_152 : vector<16xi32>
        %xor3A_154 = arith.xori %or3A_153, %add3A_146 : vector<16xi32>
        %add3A_155 = arith.constant 0 : i32
        %add3A_156 = vector.broadcast %add3A_155 : i32 to vector<16xi32>
        %add3A_157 = arith.addi %add3A_146, %add3A_156 : vector<16xi32>
        %add3A_158 = arith.constant 42 : i32
        %add3A_159 = vector.broadcast %add3A_158 : i32 to vector<16xi32>
        %add3A_160 = arith.addi %xor3A_154, %add3A_159 : vector<16xi32>
        %add3A_161 = arith.constant 3 : i32
        %add3A_162 = vector.broadcast %add3A_161 : i32 to vector<16xi32>
        %add3A_163 = arith.addi %add3A_160, %add3A_162 : vector<16xi32>
        %add3A_164 = arith.addi %add3A_157, %add3A_163 : vector<16xi32>
        %shift_left3A_165 = arith.constant 17 : i32
        %shift_left3A_166 = vector.broadcast %shift_left3A_165 : i32 to vector<16xi32>
        %shift_left3A_167 = arith.shli %add3A_163, %shift_left3A_166 : vector<16xi32>
        %shift_right_logical3A_168 = arith.constant 15 : i32
        %shift_right_logical3A_169 = vector.broadcast %shift_right_logical3A_168 : i32 to vector<16xi32>
        %shift_right_logical3A_170 = arith.shrui %add3A_163, %shift_right_logical3A_169 : vector<16xi32>
        %or3A_171 = arith.ori %shift_left3A_167, %shift_right_logical3A_170 : vector<16xi32>
        %xor3A_172 = arith.xori %or3A_171, %add3A_164 : vector<16xi32>
        %add3A_173 = arith.addi %add3A_164, %xor3A_172 : vector<16xi32>
        %shift_left3A_174 = arith.constant 29 : i32
        %shift_left3A_175 = vector.broadcast %shift_left3A_174 : i32 to vector<16xi32>
        %shift_left3A_176 = arith.shli %xor3A_172, %shift_left3A_175 : vector<16xi32>
        %shift_right_logical3A_177 = arith.constant 3 : i32
        %shift_right_logical3A_178 = vector.broadcast %shift_right_logical3A_177 : i32 to vector<16xi32>
        %shift_right_logical3A_179 = arith.shrui %xor3A_172, %shift_right_logical3A_178 : vector<16xi32>
        %or3A_180 = arith.ori %shift_left3A_176, %shift_right_logical3A_179 : vector<16xi32>
        %xor3A_181 = arith.xori %or3A_180, %add3A_173 : vector<16xi32>
        %add3A_182 = arith.addi %add3A_173, %xor3A_181 : vector<16xi32>
        %shift_left3A_183 = arith.constant 16 : i32
        %shift_left3A_184 = vector.broadcast %shift_left3A_183 : i32 to vector<16xi32>
        %shift_left3A_185 = arith.shli %xor3A_181, %shift_left3A_184 : vector<16xi32>
        %shift_right_logical3A_186 = arith.constant 16 : i32
        %shift_right_logical3A_187 = vector.broadcast %shift_right_logical3A_186 : i32 to vector<16xi32>
        %shift_right_logical3A_188 = arith.shrui %xor3A_181, %shift_right_logical3A_187 : vector<16xi32>
        %or3A_189 = arith.ori %shift_left3A_185, %shift_right_logical3A_188 : vector<16xi32>
        %xor3A_190 = arith.xori %or3A_189, %add3A_182 : vector<16xi32>
        %add3A_191 = arith.addi %add3A_182, %xor3A_190 : vector<16xi32>
        %shift_left3A_192 = arith.constant 24 : i32
        %shift_left3A_193 = vector.broadcast %shift_left3A_192 : i32 to vector<16xi32>
        %shift_left3A_194 = arith.shli %xor3A_190, %shift_left3A_193 : vector<16xi32>
        %shift_right_logical3A_195 = arith.constant 8 : i32
        %shift_right_logical3A_196 = vector.broadcast %shift_right_logical3A_195 : i32 to vector<16xi32>
        %shift_right_logical3A_197 = arith.shrui %xor3A_190, %shift_right_logical3A_196 : vector<16xi32>
        %or3A_198 = arith.ori %shift_left3A_194, %shift_right_logical3A_197 : vector<16xi32>
        %xor3A_199 = arith.xori %or3A_198, %add3A_191 : vector<16xi32>
        %add3A_200 = arith.constant 42 : i32
        %add3A_201 = vector.broadcast %add3A_200 : i32 to vector<16xi32>
        %add3A_202 = arith.addi %add3A_191, %add3A_201 : vector<16xi32>
        %add3A_203 = vector.broadcast %xor3A_31 : i32 to vector<16xi32>
        %add3A_204 = arith.addi %xor3A_199, %add3A_203 : vector<16xi32>
        %add3A_205 = arith.constant 4 : i32
        %add3A_206 = vector.broadcast %add3A_205 : i32 to vector<16xi32>
        %add3A_207 = arith.addi %add3A_204, %add3A_206 : vector<16xi32>
        %add3A_208 = arith.addi %add3A_202, %add3A_207 : vector<16xi32>
        %shift_left3A_209 = arith.constant 13 : i32
        %shift_left3A_210 = vector.broadcast %shift_left3A_209 : i32 to vector<16xi32>
        %shift_left3A_211 = arith.shli %add3A_207, %shift_left3A_210 : vector<16xi32>
        %shift_right_logical3A_212 = arith.constant 19 : i32
        %shift_right_logical3A_213 = vector.broadcast %shift_right_logical3A_212 : i32 to vector<16xi32>
        %shift_right_logical3A_214 = arith.shrui %add3A_207, %shift_right_logical3A_213 : vector<16xi32>
        %or3A_215 = arith.ori %shift_left3A_211, %shift_right_logical3A_214 : vector<16xi32>
        %xor3A_216 = arith.xori %or3A_215, %add3A_208 : vector<16xi32>
        %add3A_217 = arith.addi %add3A_208, %xor3A_216 : vector<16xi32>
        %shift_left3A_218 = arith.constant 15 : i32
        %shift_left3A_219 = vector.broadcast %shift_left3A_218 : i32 to vector<16xi32>
        %shift_left3A_220 = arith.shli %xor3A_216, %shift_left3A_219 : vector<16xi32>
        %shift_right_logical3A_221 = arith.constant 17 : i32
        %shift_right_logical3A_222 = vector.broadcast %shift_right_logical3A_221 : i32 to vector<16xi32>
        %shift_right_logical3A_223 = arith.shrui %xor3A_216, %shift_right_logical3A_222 : vector<16xi32>
        %or3A_224 = arith.ori %shift_left3A_220, %shift_right_logical3A_223 : vector<16xi32>
        %xor3A_225 = arith.xori %or3A_224, %add3A_217 : vector<16xi32>
        %add3A_226 = arith.addi %add3A_217, %xor3A_225 : vector<16xi32>
        %shift_left3A_227 = arith.constant 26 : i32
        %shift_left3A_228 = vector.broadcast %shift_left3A_227 : i32 to vector<16xi32>
        %shift_left3A_229 = arith.shli %xor3A_225, %shift_left3A_228 : vector<16xi32>
        %shift_right_logical3A_230 = arith.constant 6 : i32
        %shift_right_logical3A_231 = vector.broadcast %shift_right_logical3A_230 : i32 to vector<16xi32>
        %shift_right_logical3A_232 = arith.shrui %xor3A_225, %shift_right_logical3A_231 : vector<16xi32>
        %or3A_233 = arith.ori %shift_left3A_229, %shift_right_logical3A_232 : vector<16xi32>
        %xor3A_234 = arith.xori %or3A_233, %add3A_226 : vector<16xi32>
        %add3A_235 = arith.addi %add3A_226, %xor3A_234 : vector<16xi32>
        %shift_left3A_236 = arith.constant 6 : i32
        %shift_left3A_237 = vector.broadcast %shift_left3A_236 : i32 to vector<16xi32>
        %shift_left3A_238 = arith.shli %xor3A_234, %shift_left3A_237 : vector<16xi32>
        %shift_right_logical3A_239 = arith.constant 26 : i32
        %shift_right_logical3A_240 = vector.broadcast %shift_right_logical3A_239 : i32 to vector<16xi32>
        %shift_right_logical3A_241 = arith.shrui %xor3A_234, %shift_right_logical3A_240 : vector<16xi32>
        %or3A_242 = arith.ori %shift_left3A_238, %shift_right_logical3A_241 : vector<16xi32>
        %xor3A_243 = arith.xori %or3A_242, %add3A_235 : vector<16xi32>
        %add3A_244 = vector.broadcast %xor3A_31 : i32 to vector<16xi32>
        %add3A_245 = arith.addi %add3A_235, %add3A_244 : vector<16xi32>
        %add3A_246 = arith.constant 0 : i32
        %add3A_247 = vector.broadcast %add3A_246 : i32 to vector<16xi32>
        %add3A_248 = arith.addi %xor3A_243, %add3A_247 : vector<16xi32>
        %add3A_249 = arith.constant 5 : i32
        %add3A_250 = vector.broadcast %add3A_249 : i32 to vector<16xi32>
        %add3A_251 = arith.addi %add3A_248, %add3A_250 : vector<16xi32>
        %xor3A_252 = arith.xori %add3A_245, %add3A_251 : vector<16xi32>
        %shift_right_logical3A_253 = arith.constant 9 : i32
        %shift_right_logical3A_254 = vector.broadcast %shift_right_logical3A_253 : i32 to vector<16xi32>
        %shift_right_logical3A_255 = arith.shrui %xor3A_252, %shift_right_logical3A_254 : vector<16xi32>
        %or3A_256 = arith.constant 1065353216 : i32
        %or3A_257 = vector.broadcast %or3A_256 : i32 to vector<16xi32>
        %or3A_258 = arith.ori %shift_right_logical3A_255, %or3A_257 : vector<16xi32>
        %bitcast_convert_type3A = tpu.bitcast %or3A_258 : vector<16xi32> -> vector<16xf32>
        %sub3A = arith.constant 1.000000e+00 : f32
        %sub3A_259 = vector.broadcast %sub3A : f32 to vector<16xf32>
        %sub3A_260 = arith.subf %bitcast_convert_type3A, %sub3A_259 : vector<16xf32>
        %mul3A_261 = arith.constant 128 : i32
        %mul3A_262 = arith.muli %scan3A_18, %mul3A_261 : i32
        %add3A_263 = arith.constant 0 : i32
        %add3A_264 = arith.addi %mul3A_262, %add3A_263 : i32
        %swap3A = arith.index_cast %add3A_264 : i32 to index
        %swap3A_265 = tpu.vector_load %arg3[%swap3A] {strides = array<i32>} : memref<4096xf32, #tpu.memory_space<vmem>>, vector<16xf32>,
        %swap3A_266 = vector.shape_cast %swap3A_265 : vector<16xf32> to vector<16xf32>
        %swap3A_267 = vector.shape_cast %sub3A_260 : vector<16xf32> to vector<16xf32>
        tpu.vector_store %arg3[%swap3A], %swap3A_267 {strides = array<i32>} : memref<4096xf32, #tpu.memory_space<vmem>>, vector<16xf32>,
        %mul3A_268 = arith.constant 128 : i32
        %mul3A_269 = arith.muli %scan3A_18, %mul3A_268 : i32
        %add3A_270 = arith.addi %add3A_11, %mul3A_269 : i32
        %add3A_271 = arith.constant 16 : i32
        %add3A_272 = arith.addi %add3A_270, %add3A_271 : i32
        %iota3A_273 = tpu.iota {dimensions = array<i32: 0>} : vector<16xi32>
        %add3A_274 = arith.constant 5767168 : i32
        %add3A_275 = arith.addi %add3A_274, %add3A_272 : i32
        %add3A_276 = vector.broadcast %add3A_275 : i32 to vector<16xi32>
        %add3A_277 = arith.addi %iota3A_273, %add3A_276 : vector<16xi32>
        %xor3A_278 = arith.constant 466688986 : i32
        %xor3A_279 = arith.constant 0 : i32
        %xor3A_280 = arith.xori %xor3A_278, %xor3A_279 : i32
        %xor3A_281 = arith.constant 42 : i32
        %xor3A_282 = arith.xori %xor3A_280, %xor3A_281 : i32
        %add3A_283 = arith.constant 42 : i32
        %add3A_284 = vector.broadcast %add3A_283 : i32 to vector<16xi32>
        %add3A_285 = arith.addi %add3A_277, %add3A_284 : vector<16xi32>
        %shift_left3A_286 = arith.constant 13 : i32
        %shift_left3A_287 = vector.broadcast %shift_left3A_286 : i32 to vector<16xi32>
        %shift_left3A_288 = arith.shli %add3A_285, %shift_left3A_287 : vector<16xi32>
        %shift_right_logical3A_289 = arith.constant 19 : i32
        %shift_right_logical3A_290 = vector.broadcast %shift_right_logical3A_289 : i32 to vector<16xi32>
        %shift_right_logical3A_291 = arith.shrui %add3A_285, %shift_right_logical3A_290 : vector<16xi32>
        %or3A_292 = arith.ori %shift_left3A_288, %shift_right_logical3A_291 : vector<16xi32>
        %xor3A_293 = arith.xori %or3A_292, %add3A_285 : vector<16xi32>
        %add3A_294 = arith.addi %add3A_285, %xor3A_293 : vector<16xi32>
        %shift_left3A_295 = arith.constant 15 : i32
        %shift_left3A_296 = vector.broadcast %shift_left3A_295 : i32 to vector<16xi32>
        %shift_left3A_297 = arith.shli %xor3A_293, %shift_left3A_296 : vector<16xi32>
        %shift_right_logical3A_298 = arith.constant 17 : i32
        %shift_right_logical3A_299 = vector.broadcast %shift_right_logical3A_298 : i32 to vector<16xi32>
        %shift_right_logical3A_300 = arith.shrui %xor3A_293, %shift_right_logical3A_299 : vector<16xi32>
        %or3A_301 = arith.ori %shift_left3A_297, %shift_right_logical3A_300 : vector<16xi32>
        %xor3A_302 = arith.xori %or3A_301, %add3A_294 : vector<16xi32>
        %add3A_303 = arith.addi %add3A_294, %xor3A_302 : vector<16xi32>
        %shift_left3A_304 = arith.constant 26 : i32
        %shift_left3A_305 = vector.broadcast %shift_left3A_304 : i32 to vector<16xi32>
        %shift_left3A_306 = arith.shli %xor3A_302, %shift_left3A_305 : vector<16xi32>
        %shift_right_logical3A_307 = arith.constant 6 : i32
        %shift_right_logical3A_308 = vector.broadcast %shift_right_logical3A_307 : i32 to vector<16xi32>
        %shift_right_logical3A_309 = arith.shrui %xor3A_302, %shift_right_logical3A_308 : vector<16xi32>
        %or3A_310 = arith.ori %shift_left3A_306, %shift_right_logical3A_309 : vector<16xi32>
        %xor3A_311 = arith.xori %or3A_310, %add3A_303 : vector<16xi32>
        %add3A_312 = arith.addi %add3A_303, %xor3A_311 : vector<16xi32>
        %shift_left3A_313 = arith.constant 6 : i32
        %shift_left3A_314 = vector.broadcast %shift_left3A_313 : i32 to vector<16xi32>
        %shift_left3A_315 = arith.shli %xor3A_311, %shift_left3A_314 : vector<16xi32>
        %shift_right_logical3A_316 = arith.constant 26 : i32
        %shift_right_logical3A_317 = vector.broadcast %shift_right_logical3A_316 : i32 to vector<16xi32>
        %shift_right_logical3A_318 = arith.shrui %xor3A_311, %shift_right_logical3A_317 : vector<16xi32>
        %or3A_319 = arith.ori %shift_left3A_315, %shift_right_logical3A_318 : vector<16xi32>
        %xor3A_320 = arith.xori %or3A_319, %add3A_312 : vector<16xi32>
        %add3A_321 = arith.constant 42 : i32
        %add3A_322 = vector.broadcast %add3A_321 : i32 to vector<16xi32>
        %add3A_323 = arith.addi %add3A_312, %add3A_322 : vector<16xi32>
        %add3A_324 = vector.broadcast %xor3A_282 : i32 to vector<16xi32>
        %add3A_325 = arith.addi %xor3A_320, %add3A_324 : vector<16xi32>
        %add3A_326 = arith.constant 1 : i32
        %add3A_327 = vector.broadcast %add3A_326 : i32 to vector<16xi32>
        %add3A_328 = arith.addi %add3A_325, %add3A_327 : vector<16xi32>
        %add3A_329 = arith.addi %add3A_323, %add3A_328 : vector<16xi32>
        %shift_left3A_330 = arith.constant 17 : i32
        %shift_left3A_331 = vector.broadcast %shift_left3A_330 : i32 to vector<16xi32>
        %shift_left3A_332 = arith.shli %add3A_328, %shift_left3A_331 : vector<16xi32>
        %shift_right_logical3A_333 = arith.constant 15 : i32
        %shift_right_logical3A_334 = vector.broadcast %shift_right_logical3A_333 : i32 to vector<16xi32>
        %shift_right_logical3A_335 = arith.shrui %add3A_328, %shift_right_logical3A_334 : vector<16xi32>
        %or3A_336 = arith.ori %shift_left3A_332, %shift_right_logical3A_335 : vector<16xi32>
        %xor3A_337 = arith.xori %or3A_336, %add3A_329 : vector<16xi32>
        %add3A_338 = arith.addi %add3A_329, %xor3A_337 : vector<16xi32>
        %shift_left3A_339 = arith.constant 29 : i32
        %shift_left3A_340 = vector.broadcast %shift_left3A_339 : i32 to vector<16xi32>
        %shift_left3A_341 = arith.shli %xor3A_337, %shift_left3A_340 : vector<16xi32>
        %shift_right_logical3A_342 = arith.constant 3 : i32
        %shift_right_logical3A_343 = vector.broadcast %shift_right_logical3A_342 : i32 to vector<16xi32>
        %shift_right_logical3A_344 = arith.shrui %xor3A_337, %shift_right_logical3A_343 : vector<16xi32>
        %or3A_345 = arith.ori %shift_left3A_341, %shift_right_logical3A_344 : vector<16xi32>
        %xor3A_346 = arith.xori %or3A_345, %add3A_338 : vector<16xi32>
        %add3A_347 = arith.addi %add3A_338, %xor3A_346 : vector<16xi32>
        %shift_left3A_348 = arith.constant 16 : i32
        %shift_left3A_349 = vector.broadcast %shift_left3A_348 : i32 to vector<16xi32>
        %shift_left3A_350 = arith.shli %xor3A_346, %shift_left3A_349 : vector<16xi32>
        %shift_right_logical3A_351 = arith.constant 16 : i32
        %shift_right_logical3A_352 = vector.broadcast %shift_right_logical3A_351 : i32 to vector<16xi32>
        %shift_right_logical3A_353 = arith.shrui %xor3A_346, %shift_right_logical3A_352 : vector<16xi32>
        %or3A_354 = arith.ori %shift_left3A_350, %shift_right_logical3A_353 : vector<16xi32>
        %xor3A_355 = arith.xori %or3A_354, %add3A_347 : vector<16xi32>
        %add3A_356 = arith.addi %add3A_347, %xor3A_355 : vector<16xi32>
        %shift_left3A_357 = arith.constant 24 : i32
        %shift_left3A_358 = vector.broadcast %shift_left3A_357 : i32 to vector<16xi32>
        %shift_left3A_359 = arith.shli %xor3A_355, %shift_left3A_358 : vector<16xi32>
        %shift_right_logical3A_360 = arith.constant 8 : i32
        %shift_right_logical3A_361 = vector.broadcast %shift_right_logical3A_360 : i32 to vector<16xi32>
        %shift_right_logical3A_362 = arith.shrui %xor3A_355, %shift_right_logical3A_361 : vector<16xi32>
        %or3A_363 = arith.ori %shift_left3A_359, %shift_right_logical3A_362 : vector<16xi32>
        %xor3A_364 = arith.xori %or3A_363, %add3A_356 : vector<16xi32>
        %add3A_365 = vector.broadcast %xor3A_282 : i32 to vector<16xi32>
        %add3A_366 = arith.addi %add3A_356, %add3A_365 : vector<16xi32>
        %add3A_367 = arith.constant 0 : i32
        %add3A_368 = vector.broadcast %add3A_367 : i32 to vector<16xi32>
        %add3A_369 = arith.addi %xor3A_364, %add3A_368 : vector<16xi32>
        %add3A_370 = arith.constant 2 : i32
        %add3A_371 = vector.broadcast %add3A_370 : i32 to vector<16xi32>
        %add3A_372 = arith.addi %add3A_369, %add3A_371 : vector<16xi32>
        %add3A_373 = arith.addi %add3A_366, %add3A_372 : vector<16xi32>
        %shift_left3A_374 = arith.constant 13 : i32
        %shift_left3A_375 = vector.broadcast %shift_left3A_374 : i32 to vector<16xi32>
        %shift_left3A_376 = arith.shli %add3A_372, %shift_left3A_375 : vector<16xi32>
        %shift_right_logical3A_377 = arith.constant 19 : i32
        %shift_right_logical3A_378 = vector.broadcast %shift_right_logical3A_377 : i32 to vector<16xi32>
        %shift_right_logical3A_379 = arith.shrui %add3A_372, %shift_right_logical3A_378 : vector<16xi32>
        %or3A_380 = arith.ori %shift_left3A_376, %shift_right_logical3A_379 : vector<16xi32>
        %xor3A_381 = arith.xori %or3A_380, %add3A_373 : vector<16xi32>
        %add3A_382 = arith.addi %add3A_373, %xor3A_381 : vector<16xi32>
        %shift_left3A_383 = arith.constant 15 : i32
        %shift_left3A_384 = vector.broadcast %shift_left3A_383 : i32 to vector<16xi32>
        %shift_left3A_385 = arith.shli %xor3A_381, %shift_left3A_384 : vector<16xi32>
        %shift_right_logical3A_386 = arith.constant 17 : i32
        %shift_right_logical3A_387 = vector.broadcast %shift_right_logical3A_386 : i32 to vector<16xi32>
        %shift_right_logical3A_388 = arith.shrui %xor3A_381, %shift_right_logical3A_387 : vector<16xi32>
        %or3A_389 = arith.ori %shift_left3A_385, %shift_right_logical3A_388 : vector<16xi32>
        %xor3A_390 = arith.xori %or3A_389, %add3A_382 : vector<16xi32>
        %add3A_391 = arith.addi %add3A_382, %xor3A_390 : vector<16xi32>
        %shift_left3A_392 = arith.constant 26 : i32
        %shift_left3A_393 = vector.broadcast %shift_left3A_392 : i32 to vector<16xi32>
        %shift_left3A_394 = arith.shli %xor3A_390, %shift_left3A_393 : vector<16xi32>
        %shift_right_logical3A_395 = arith.constant 6 : i32
        %shift_right_logical3A_396 = vector.broadcast %shift_right_logical3A_395 : i32 to vector<16xi32>
        %shift_right_logical3A_397 = arith.shrui %xor3A_390, %shift_right_logical3A_396 : vector<16xi32>
        %or3A_398 = arith.ori %shift_left3A_394, %shift_right_logical3A_397 : vector<16xi32>
        %xor3A_399 = arith.xori %or3A_398, %add3A_391 : vector<16xi32>
        %add3A_400 = arith.addi %add3A_391, %xor3A_399 : vector<16xi32>
        %shift_left3A_401 = arith.constant 6 : i32
        %shift_left3A_402 = vector.broadcast %shift_left3A_401 : i32 to vector<16xi32>
        %shift_left3A_403 = arith.shli %xor3A_399, %shift_left3A_402 : vector<16xi32>
        %shift_right_logical3A_404 = arith.constant 26 : i32
        %shift_right_logical3A_405 = vector.broadcast %shift_right_logical3A_404 : i32 to vector<16xi32>
        %shift_right_logical3A_406 = arith.shrui %xor3A_399, %shift_right_logical3A_405 : vector<16xi32>
        %or3A_407 = arith.ori %shift_left3A_403, %shift_right_logical3A_406 : vector<16xi32>
        %xor3A_408 = arith.xori %or3A_407, %add3A_400 : vector<16xi32>
        %add3A_409 = arith.constant 0 : i32
        %add3A_410 = vector.broadcast %add3A_409 : i32 to vector<16xi32>
        %add3A_411 = arith.addi %add3A_400, %add3A_410 : vector<16xi32>
        %add3A_412 = arith.constant 42 : i32
        %add3A_413 = vector.broadcast %add3A_412 : i32 to vector<16xi32>
        %add3A_414 = arith.addi %xor3A_408, %add3A_413 : vector<16xi32>
        %add3A_415 = arith.constant 3 : i32
        %add3A_416 = vector.broadcast %add3A_415 : i32 to vector<16xi32>
        %add3A_417 = arith.addi %add3A_414, %add3A_416 : vector<16xi32>
        %add3A_418 = arith.addi %add3A_411, %add3A_417 : vector<16xi32>
        %shift_left3A_419 = arith.constant 17 : i32
        %shift_left3A_420 = vector.broadcast %shift_left3A_419 : i32 to vector<16xi32>
        %shift_left3A_421 = arith.shli %add3A_417, %shift_left3A_420 : vector<16xi32>
        %shift_right_logical3A_422 = arith.constant 15 : i32
        %shift_right_logical3A_423 = vector.broadcast %shift_right_logical3A_422 : i32 to vector<16xi32>
        %shift_right_logical3A_424 = arith.shrui %add3A_417, %shift_right_logical3A_423 : vector<16xi32>
        %or3A_425 = arith.ori %shift_left3A_421, %shift_right_logical3A_424 : vector<16xi32>
        %xor3A_426 = arith.xori %or3A_425, %add3A_418 : vector<16xi32>
        %add3A_427 = arith.addi %add3A_418, %xor3A_426 : vector<16xi32>
        %shift_left3A_428 = arith.constant 29 : i32
        %shift_left3A_429 = vector.broadcast %shift_left3A_428 : i32 to vector<16xi32>
        %shift_left3A_430 = arith.shli %xor3A_426, %shift_left3A_429 : vector<16xi32>
        %shift_right_logical3A_431 = arith.constant 3 : i32
        %shift_right_logical3A_432 = vector.broadcast %shift_right_logical3A_431 : i32 to vector<16xi32>
        %shift_right_logical3A_433 = arith.shrui %xor3A_426, %shift_right_logical3A_432 : vector<16xi32>
        %or3A_434 = arith.ori %shift_left3A_430, %shift_right_logical3A_433 : vector<16xi32>
        %xor3A_435 = arith.xori %or3A_434, %add3A_427 : vector<16xi32>
        %add3A_436 = arith.addi %add3A_427, %xor3A_435 : vector<16xi32>
        %shift_left3A_437 = arith.constant 16 : i32
        %shift_left3A_438 = vector.broadcast %shift_left3A_437 : i32 to vector<16xi32>
        %shift_left3A_439 = arith.shli %xor3A_435, %shift_left3A_438 : vector<16xi32>
        %shift_right_logical3A_440 = arith.constant 16 : i32
        %shift_right_logical3A_441 = vector.broadcast %shift_right_logical3A_440 : i32 to vector<16xi32>
        %shift_right_logical3A_442 = arith.shrui %xor3A_435, %shift_right_logical3A_441 : vector<16xi32>
        %or3A_443 = arith.ori %shift_left3A_439, %shift_right_logical3A_442 : vector<16xi32>
        %xor3A_444 = arith.xori %or3A_443, %add3A_436 : vector<16xi32>
        %add3A_445 = arith.addi %add3A_436, %xor3A_444 : vector<16xi32>
        %shift_left3A_446 = arith.constant 24 : i32
        %shift_left3A_447 = vector.broadcast %shift_left3A_446 : i32 to vector<16xi32>
        %shift_left3A_448 = arith.shli %xor3A_444, %shift_left3A_447 : vector<16xi32>
        %shift_right_logical3A_449 = arith.constant 8 : i32
        %shift_right_logical3A_450 = vector.broadcast %shift_right_logical3A_449 : i32 to vector<16xi32>
        %shift_right_logical3A_451 = arith.shrui %xor3A_444, %shift_right_logical3A_450 : vector<16xi32>
        %or3A_452 = arith.ori %shift_left3A_448, %shift_right_logical3A_451 : vector<16xi32>
        %xor3A_453 = arith.xori %or3A_452, %add3A_445 : vector<16xi32>
        %add3A_454 = arith.constant 42 : i32
        %add3A_455 = vector.broadcast %add3A_454 : i32 to vector<16xi32>
        %add3A_456 = arith.addi %add3A_445, %add3A_455 : vector<16xi32>
        %add3A_457 = vector.broadcast %xor3A_282 : i32 to vector<16xi32>
        %add3A_458 = arith.addi %xor3A_453, %add3A_457 : vector<16xi32>
        %add3A_459 = arith.constant 4 : i32
        %add3A_460 = vector.broadcast %add3A_459 : i32 to vector<16xi32>
        %add3A_461 = arith.addi %add3A_458, %add3A_460 : vector<16xi32>
        %add3A_462 = arith.addi %add3A_456, %add3A_461 : vector<16xi32>
        %shift_left3A_463 = arith.constant 13 : i32
        %shift_left3A_464 = vector.broadcast %shift_left3A_463 : i32 to vector<16xi32>
        %shift_left3A_465 = arith.shli %add3A_461, %shift_left3A_464 : vector<16xi32>
        %shift_right_logical3A_466 = arith.constant 19 : i32
        %shift_right_logical3A_467 = vector.broadcast %shift_right_logical3A_466 : i32 to vector<16xi32>
        %shift_right_logical3A_468 = arith.shrui %add3A_461, %shift_right_logical3A_467 : vector<16xi32>
        %or3A_469 = arith.ori %shift_left3A_465, %shift_right_logical3A_468 : vector<16xi32>
        %xor3A_470 = arith.xori %or3A_469, %add3A_462 : vector<16xi32>
        %add3A_471 = arith.addi %add3A_462, %xor3A_470 : vector<16xi32>
        %shift_left3A_472 = arith.constant 15 : i32
        %shift_left3A_473 = vector.broadcast %shift_left3A_472 : i32 to vector<16xi32>
        %shift_left3A_474 = arith.shli %xor3A_470, %shift_left3A_473 : vector<16xi32>
        %shift_right_logical3A_475 = arith.constant 17 : i32
        %shift_right_logical3A_476 = vector.broadcast %shift_right_logical3A_475 : i32 to vector<16xi32>
        %shift_right_logical3A_477 = arith.shrui %xor3A_470, %shift_right_logical3A_476 : vector<16xi32>
        %or3A_478 = arith.ori %shift_left3A_474, %shift_right_logical3A_477 : vector<16xi32>
        %xor3A_479 = arith.xori %or3A_478, %add3A_471 : vector<16xi32>
        %add3A_480 = arith.addi %add3A_471, %xor3A_479 : vector<16xi32>
        %shift_left3A_481 = arith.constant 26 : i32
        %shift_left3A_482 = vector.broadcast %shift_left3A_481 : i32 to vector<16xi32>
        %shift_left3A_483 = arith.shli %xor3A_479, %shift_left3A_482 : vector<16xi32>
        %shift_right_logical3A_484 = arith.constant 6 : i32
        %shift_right_logical3A_485 = vector.broadcast %shift_right_logical3A_484 : i32 to vector<16xi32>
        %shift_right_logical3A_486 = arith.shrui %xor3A_479, %shift_right_logical3A_485 : vector<16xi32>
        %or3A_487 = arith.ori %shift_left3A_483, %shift_right_logical3A_486 : vector<16xi32>
        %xor3A_488 = arith.xori %or3A_487, %add3A_480 : vector<16xi32>
        %add3A_489 = arith.addi %add3A_480, %xor3A_488 : vector<16xi32>
        %shift_left3A_490 = arith.constant 6 : i32
        %shift_left3A_491 = vector.broadcast %shift_left3A_490 : i32 to vector<16xi32>
        %shift_left3A_492 = arith.shli %xor3A_488, %shift_left3A_491 : vector<16xi32>
        %shift_right_logical3A_493 = arith.constant 26 : i32
        %shift_right_logical3A_494 = vector.broadcast %shift_right_logical3A_493 : i32 to vector<16xi32>
        %shift_right_logical3A_495 = arith.shrui %xor3A_488, %shift_right_logical3A_494 : vector<16xi32>
        %or3A_496 = arith.ori %shift_left3A_492, %shift_right_logical3A_495 : vector<16xi32>
        %xor3A_497 = arith.xori %or3A_496, %add3A_489 : vector<16xi32>
        %add3A_498 = vector.broadcast %xor3A_282 : i32 to vector<16xi32>
        %add3A_499 = arith.addi %add3A_489, %add3A_498 : vector<16xi32>
        %add3A_500 = arith.constant 0 : i32
        %add3A_501 = vector.broadcast %add3A_500 : i32 to vector<16xi32>
        %add3A_502 = arith.addi %xor3A_497, %add3A_501 : vector<16xi32>
        %add3A_503 = arith.constant 5 : i32
        %add3A_504 = vector.broadcast %add3A_503 : i32 to vector<16xi32>
        %add3A_505 = arith.addi %add3A_502, %add3A_504 : vector<16xi32>
        %xor3A_506 = arith.xori %add3A_499, %add3A_505 : vector<16xi32>
        %shift_right_logical3A_507 = arith.constant 9 : i32
        %shift_right_logical3A_508 = vector.broadcast %shift_right_logical3A_507 : i32 to vector<16xi32>
        %shift_right_logical3A_509 = arith.shrui %xor3A_506, %shift_right_logical3A_508 : vector<16xi32>
        %or3A_510 = arith.constant 1065353216 : i32
        %or3A_511 = vector.broadcast %or3A_510 : i32 to vector<16xi32>
        %or3A_512 = arith.ori %shift_right_logical3A_509, %or3A_511 : vector<16xi32>
        %bitcast_convert_type3A_513 = tpu.bitcast %or3A_512 : vector<16xi32> -> vector<16xf32>
        %sub3A_514 = arith.constant 1.000000e+00 : f32
        %sub3A_515 = vector.broadcast %sub3A_514 : f32 to vector<16xf32>
        %sub3A_516 = arith.subf %bitcast_convert_type3A_513, %sub3A_515 : vector<16xf32>
        %mul3A_517 = arith.constant 128 : i32
        %mul3A_518 = arith.muli %scan3A_18, %mul3A_517 : i32
        %add3A_519 = arith.constant 16 : i32
        %add3A_520 = arith.addi %mul3A_518, %add3A_519 : i32
        %swap3A_521 = arith.index_cast %add3A_520 : i32 to index
        %swap3A_522 = tpu.vector_load %arg3[%swap3A_521] {strides = array<i32>} : memref<4096xf32, #tpu.memory_space<vmem>>, vector<16xf32>,
        %swap3A_523 = vector.shape_cast %swap3A_522 : vector<16xf32> to vector<16xf32>
        %swap3A_524 = vector.shape_cast %sub3A_516 : vector<16xf32> to vector<16xf32>
        tpu.vector_store %arg3[%swap3A_521], %swap3A_524 {strides = array<i32>} : memref<4096xf32, #tpu.memory_space<vmem>>, vector<16xf32>,
        %mul3A_525 = arith.constant 128 : i32
        %mul3A_526 = arith.muli %scan3A_18, %mul3A_525 : i32
        %add3A_527 = arith.addi %add3A_11, %mul3A_526 : i32
        %add3A_528 = arith.constant 32 : i32
        %add3A_529 = arith.addi %add3A_527, %add3A_528 : i32
        %iota3A_530 = tpu.iota {dimensions = array<i32: 0>} : vector<16xi32>
        %add3A_531 = arith.constant 5767168 : i32
        %add3A_532 = arith.addi %add3A_531, %add3A_529 : i32
        %add3A_533 = vector.broadcast %add3A_532 : i32 to vector<16xi32>
        %add3A_534 = arith.addi %iota3A_530, %add3A_533 : vector<16xi32>
        %xor3A_535 = arith.constant 466688986 : i32
        %xor3A_536 = arith.constant 0 : i32
        %xor3A_537 = arith.xori %xor3A_535, %xor3A_536 : i32
        %xor3A_538 = arith.constant 42 : i32
        %xor3A_539 = arith.xori %xor3A_537, %xor3A_538 : i32
        %add3A_540 = arith.constant 42 : i32
        %add3A_541 = vector.broadcast %add3A_540 : i32 to vector<16xi32>
        %add3A_542 = arith.addi %add3A_534, %add3A_541 : vector<16xi32>
        %shift_left3A_543 = arith.constant 13 : i32
        %shift_left3A_544 = vector.broadcast %shift_left3A_543 : i32 to vector<16xi32>
        %shift_left3A_545 = arith.shli %add3A_542, %shift_left3A_544 : vector<16xi32>
        %shift_right_logical3A_546 = arith.constant 19 : i32
        %shift_right_logical3A_547 = vector.broadcast %shift_right_logical3A_546 : i32 to vector<16xi32>
        %shift_right_logical3A_548 = arith.shrui %add3A_542, %shift_right_logical3A_547 : vector<16xi32>
        %or3A_549 = arith.ori %shift_left3A_545, %shift_right_logical3A_548 : vector<16xi32>
        %xor3A_550 = arith.xori %or3A_549, %add3A_542 : vector<16xi32>
        %add3A_551 = arith.addi %add3A_542, %xor3A_550 : vector<16xi32>
        %shift_left3A_552 = arith.constant 15 : i32
        %shift_left3A_553 = vector.broadcast %shift_left3A_552 : i32 to vector<16xi32>
        %shift_left3A_554 = arith.shli %xor3A_550, %shift_left3A_553 : vector<16xi32>
        %shift_right_logical3A_555 = arith.constant 17 : i32
        %shift_right_logical3A_556 = vector.broadcast %shift_right_logical3A_555 : i32 to vector<16xi32>
        %shift_right_logical3A_557 = arith.shrui %xor3A_550, %shift_right_logical3A_556 : vector<16xi32>
        %or3A_558 = arith.ori %shift_left3A_554, %shift_right_logical3A_557 : vector<16xi32>
        %xor3A_559 = arith.xori %or3A_558, %add3A_551 : vector<16xi32>
        %add3A_560 = arith.addi %add3A_551, %xor3A_559 : vector<16xi32>
        %shift_left3A_561 = arith.constant 26 : i32
        %shift_left3A_562 = vector.broadcast %shift_left3A_561 : i32 to vector<16xi32>
        %shift_left3A_563 = arith.shli %xor3A_559, %shift_left3A_562 : vector<16xi32>
        %shift_right_logical3A_564 = arith.constant 6 : i32
        %shift_right_logical3A_565 = vector.broadcast %shift_right_logical3A_564 : i32 to vector<16xi32>
        %shift_right_logical3A_566 = arith.shrui %xor3A_559, %shift_right_logical3A_565 : vector<16xi32>
        %or3A_567 = arith.ori %shift_left3A_563, %shift_right_logical3A_566 : vector<16xi32>
        %xor3A_568 = arith.xori %or3A_567, %add3A_560 : vector<16xi32>
        %add3A_569 = arith.addi %add3A_560, %xor3A_568 : vector<16xi32>
        %shift_left3A_570 = arith.constant 6 : i32
        %shift_left3A_571 = vector.broadcast %shift_left3A_570 : i32 to vector<16xi32>
        %shift_left3A_572 = arith.shli %xor3A_568, %shift_left3A_571 : vector<16xi32>
        %shift_right_logical3A_573 = arith.constant 26 : i32
        %shift_right_logical3A_574 = vector.broadcast %shift_right_logical3A_573 : i32 to vector<16xi32>
        %shift_right_logical3A_575 = arith.shrui %xor3A_568, %shift_right_logical3A_574 : vector<16xi32>
        %or3A_576 = arith.ori %shift_left3A_572, %shift_right_logical3A_575 : vector<16xi32>
        %xor3A_577 = arith.xori %or3A_576, %add3A_569 : vector<16xi32>
        %add3A_578 = arith.constant 42 : i32
        %add3A_579 = vector.broadcast %add3A_578 : i32 to vector<16xi32>
        %add3A_580 = arith.addi %add3A_569, %add3A_579 : vector<16xi32>
        %add3A_581 = vector.broadcast %xor3A_539 : i32 to vector<16xi32>
        %add3A_582 = arith.addi %xor3A_577, %add3A_581 : vector<16xi32>
        %add3A_583 = arith.constant 1 : i32
        %add3A_584 = vector.broadcast %add3A_583 : i32 to vector<16xi32>
        %add3A_585 = arith.addi %add3A_582, %add3A_584 : vector<16xi32>
        %add3A_586 = arith.addi %add3A_580, %add3A_585 : vector<16xi32>
        %shift_left3A_587 = arith.constant 17 : i32
        %shift_left3A_588 = vector.broadcast %shift_left3A_587 : i32 to vector<16xi32>
        %shift_left3A_589 = arith.shli %add3A_585, %shift_left3A_588 : vector<16xi32>
        %shift_right_logical3A_590 = arith.constant 15 : i32
        %shift_right_logical3A_591 = vector.broadcast %shift_right_logical3A_590 : i32 to vector<16xi32>
        %shift_right_logical3A_592 = arith.shrui %add3A_585, %shift_right_logical3A_591 : vector<16xi32>
        %or3A_593 = arith.ori %shift_left3A_589, %shift_right_logical3A_592 : vector<16xi32>
        %xor3A_594 = arith.xori %or3A_593, %add3A_586 : vector<16xi32>
        %add3A_595 = arith.addi %add3A_586, %xor3A_594 : vector<16xi32>
        %shift_left3A_596 = arith.constant 29 : i32
        %shift_left3A_597 = vector.broadcast %shift_left3A_596 : i32 to vector<16xi32>
        %shift_left3A_598 = arith.shli %xor3A_594, %shift_left3A_597 : vector<16xi32>
        %shift_right_logical3A_599 = arith.constant 3 : i32
        %shift_right_logical3A_600 = vector.broadcast %shift_right_logical3A_599 : i32 to vector<16xi32>
        %shift_right_logical3A_601 = arith.shrui %xor3A_594, %shift_right_logical3A_600 : vector<16xi32>
        %or3A_602 = arith.ori %shift_left3A_598, %shift_right_logical3A_601 : vector<16xi32>
        %xor3A_603 = arith.xori %or3A_602, %add3A_595 : vector<16xi32>
        %add3A_604 = arith.addi %add3A_595, %xor3A_603 : vector<16xi32>
        %shift_left3A_605 = arith.constant 16 : i32
        %shift_left3A_606 = vector.broadcast %shift_left3A_605 : i32 to vector<16xi32>
        %shift_left3A_607 = arith.shli %xor3A_603, %shift_left3A_606 : vector<16xi32>
        %shift_right_logical3A_608 = arith.constant 16 : i32
        %shift_right_logical3A_609 = vector.broadcast %shift_right_logical3A_608 : i32 to vector<16xi32>
        %shift_right_logical3A_610 = arith.shrui %xor3A_603, %shift_right_logical3A_609 : vector<16xi32>
        %or3A_611 = arith.ori %shift_left3A_607, %shift_right_logical3A_610 : vector<16xi32>
        %xor3A_612 = arith.xori %or3A_611, %add3A_604 : vector<16xi32>
        %add3A_613 = arith.addi %add3A_604, %xor3A_612 : vector<16xi32>
        %shift_left3A_614 = arith.constant 24 : i32
        %shift_left3A_615 = vector.broadcast %shift_left3A_614 : i32 to vector<16xi32>
        %shift_left3A_616 = arith.shli %xor3A_612, %shift_left3A_615 : vector<16xi32>
        %shift_right_logical3A_617 = arith.constant 8 : i32
        %shift_right_logical3A_618 = vector.broadcast %shift_right_logical3A_617 : i32 to vector<16xi32>
        %shift_right_logical3A_619 = arith.shrui %xor3A_612, %shift_right_logical3A_618 : vector<16xi32>
        %or3A_620 = arith.ori %shift_left3A_616, %shift_right_logical3A_619 : vector<16xi32>
        %xor3A_621 = arith.xori %or3A_620, %add3A_613 : vector<16xi32>
        %add3A_622 = vector.broadcast %xor3A_539 : i32 to vector<16xi32>
        %add3A_623 = arith.addi %add3A_613, %add3A_622 : vector<16xi32>
        %add3A_624 = arith.constant 0 : i32
        %add3A_625 = vector.broadcast %add3A_624 : i32 to vector<16xi32>
        %add3A_626 = arith.addi %xor3A_621, %add3A_625 : vector<16xi32>
        %add3A_627 = arith.constant 2 : i32
        %add3A_628 = vector.broadcast %add3A_627 : i32 to vector<16xi32>
        %add3A_629 = arith.addi %add3A_626, %add3A_628 : vector<16xi32>
        %add3A_630 = arith.addi %add3A_623, %add3A_629 : vector<16xi32>
        %shift_left3A_631 = arith.constant 13 : i32
        %shift_left3A_632 = vector.broadcast %shift_left3A_631 : i32 to vector<16xi32>
        %shift_left3A_633 = arith.shli %add3A_629, %shift_left3A_632 : vector<16xi32>
        %shift_right_logical3A_634 = arith.constant 19 : i32
        %shift_right_logical3A_635 = vector.broadcast %shift_right_logical3A_634 : i32 to vector<16xi32>
        %shift_right_logical3A_636 = arith.shrui %add3A_629, %shift_right_logical3A_635 : vector<16xi32>
        %or3A_637 = arith.ori %shift_left3A_633, %shift_right_logical3A_636 : vector<16xi32>
        %xor3A_638 = arith.xori %or3A_637, %add3A_630 : vector<16xi32>
        %add3A_639 = arith.addi %add3A_630, %xor3A_638 : vector<16xi32>
        %shift_left3A_640 = arith.constant 15 : i32
        %shift_left3A_641 = vector.broadcast %shift_left3A_640 : i32 to vector<16xi32>
        %shift_left3A_642 = arith.shli %xor3A_638, %shift_left3A_641 : vector<16xi32>
        %shift_right_logical3A_643 = arith.constant 17 : i32
        %shift_right_logical3A_644 = vector.broadcast %shift_right_logical3A_643 : i32 to vector<16xi32>
        %shift_right_logical3A_645 = arith.shrui %xor3A_638, %shift_right_logical3A_644 : vector<16xi32>
        %or3A_646 = arith.ori %shift_left3A_642, %shift_right_logical3A_645 : vector<16xi32>
        %xor3A_647 = arith.xori %or3A_646, %add3A_639 : vector<16xi32>
        %add3A_648 = arith.addi %add3A_639, %xor3A_647 : vector<16xi32>
        %shift_left3A_649 = arith.constant 26 : i32
        %shift_left3A_650 = vector.broadcast %shift_left3A_649 : i32 to vector<16xi32>
        %shift_left3A_651 = arith.shli %xor3A_647, %shift_left3A_650 : vector<16xi32>
        %shift_right_logical3A_652 = arith.constant 6 : i32
        %shift_right_logical3A_653 = vector.broadcast %shift_right_logical3A_652 : i32 to vector<16xi32>
        %shift_right_logical3A_654 = arith.shrui %xor3A_647, %shift_right_logical3A_653 : vector<16xi32>
        %or3A_655 = arith.ori %shift_left3A_651, %shift_right_logical3A_654 : vector<16xi32>
        %xor3A_656 = arith.xori %or3A_655, %add3A_648 : vector<16xi32>
        %add3A_657 = arith.addi %add3A_648, %xor3A_656 : vector<16xi32>
        %shift_left3A_658 = arith.constant 6 : i32
        %shift_left3A_659 = vector.broadcast %shift_left3A_658 : i32 to vector<16xi32>
        %shift_left3A_660 = arith.shli %xor3A_656, %shift_left3A_659 : vector<16xi32>
        %shift_right_logical3A_661 = arith.constant 26 : i32
        %shift_right_logical3A_662 = vector.broadcast %shift_right_logical3A_661 : i32 to vector<16xi32>
        %shift_right_logical3A_663 = arith.shrui %xor3A_656, %shift_right_logical3A_662 : vector<16xi32>
        %or3A_664 = arith.ori %shift_left3A_660, %shift_right_logical3A_663 : vector<16xi32>
        %xor3A_665 = arith.xori %or3A_664, %add3A_657 : vector<16xi32>
        %add3A_666 = arith.constant 0 : i32
        %add3A_667 = vector.broadcast %add3A_666 : i32 to vector<16xi32>
        %add3A_668 = arith.addi %add3A_657, %add3A_667 : vector<16xi32>
        %add3A_669 = arith.constant 42 : i32
        %add3A_670 = vector.broadcast %add3A_669 : i32 to vector<16xi32>
        %add3A_671 = arith.addi %xor3A_665, %add3A_670 : vector<16xi32>
        %add3A_672 = arith.constant 3 : i32
        %add3A_673 = vector.broadcast %add3A_672 : i32 to vector<16xi32>
        %add3A_674 = arith.addi %add3A_671, %add3A_673 : vector<16xi32>
        %add3A_675 = arith.addi %add3A_668, %add3A_674 : vector<16xi32>
        %shift_left3A_676 = arith.constant 17 : i32
        %shift_left3A_677 = vector.broadcast %shift_left3A_676 : i32 to vector<16xi32>
        %shift_left3A_678 = arith.shli %add3A_674, %shift_left3A_677 : vector<16xi32>
        %shift_right_logical3A_679 = arith.constant 15 : i32
        %shift_right_logical3A_680 = vector.broadcast %shift_right_logical3A_679 : i32 to vector<16xi32>
        %shift_right_logical3A_681 = arith.shrui %add3A_674, %shift_right_logical3A_680 : vector<16xi32>
        %or3A_682 = arith.ori %shift_left3A_678, %shift_right_logical3A_681 : vector<16xi32>
        %xor3A_683 = arith.xori %or3A_682, %add3A_675 : vector<16xi32>
        %add3A_684 = arith.addi %add3A_675, %xor3A_683 : vector<16xi32>
        %shift_left3A_685 = arith.constant 29 : i32
        %shift_left3A_686 = vector.broadcast %shift_left3A_685 : i32 to vector<16xi32>
        %shift_left3A_687 = arith.shli %xor3A_683, %shift_left3A_686 : vector<16xi32>
        %shift_right_logical3A_688 = arith.constant 3 : i32
        %shift_right_logical3A_689 = vector.broadcast %shift_right_logical3A_688 : i32 to vector<16xi32>
        %shift_right_logical3A_690 = arith.shrui %xor3A_683, %shift_right_logical3A_689 : vector<16xi32>
        %or3A_691 = arith.ori %shift_left3A_687, %shift_right_logical3A_690 : vector<16xi32>
        %xor3A_692 = arith.xori %or3A_691, %add3A_684 : vector<16xi32>
        %add3A_693 = arith.addi %add3A_684, %xor3A_692 : vector<16xi32>
        %shift_left3A_694 = arith.constant 16 : i32
        %shift_left3A_695 = vector.broadcast %shift_left3A_694 : i32 to vector<16xi32>
        %shift_left3A_696 = arith.shli %xor3A_692, %shift_left3A_695 : vector<16xi32>
        %shift_right_logical3A_697 = arith.constant 16 : i32
        %shift_right_logical3A_698 = vector.broadcast %shift_right_logical3A_697 : i32 to vector<16xi32>
        %shift_right_logical3A_699 = arith.shrui %xor3A_692, %shift_right_logical3A_698 : vector<16xi32>
        %or3A_700 = arith.ori %shift_left3A_696, %shift_right_logical3A_699 : vector<16xi32>
        %xor3A_701 = arith.xori %or3A_700, %add3A_693 : vector<16xi32>
        %add3A_702 = arith.addi %add3A_693, %xor3A_701 : vector<16xi32>
        %shift_left3A_703 = arith.constant 24 : i32
        %shift_left3A_704 = vector.broadcast %shift_left3A_703 : i32 to vector<16xi32>
        %shift_left3A_705 = arith.shli %xor3A_701, %shift_left3A_704 : vector<16xi32>
        %shift_right_logical3A_706 = arith.constant 8 : i32
        %shift_right_logical3A_707 = vector.broadcast %shift_right_logical3A_706 : i32 to vector<16xi32>
        %shift_right_logical3A_708 = arith.shrui %xor3A_701, %shift_right_logical3A_707 : vector<16xi32>
        %or3A_709 = arith.ori %shift_left3A_705, %shift_right_logical3A_708 : vector<16xi32>
        %xor3A_710 = arith.xori %or3A_709, %add3A_702 : vector<16xi32>
        %add3A_711 = arith.constant 42 : i32
        %add3A_712 = vector.broadcast %add3A_711 : i32 to vector<16xi32>
        %add3A_713 = arith.addi %add3A_702, %add3A_712 : vector<16xi32>
        %add3A_714 = vector.broadcast %xor3A_539 : i32 to vector<16xi32>
        %add3A_715 = arith.addi %xor3A_710, %add3A_714 : vector<16xi32>
        %add3A_716 = arith.constant 4 : i32
        %add3A_717 = vector.broadcast %add3A_716 : i32 to vector<16xi32>
        %add3A_718 = arith.addi %add3A_715, %add3A_717 : vector<16xi32>
        %add3A_719 = arith.addi %add3A_713, %add3A_718 : vector<16xi32>
        %shift_left3A_720 = arith.constant 13 : i32
        %shift_left3A_721 = vector.broadcast %shift_left3A_720 : i32 to vector<16xi32>
        %shift_left3A_722 = arith.shli %add3A_718, %shift_left3A_721 : vector<16xi32>
        %shift_right_logical3A_723 = arith.constant 19 : i32
        %shift_right_logical3A_724 = vector.broadcast %shift_right_logical3A_723 : i32 to vector<16xi32>
        %shift_right_logical3A_725 = arith.shrui %add3A_718, %shift_right_logical3A_724 : vector<16xi32>
        %or3A_726 = arith.ori %shift_left3A_722, %shift_right_logical3A_725 : vector<16xi32>
        %xor3A_727 = arith.xori %or3A_726, %add3A_719 : vector<16xi32>
        %add3A_728 = arith.addi %add3A_719, %xor3A_727 : vector<16xi32>
        %shift_left3A_729 = arith.constant 15 : i32
        %shift_left3A_730 = vector.broadcast %shift_left3A_729 : i32 to vector<16xi32>
        %shift_left3A_731 = arith.shli %xor3A_727, %shift_left3A_730 : vector<16xi32>
        %shift_right_logical3A_732 = arith.constant 17 : i32
        %shift_right_logical3A_733 = vector.broadcast %shift_right_logical3A_732 : i32 to vector<16xi32>
        %shift_right_logical3A_734 = arith.shrui %xor3A_727, %shift_right_logical3A_733 : vector<16xi32>
        %or3A_735 = arith.ori %shift_left3A_731, %shift_right_logical3A_734 : vector<16xi32>
        %xor3A_736 = arith.xori %or3A_735, %add3A_728 : vector<16xi32>
        %add3A_737 = arith.addi %add3A_728, %xor3A_736 : vector<16xi32>
        %shift_left3A_738 = arith.constant 26 : i32
        %shift_left3A_739 = vector.broadcast %shift_left3A_738 : i32 to vector<16xi32>
        %shift_left3A_740 = arith.shli %xor3A_736, %shift_left3A_739 : vector<16xi32>
        %shift_right_logical3A_741 = arith.constant 6 : i32
        %shift_right_logical3A_742 = vector.broadcast %shift_right_logical3A_741 : i32 to vector<16xi32>
        %shift_right_logical3A_743 = arith.shrui %xor3A_736, %shift_right_logical3A_742 : vector<16xi32>
        %or3A_744 = arith.ori %shift_left3A_740, %shift_right_logical3A_743 : vector<16xi32>
        %xor3A_745 = arith.xori %or3A_744, %add3A_737 : vector<16xi32>
        %add3A_746 = arith.addi %add3A_737, %xor3A_745 : vector<16xi32>
        %shift_left3A_747 = arith.constant 6 : i32
        %shift_left3A_748 = vector.broadcast %shift_left3A_747 : i32 to vector<16xi32>
        %shift_left3A_749 = arith.shli %xor3A_745, %shift_left3A_748 : vector<16xi32>
        %shift_right_logical3A_750 = arith.constant 26 : i32
        %shift_right_logical3A_751 = vector.broadcast %shift_right_logical3A_750 : i32 to vector<16xi32>
        %shift_right_logical3A_752 = arith.shrui %xor3A_745, %shift_right_logical3A_751 : vector<16xi32>
        %or3A_753 = arith.ori %shift_left3A_749, %shift_right_logical3A_752 : vector<16xi32>
        %xor3A_754 = arith.xori %or3A_753, %add3A_746 : vector<16xi32>
        %add3A_755 = vector.broadcast %xor3A_539 : i32 to vector<16xi32>
        %add3A_756 = arith.addi %add3A_746, %add3A_755 : vector<16xi32>
        %add3A_757 = arith.constant 0 : i32
        %add3A_758 = vector.broadcast %add3A_757 : i32 to vector<16xi32>
        %add3A_759 = arith.addi %xor3A_754, %add3A_758 : vector<16xi32>
        %add3A_760 = arith.constant 5 : i32
        %add3A_761 = vector.broadcast %add3A_760 : i32 to vector<16xi32>
        %add3A_762 = arith.addi %add3A_759, %add3A_761 : vector<16xi32>
        %xor3A_763 = arith.xori %add3A_756, %add3A_762 : vector<16xi32>
        %shift_right_logical3A_764 = arith.constant 9 : i32
        %shift_right_logical3A_765 = vector.broadcast %shift_right_logical3A_764 : i32 to vector<16xi32>
        %shift_right_logical3A_766 = arith.shrui %xor3A_763, %shift_right_logical3A_765 : vector<16xi32>
        %or3A_767 = arith.constant 1065353216 : i32
        %or3A_768 = vector.broadcast %or3A_767 : i32 to vector<16xi32>
        %or3A_769 = arith.ori %shift_right_logical3A_766, %or3A_768 : vector<16xi32>
        %bitcast_convert_type3A_770 = tpu.bitcast %or3A_769 : vector<16xi32> -> vector<16xf32>
        %sub3A_771 = arith.constant 1.000000e+00 : f32
        %sub3A_772 = vector.broadcast %sub3A_771 : f32 to vector<16xf32>
        %sub3A_773 = arith.subf %bitcast_convert_type3A_770, %sub3A_772 : vector<16xf32>
        %mul3A_774 = arith.constant 128 : i32
        %mul3A_775 = arith.muli %scan3A_18, %mul3A_774 : i32
        %add3A_776 = arith.constant 32 : i32
        %add3A_777 = arith.addi %mul3A_775, %add3A_776 : i32
        %swap3A_778 = arith.index_cast %add3A_777 : i32 to index
        %swap3A_779 = tpu.vector_load %arg3[%swap3A_778] {strides = array<i32>} : memref<4096xf32, #tpu.memory_space<vmem>>, vector<16xf32>,
        %swap3A_780 = vector.shape_cast %swap3A_779 : vector<16xf32> to vector<16xf32>
        %swap3A_781 = vector.shape_cast %sub3A_773 : vector<16xf32> to vector<16xf32>
        tpu.vector_store %arg3[%swap3A_778], %swap3A_781 {strides = array<i32>} : memref<4096xf32, #tpu.memory_space<vmem>>, vector<16xf32>,
        %mul3A_782 = arith.constant 128 : i32
        %mul3A_783 = arith.muli %scan3A_18, %mul3A_782 : i32
        %add3A_784 = arith.addi %add3A_11, %mul3A_783 : i32
        %add3A_785 = arith.constant 48 : i32
        %add3A_786 = arith.addi %add3A_784, %add3A_785 : i32
        %iota3A_787 = tpu.iota {dimensions = array<i32: 0>} : vector<16xi32>
        %add3A_788 = arith.constant 5767168 : i32
        %add3A_789 = arith.addi %add3A_788, %add3A_786 : i32
        %add3A_790 = vector.broadcast %add3A_789 : i32 to vector<16xi32>
        %add3A_791 = arith.addi %iota3A_787, %add3A_790 : vector<16xi32>
        %xor3A_792 = arith.constant 466688986 : i32
        %xor3A_793 = arith.constant 0 : i32
        %xor3A_794 = arith.xori %xor3A_792, %xor3A_793 : i32
        %xor3A_795 = arith.constant 42 : i32
        %xor3A_796 = arith.xori %xor3A_794, %xor3A_795 : i32
        %add3A_797 = arith.constant 42 : i32
        %add3A_798 = vector.broadcast %add3A_797 : i32 to vector<16xi32>
        %add3A_799 = arith.addi %add3A_791, %add3A_798 : vector<16xi32>
        %shift_left3A_800 = arith.constant 13 : i32
        %shift_left3A_801 = vector.broadcast %shift_left3A_800 : i32 to vector<16xi32>
        %shift_left3A_802 = arith.shli %add3A_799, %shift_left3A_801 : vector<16xi32>
        %shift_right_logical3A_803 = arith.constant 19 : i32
        %shift_right_logical3A_804 = vector.broadcast %shift_right_logical3A_803 : i32 to vector<16xi32>
        %shift_right_logical3A_805 = arith.shrui %add3A_799, %shift_right_logical3A_804 : vector<16xi32>
        %or3A_806 = arith.ori %shift_left3A_802, %shift_right_logical3A_805 : vector<16xi32>
        %xor3A_807 = arith.xori %or3A_806, %add3A_799 : vector<16xi32>
        %add3A_808 = arith.addi %add3A_799, %xor3A_807 : vector<16xi32>
        %shift_left3A_809 = arith.constant 15 : i32
        %shift_left3A_810 = vector.broadcast %shift_left3A_809 : i32 to vector<16xi32>
        %shift_left3A_811 = arith.shli %xor3A_807, %shift_left3A_810 : vector<16xi32>
        %shift_right_logical3A_812 = arith.constant 17 : i32
        %shift_right_logical3A_813 = vector.broadcast %shift_right_logical3A_812 : i32 to vector<16xi32>
        %shift_right_logical3A_814 = arith.shrui %xor3A_807, %shift_right_logical3A_813 : vector<16xi32>
        %or3A_815 = arith.ori %shift_left3A_811, %shift_right_logical3A_814 : vector<16xi32>
        %xor3A_816 = arith.xori %or3A_815, %add3A_808 : vector<16xi32>
        %add3A_817 = arith.addi %add3A_808, %xor3A_816 : vector<16xi32>
        %shift_left3A_818 = arith.constant 26 : i32
        %shift_left3A_819 = vector.broadcast %shift_left3A_818 : i32 to vector<16xi32>
        %shift_left3A_820 = arith.shli %xor3A_816, %shift_left3A_819 : vector<16xi32>
        %shift_right_logical3A_821 = arith.constant 6 : i32
        %shift_right_logical3A_822 = vector.broadcast %shift_right_logical3A_821 : i32 to vector<16xi32>
        %shift_right_logical3A_823 = arith.shrui %xor3A_816, %shift_right_logical3A_822 : vector<16xi32>
        %or3A_824 = arith.ori %shift_left3A_820, %shift_right_logical3A_823 : vector<16xi32>
        %xor3A_825 = arith.xori %or3A_824, %add3A_817 : vector<16xi32>
        %add3A_826 = arith.addi %add3A_817, %xor3A_825 : vector<16xi32>
        %shift_left3A_827 = arith.constant 6 : i32
        %shift_left3A_828 = vector.broadcast %shift_left3A_827 : i32 to vector<16xi32>
        %shift_left3A_829 = arith.shli %xor3A_825, %shift_left3A_828 : vector<16xi32>
        %shift_right_logical3A_830 = arith.constant 26 : i32
        %shift_right_logical3A_831 = vector.broadcast %shift_right_logical3A_830 : i32 to vector<16xi32>
        %shift_right_logical3A_832 = arith.shrui %xor3A_825, %shift_right_logical3A_831 : vector<16xi32>
        %or3A_833 = arith.ori %shift_left3A_829, %shift_right_logical3A_832 : vector<16xi32>
        %xor3A_834 = arith.xori %or3A_833, %add3A_826 : vector<16xi32>
        %add3A_835 = arith.constant 42 : i32
        %add3A_836 = vector.broadcast %add3A_835 : i32 to vector<16xi32>
        %add3A_837 = arith.addi %add3A_826, %add3A_836 : vector<16xi32>
        %add3A_838 = vector.broadcast %xor3A_796 : i32 to vector<16xi32>
        %add3A_839 = arith.addi %xor3A_834, %add3A_838 : vector<16xi32>
        %add3A_840 = arith.constant 1 : i32
        %add3A_841 = vector.broadcast %add3A_840 : i32 to vector<16xi32>
        %add3A_842 = arith.addi %add3A_839, %add3A_841 : vector<16xi32>
        %add3A_843 = arith.addi %add3A_837, %add3A_842 : vector<16xi32>
        %shift_left3A_844 = arith.constant 17 : i32
        %shift_left3A_845 = vector.broadcast %shift_left3A_844 : i32 to vector<16xi32>
        %shift_left3A_846 = arith.shli %add3A_842, %shift_left3A_845 : vector<16xi32>
        %shift_right_logical3A_847 = arith.constant 15 : i32
        %shift_right_logical3A_848 = vector.broadcast %shift_right_logical3A_847 : i32 to vector<16xi32>
        %shift_right_logical3A_849 = arith.shrui %add3A_842, %shift_right_logical3A_848 : vector<16xi32>
        %or3A_850 = arith.ori %shift_left3A_846, %shift_right_logical3A_849 : vector<16xi32>
        %xor3A_851 = arith.xori %or3A_850, %add3A_843 : vector<16xi32>
        %add3A_852 = arith.addi %add3A_843, %xor3A_851 : vector<16xi32>
        %shift_left3A_853 = arith.constant 29 : i32
        %shift_left3A_854 = vector.broadcast %shift_left3A_853 : i32 to vector<16xi32>
        %shift_left3A_855 = arith.shli %xor3A_851, %shift_left3A_854 : vector<16xi32>
        %shift_right_logical3A_856 = arith.constant 3 : i32
        %shift_right_logical3A_857 = vector.broadcast %shift_right_logical3A_856 : i32 to vector<16xi32>
        %shift_right_logical3A_858 = arith.shrui %xor3A_851, %shift_right_logical3A_857 : vector<16xi32>
        %or3A_859 = arith.ori %shift_left3A_855, %shift_right_logical3A_858 : vector<16xi32>
        %xor3A_860 = arith.xori %or3A_859, %add3A_852 : vector<16xi32>
        %add3A_861 = arith.addi %add3A_852, %xor3A_860 : vector<16xi32>
        %shift_left3A_862 = arith.constant 16 : i32
        %shift_left3A_863 = vector.broadcast %shift_left3A_862 : i32 to vector<16xi32>
        %shift_left3A_864 = arith.shli %xor3A_860, %shift_left3A_863 : vector<16xi32>
        %shift_right_logical3A_865 = arith.constant 16 : i32
        %shift_right_logical3A_866 = vector.broadcast %shift_right_logical3A_865 : i32 to vector<16xi32>
        %shift_right_logical3A_867 = arith.shrui %xor3A_860, %shift_right_logical3A_866 : vector<16xi32>
        %or3A_868 = arith.ori %shift_left3A_864, %shift_right_logical3A_867 : vector<16xi32>
        %xor3A_869 = arith.xori %or3A_868, %add3A_861 : vector<16xi32>
        %add3A_870 = arith.addi %add3A_861, %xor3A_869 : vector<16xi32>
        %shift_left3A_871 = arith.constant 24 : i32
        %shift_left3A_872 = vector.broadcast %shift_left3A_871 : i32 to vector<16xi32>
        %shift_left3A_873 = arith.shli %xor3A_869, %shift_left3A_872 : vector<16xi32>
        %shift_right_logical3A_874 = arith.constant 8 : i32
        %shift_right_logical3A_875 = vector.broadcast %shift_right_logical3A_874 : i32 to vector<16xi32>
        %shift_right_logical3A_876 = arith.shrui %xor3A_869, %shift_right_logical3A_875 : vector<16xi32>
        %or3A_877 = arith.ori %shift_left3A_873, %shift_right_logical3A_876 : vector<16xi32>
        %xor3A_878 = arith.xori %or3A_877, %add3A_870 : vector<16xi32>
        %add3A_879 = vector.broadcast %xor3A_796 : i32 to vector<16xi32>
        %add3A_880 = arith.addi %add3A_870, %add3A_879 : vector<16xi32>
        %add3A_881 = arith.constant 0 : i32
        %add3A_882 = vector.broadcast %add3A_881 : i32 to vector<16xi32>
        %add3A_883 = arith.addi %xor3A_878, %add3A_882 : vector<16xi32>
        %add3A_884 = arith.constant 2 : i32
        %add3A_885 = vector.broadcast %add3A_884 : i32 to vector<16xi32>
        %add3A_886 = arith.addi %add3A_883, %add3A_885 : vector<16xi32>
        %add3A_887 = arith.addi %add3A_880, %add3A_886 : vector<16xi32>
        %shift_left3A_888 = arith.constant 13 : i32
        %shift_left3A_889 = vector.broadcast %shift_left3A_888 : i32 to vector<16xi32>
        %shift_left3A_890 = arith.shli %add3A_886, %shift_left3A_889 : vector<16xi32>
        %shift_right_logical3A_891 = arith.constant 19 : i32
        %shift_right_logical3A_892 = vector.broadcast %shift_right_logical3A_891 : i32 to vector<16xi32>
        %shift_right_logical3A_893 = arith.shrui %add3A_886, %shift_right_logical3A_892 : vector<16xi32>
        %or3A_894 = arith.ori %shift_left3A_890, %shift_right_logical3A_893 : vector<16xi32>
        %xor3A_895 = arith.xori %or3A_894, %add3A_887 : vector<16xi32>
        %add3A_896 = arith.addi %add3A_887, %xor3A_895 : vector<16xi32>
        %shift_left3A_897 = arith.constant 15 : i32
        %shift_left3A_898 = vector.broadcast %shift_left3A_897 : i32 to vector<16xi32>
        %shift_left3A_899 = arith.shli %xor3A_895, %shift_left3A_898 : vector<16xi32>
        %shift_right_logical3A_900 = arith.constant 17 : i32
        %shift_right_logical3A_901 = vector.broadcast %shift_right_logical3A_900 : i32 to vector<16xi32>
        %shift_right_logical3A_902 = arith.shrui %xor3A_895, %shift_right_logical3A_901 : vector<16xi32>
        %or3A_903 = arith.ori %shift_left3A_899, %shift_right_logical3A_902 : vector<16xi32>
        %xor3A_904 = arith.xori %or3A_903, %add3A_896 : vector<16xi32>
        %add3A_905 = arith.addi %add3A_896, %xor3A_904 : vector<16xi32>
        %shift_left3A_906 = arith.constant 26 : i32
        %shift_left3A_907 = vector.broadcast %shift_left3A_906 : i32 to vector<16xi32>
        %shift_left3A_908 = arith.shli %xor3A_904, %shift_left3A_907 : vector<16xi32>
        %shift_right_logical3A_909 = arith.constant 6 : i32
        %shift_right_logical3A_910 = vector.broadcast %shift_right_logical3A_909 : i32 to vector<16xi32>
        %shift_right_logical3A_911 = arith.shrui %xor3A_904, %shift_right_logical3A_910 : vector<16xi32>
        %or3A_912 = arith.ori %shift_left3A_908, %shift_right_logical3A_911 : vector<16xi32>
        %xor3A_913 = arith.xori %or3A_912, %add3A_905 : vector<16xi32>
        %add3A_914 = arith.addi %add3A_905, %xor3A_913 : vector<16xi32>
        %shift_left3A_915 = arith.constant 6 : i32
        %shift_left3A_916 = vector.broadcast %shift_left3A_915 : i32 to vector<16xi32>
        %shift_left3A_917 = arith.shli %xor3A_913, %shift_left3A_916 : vector<16xi32>
        %shift_right_logical3A_918 = arith.constant 26 : i32
        %shift_right_logical3A_919 = vector.broadcast %shift_right_logical3A_918 : i32 to vector<16xi32>
        %shift_right_logical3A_920 = arith.shrui %xor3A_913, %shift_right_logical3A_919 : vector<16xi32>
        %or3A_921 = arith.ori %shift_left3A_917, %shift_right_logical3A_920 : vector<16xi32>
        %xor3A_922 = arith.xori %or3A_921, %add3A_914 : vector<16xi32>
        %add3A_923 = arith.constant 0 : i32
        %add3A_924 = vector.broadcast %add3A_923 : i32 to vector<16xi32>
        %add3A_925 = arith.addi %add3A_914, %add3A_924 : vector<16xi32>
        %add3A_926 = arith.constant 42 : i32
        %add3A_927 = vector.broadcast %add3A_926 : i32 to vector<16xi32>
        %add3A_928 = arith.addi %xor3A_922, %add3A_927 : vector<16xi32>
        %add3A_929 = arith.constant 3 : i32
        %add3A_930 = vector.broadcast %add3A_929 : i32 to vector<16xi32>
        %add3A_931 = arith.addi %add3A_928, %add3A_930 : vector<16xi32>
        %add3A_932 = arith.addi %add3A_925, %add3A_931 : vector<16xi32>
        %shift_left3A_933 = arith.constant 17 : i32
        %shift_left3A_934 = vector.broadcast %shift_left3A_933 : i32 to vector<16xi32>
        %shift_left3A_935 = arith.shli %add3A_931, %shift_left3A_934 : vector<16xi32>
        %shift_right_logical3A_936 = arith.constant 15 : i32
        %shift_right_logical3A_937 = vector.broadcast %shift_right_logical3A_936 : i32 to vector<16xi32>
        %shift_right_logical3A_938 = arith.shrui %add3A_931, %shift_right_logical3A_937 : vector<16xi32>
        %or3A_939 = arith.ori %shift_left3A_935, %shift_right_logical3A_938 : vector<16xi32>
        %xor3A_940 = arith.xori %or3A_939, %add3A_932 : vector<16xi32>
        %add3A_941 = arith.addi %add3A_932, %xor3A_940 : vector<16xi32>
        %shift_left3A_942 = arith.constant 29 : i32
        %shift_left3A_943 = vector.broadcast %shift_left3A_942 : i32 to vector<16xi32>
        %shift_left3A_944 = arith.shli %xor3A_940, %shift_left3A_943 : vector<16xi32>
        %shift_right_logical3A_945 = arith.constant 3 : i32
        %shift_right_logical3A_946 = vector.broadcast %shift_right_logical3A_945 : i32 to vector<16xi32>
        %shift_right_logical3A_947 = arith.shrui %xor3A_940, %shift_right_logical3A_946 : vector<16xi32>
        %or3A_948 = arith.ori %shift_left3A_944, %shift_right_logical3A_947 : vector<16xi32>
        %xor3A_949 = arith.xori %or3A_948, %add3A_941 : vector<16xi32>
        %add3A_950 = arith.addi %add3A_941, %xor3A_949 : vector<16xi32>
        %shift_left3A_951 = arith.constant 16 : i32
        %shift_left3A_952 = vector.broadcast %shift_left3A_951 : i32 to vector<16xi32>
        %shift_left3A_953 = arith.shli %xor3A_949, %shift_left3A_952 : vector<16xi32>
        %shift_right_logical3A_954 = arith.constant 16 : i32
        %shift_right_logical3A_955 = vector.broadcast %shift_right_logical3A_954 : i32 to vector<16xi32>
        %shift_right_logical3A_956 = arith.shrui %xor3A_949, %shift_right_logical3A_955 : vector<16xi32>
        %or3A_957 = arith.ori %shift_left3A_953, %shift_right_logical3A_956 : vector<16xi32>
        %xor3A_958 = arith.xori %or3A_957, %add3A_950 : vector<16xi32>
        %add3A_959 = arith.addi %add3A_950, %xor3A_958 : vector<16xi32>
        %shift_left3A_960 = arith.constant 24 : i32
        %shift_left3A_961 = vector.broadcast %shift_left3A_960 : i32 to vector<16xi32>
        %shift_left3A_962 = arith.shli %xor3A_958, %shift_left3A_961 : vector<16xi32>
        %shift_right_logical3A_963 = arith.constant 8 : i32
        %shift_right_logical3A_964 = vector.broadcast %shift_right_logical3A_963 : i32 to vector<16xi32>
        %shift_right_logical3A_965 = arith.shrui %xor3A_958, %shift_right_logical3A_964 : vector<16xi32>
        %or3A_966 = arith.ori %shift_left3A_962, %shift_right_logical3A_965 : vector<16xi32>
        %xor3A_967 = arith.xori %or3A_966, %add3A_959 : vector<16xi32>
        %add3A_968 = arith.constant 42 : i32
        %add3A_969 = vector.broadcast %add3A_968 : i32 to vector<16xi32>
        %add3A_970 = arith.addi %add3A_959, %add3A_969 : vector<16xi32>
        %add3A_971 = vector.broadcast %xor3A_796 : i32 to vector<16xi32>
        %add3A_972 = arith.addi %xor3A_967, %add3A_971 : vector<16xi32>
        %add3A_973 = arith.constant 4 : i32
        %add3A_974 = vector.broadcast %add3A_973 : i32 to vector<16xi32>
        %add3A_975 = arith.addi %add3A_972, %add3A_974 : vector<16xi32>
        %add3A_976 = arith.addi %add3A_970, %add3A_975 : vector<16xi32>
        %shift_left3A_977 = arith.constant 13 : i32
        %shift_left3A_978 = vector.broadcast %shift_left3A_977 : i32 to vector<16xi32>
        %shift_left3A_979 = arith.shli %add3A_975, %shift_left3A_978 : vector<16xi32>
        %shift_right_logical3A_980 = arith.constant 19 : i32
        %shift_right_logical3A_981 = vector.broadcast %shift_right_logical3A_980 : i32 to vector<16xi32>
        %shift_right_logical3A_982 = arith.shrui %add3A_975, %shift_right_logical3A_981 : vector<16xi32>
        %or3A_983 = arith.ori %shift_left3A_979, %shift_right_logical3A_982 : vector<16xi32>
        %xor3A_984 = arith.xori %or3A_983, %add3A_976 : vector<16xi32>
        %add3A_985 = arith.addi %add3A_976, %xor3A_984 : vector<16xi32>
        %shift_left3A_986 = arith.constant 15 : i32
        %shift_left3A_987 = vector.broadcast %shift_left3A_986 : i32 to vector<16xi32>
        %shift_left3A_988 = arith.shli %xor3A_984, %shift_left3A_987 : vector<16xi32>
        %shift_right_logical3A_989 = arith.constant 17 : i32
        %shift_right_logical3A_990 = vector.broadcast %shift_right_logical3A_989 : i32 to vector<16xi32>
        %shift_right_logical3A_991 = arith.shrui %xor3A_984, %shift_right_logical3A_990 : vector<16xi32>
        %or3A_992 = arith.ori %shift_left3A_988, %shift_right_logical3A_991 : vector<16xi32>
        %xor3A_993 = arith.xori %or3A_992, %add3A_985 : vector<16xi32>
        %add3A_994 = arith.addi %add3A_985, %xor3A_993 : vector<16xi32>
        %shift_left3A_995 = arith.constant 26 : i32
        %shift_left3A_996 = vector.broadcast %shift_left3A_995 : i32 to vector<16xi32>
        %shift_left3A_997 = arith.shli %xor3A_993, %shift_left3A_996 : vector<16xi32>
        %shift_right_logical3A_998 = arith.constant 6 : i32
        %shift_right_logical3A_999 = vector.broadcast %shift_right_logical3A_998 : i32 to vector<16xi32>
        %shift_right_logical3A_1000 = arith.shrui %xor3A_993, %shift_right_logical3A_999 : vector<16xi32>
        %or3A_1001 = arith.ori %shift_left3A_997, %shift_right_logical3A_1000 : vector<16xi32>
        %xor3A_1002 = arith.xori %or3A_1001, %add3A_994 : vector<16xi32>
        %add3A_1003 = arith.addi %add3A_994, %xor3A_1002 : vector<16xi32>
        %shift_left3A_1004 = arith.constant 6 : i32
        %shift_left3A_1005 = vector.broadcast %shift_left3A_1004 : i32 to vector<16xi32>
        %shift_left3A_1006 = arith.shli %xor3A_1002, %shift_left3A_1005 : vector<16xi32>
        %shift_right_logical3A_1007 = arith.constant 26 : i32
        %shift_right_logical3A_1008 = vector.broadcast %shift_right_logical3A_1007 : i32 to vector<16xi32>
        %shift_right_logical3A_1009 = arith.shrui %xor3A_1002, %shift_right_logical3A_1008 : vector<16xi32>
        %or3A_1010 = arith.ori %shift_left3A_1006, %shift_right_logical3A_1009 : vector<16xi32>
        %xor3A_1011 = arith.xori %or3A_1010, %add3A_1003 : vector<16xi32>
        %add3A_1012 = vector.broadcast %xor3A_796 : i32 to vector<16xi32>
        %add3A_1013 = arith.addi %add3A_1003, %add3A_1012 : vector<16xi32>
        %add3A_1014 = arith.constant 0 : i32
        %add3A_1015 = vector.broadcast %add3A_1014 : i32 to vector<16xi32>
        %add3A_1016 = arith.addi %xor3A_1011, %add3A_1015 : vector<16xi32>
        %add3A_1017 = arith.constant 5 : i32
        %add3A_1018 = vector.broadcast %add3A_1017 : i32 to vector<16xi32>
        %add3A_1019 = arith.addi %add3A_1016, %add3A_1018 : vector<16xi32>
        %xor3A_1020 = arith.xori %add3A_1013, %add3A_1019 : vector<16xi32>
        %shift_right_logical3A_1021 = arith.constant 9 : i32
        %shift_right_logical3A_1022 = vector.broadcast %shift_right_logical3A_1021 : i32 to vector<16xi32>
        %shift_right_logical3A_1023 = arith.shrui %xor3A_1020, %shift_right_logical3A_1022 : vector<16xi32>
        %or3A_1024 = arith.constant 1065353216 : i32
        %or3A_1025 = vector.broadcast %or3A_1024 : i32 to vector<16xi32>
        %or3A_1026 = arith.ori %shift_right_logical3A_1023, %or3A_1025 : vector<16xi32>
        %bitcast_convert_type3A_1027 = tpu.bitcast %or3A_1026 : vector<16xi32> -> vector<16xf32>
        %sub3A_1028 = arith.constant 1.000000e+00 : f32
        %sub3A_1029 = vector.broadcast %sub3A_1028 : f32 to vector<16xf32>
        %sub3A_1030 = arith.subf %bitcast_convert_type3A_1027, %sub3A_1029 : vector<16xf32>
        %mul3A_1031 = arith.constant 128 : i32
        %mul3A_1032 = arith.muli %scan3A_18, %mul3A_1031 : i32
        %add3A_1033 = arith.constant 48 : i32
        %add3A_1034 = arith.addi %mul3A_1032, %add3A_1033 : i32
        %swap3A_1035 = arith.index_cast %add3A_1034 : i32 to index
        %swap3A_1036 = tpu.vector_load %arg3[%swap3A_1035] {strides = array<i32>} : memref<4096xf32, #tpu.memory_space<vmem>>, vector<16xf32>,
        %swap3A_1037 = vector.shape_cast %swap3A_1036 : vector<16xf32> to vector<16xf32>
        %swap3A_1038 = vector.shape_cast %sub3A_1030 : vector<16xf32> to vector<16xf32>
        tpu.vector_store %arg3[%swap3A_1035], %swap3A_1038 {strides = array<i32>} : memref<4096xf32, #tpu.memory_space<vmem>>, vector<16xf32>,
        %mul3A_1039 = arith.constant 128 : i32
        %mul3A_1040 = arith.muli %scan3A_18, %mul3A_1039 : i32
        %add3A_1041 = arith.addi %add3A_11, %mul3A_1040 : i32
        %add3A_1042 = arith.constant 64 : i32
        %add3A_1043 = arith.addi %add3A_1041, %add3A_1042 : i32
        %iota3A_1044 = tpu.iota {dimensions = array<i32: 0>} : vector<16xi32>
        %add3A_1045 = arith.constant 5767168 : i32
        %add3A_1046 = arith.addi %add3A_1045, %add3A_1043 : i32
        %add3A_1047 = vector.broadcast %add3A_1046 : i32 to vector<16xi32>
        %add3A_1048 = arith.addi %iota3A_1044, %add3A_1047 : vector<16xi32>
        %xor3A_1049 = arith.constant 466688986 : i32
        %xor3A_1050 = arith.constant 0 : i32
        %xor3A_1051 = arith.xori %xor3A_1049, %xor3A_1050 : i32
        %xor3A_1052 = arith.constant 42 : i32
        %xor3A_1053 = arith.xori %xor3A_1051, %xor3A_1052 : i32
        %add3A_1054 = arith.constant 42 : i32
        %add3A_1055 = vector.broadcast %add3A_1054 : i32 to vector<16xi32>
        %add3A_1056 = arith.addi %add3A_1048, %add3A_1055 : vector<16xi32>
        %shift_left3A_1057 = arith.constant 13 : i32
        %shift_left3A_1058 = vector.broadcast %shift_left3A_1057 : i32 to vector<16xi32>
        %shift_left3A_1059 = arith.shli %add3A_1056, %shift_left3A_1058 : vector<16xi32>
        %shift_right_logical3A_1060 = arith.constant 19 : i32
        %shift_right_logical3A_1061 = vector.broadcast %shift_right_logical3A_1060 : i32 to vector<16xi32>
        %shift_right_logical3A_1062 = arith.shrui %add3A_1056, %shift_right_logical3A_1061 : vector<16xi32>
        %or3A_1063 = arith.ori %shift_left3A_1059, %shift_right_logical3A_1062 : vector<16xi32>
        %xor3A_1064 = arith.xori %or3A_1063, %add3A_1056 : vector<16xi32>
        %add3A_1065 = arith.addi %add3A_1056, %xor3A_1064 : vector<16xi32>
        %shift_left3A_1066 = arith.constant 15 : i32
        %shift_left3A_1067 = vector.broadcast %shift_left3A_1066 : i32 to vector<16xi32>
        %shift_left3A_1068 = arith.shli %xor3A_1064, %shift_left3A_1067 : vector<16xi32>
        %shift_right_logical3A_1069 = arith.constant 17 : i32
        %shift_right_logical3A_1070 = vector.broadcast %shift_right_logical3A_1069 : i32 to vector<16xi32>
        %shift_right_logical3A_1071 = arith.shrui %xor3A_1064, %shift_right_logical3A_1070 : vector<16xi32>
        %or3A_1072 = arith.ori %shift_left3A_1068, %shift_right_logical3A_1071 : vector<16xi32>
        %xor3A_1073 = arith.xori %or3A_1072, %add3A_1065 : vector<16xi32>
        %add3A_1074 = arith.addi %add3A_1065, %xor3A_1073 : vector<16xi32>
        %shift_left3A_1075 = arith.constant 26 : i32
        %shift_left3A_1076 = vector.broadcast %shift_left3A_1075 : i32 to vector<16xi32>
        %shift_left3A_1077 = arith.shli %xor3A_1073, %shift_left3A_1076 : vector<16xi32>
        %shift_right_logical3A_1078 = arith.constant 6 : i32
        %shift_right_logical3A_1079 = vector.broadcast %shift_right_logical3A_1078 : i32 to vector<16xi32>
        %shift_right_logical3A_1080 = arith.shrui %xor3A_1073, %shift_right_logical3A_1079 : vector<16xi32>
        %or3A_1081 = arith.ori %shift_left3A_1077, %shift_right_logical3A_1080 : vector<16xi32>
        %xor3A_1082 = arith.xori %or3A_1081, %add3A_1074 : vector<16xi32>
        %add3A_1083 = arith.addi %add3A_1074, %xor3A_1082 : vector<16xi32>
        %shift_left3A_1084 = arith.constant 6 : i32
        %shift_left3A_1085 = vector.broadcast %shift_left3A_1084 : i32 to vector<16xi32>
        %shift_left3A_1086 = arith.shli %xor3A_1082, %shift_left3A_1085 : vector<16xi32>
        %shift_right_logical3A_1087 = arith.constant 26 : i32
        %shift_right_logical3A_1088 = vector.broadcast %shift_right_logical3A_1087 : i32 to vector<16xi32>
        %shift_right_logical3A_1089 = arith.shrui %xor3A_1082, %shift_right_logical3A_1088 : vector<16xi32>
        %or3A_1090 = arith.ori %shift_left3A_1086, %shift_right_logical3A_1089 : vector<16xi32>
        %xor3A_1091 = arith.xori %or3A_1090, %add3A_1083 : vector<16xi32>
        %add3A_1092 = arith.constant 42 : i32
        %add3A_1093 = vector.broadcast %add3A_1092 : i32 to vector<16xi32>
        %add3A_1094 = arith.addi %add3A_1083, %add3A_1093 : vector<16xi32>
        %add3A_1095 = vector.broadcast %xor3A_1053 : i32 to vector<16xi32>
        %add3A_1096 = arith.addi %xor3A_1091, %add3A_1095 : vector<16xi32>
        %add3A_1097 = arith.constant 1 : i32
        %add3A_1098 = vector.broadcast %add3A_1097 : i32 to vector<16xi32>
        %add3A_1099 = arith.addi %add3A_1096, %add3A_1098 : vector<16xi32>
        %add3A_1100 = arith.addi %add3A_1094, %add3A_1099 : vector<16xi32>
        %shift_left3A_1101 = arith.constant 17 : i32
        %shift_left3A_1102 = vector.broadcast %shift_left3A_1101 : i32 to vector<16xi32>
        %shift_left3A_1103 = arith.shli %add3A_1099, %shift_left3A_1102 : vector<16xi32>
        %shift_right_logical3A_1104 = arith.constant 15 : i32
        %shift_right_logical3A_1105 = vector.broadcast %shift_right_logical3A_1104 : i32 to vector<16xi32>
        %shift_right_logical3A_1106 = arith.shrui %add3A_1099, %shift_right_logical3A_1105 : vector<16xi32>
        %or3A_1107 = arith.ori %shift_left3A_1103, %shift_right_logical3A_1106 : vector<16xi32>
        %xor3A_1108 = arith.xori %or3A_1107, %add3A_1100 : vector<16xi32>
        %add3A_1109 = arith.addi %add3A_1100, %xor3A_1108 : vector<16xi32>
        %shift_left3A_1110 = arith.constant 29 : i32
        %shift_left3A_1111 = vector.broadcast %shift_left3A_1110 : i32 to vector<16xi32>
        %shift_left3A_1112 = arith.shli %xor3A_1108, %shift_left3A_1111 : vector<16xi32>
        %shift_right_logical3A_1113 = arith.constant 3 : i32
        %shift_right_logical3A_1114 = vector.broadcast %shift_right_logical3A_1113 : i32 to vector<16xi32>
        %shift_right_logical3A_1115 = arith.shrui %xor3A_1108, %shift_right_logical3A_1114 : vector<16xi32>
        %or3A_1116 = arith.ori %shift_left3A_1112, %shift_right_logical3A_1115 : vector<16xi32>
        %xor3A_1117 = arith.xori %or3A_1116, %add3A_1109 : vector<16xi32>
        %add3A_1118 = arith.addi %add3A_1109, %xor3A_1117 : vector<16xi32>
        %shift_left3A_1119 = arith.constant 16 : i32
        %shift_left3A_1120 = vector.broadcast %shift_left3A_1119 : i32 to vector<16xi32>
        %shift_left3A_1121 = arith.shli %xor3A_1117, %shift_left3A_1120 : vector<16xi32>
        %shift_right_logical3A_1122 = arith.constant 16 : i32
        %shift_right_logical3A_1123 = vector.broadcast %shift_right_logical3A_1122 : i32 to vector<16xi32>
        %shift_right_logical3A_1124 = arith.shrui %xor3A_1117, %shift_right_logical3A_1123 : vector<16xi32>
        %or3A_1125 = arith.ori %shift_left3A_1121, %shift_right_logical3A_1124 : vector<16xi32>
        %xor3A_1126 = arith.xori %or3A_1125, %add3A_1118 : vector<16xi32>
        %add3A_1127 = arith.addi %add3A_1118, %xor3A_1126 : vector<16xi32>
        %shift_left3A_1128 = arith.constant 24 : i32
        %shift_left3A_1129 = vector.broadcast %shift_left3A_1128 : i32 to vector<16xi32>
        %shift_left3A_1130 = arith.shli %xor3A_1126, %shift_left3A_1129 : vector<16xi32>
        %shift_right_logical3A_1131 = arith.constant 8 : i32
        %shift_right_logical3A_1132 = vector.broadcast %shift_right_logical3A_1131 : i32 to vector<16xi32>
        %shift_right_logical3A_1133 = arith.shrui %xor3A_1126, %shift_right_logical3A_1132 : vector<16xi32>
        %or3A_1134 = arith.ori %shift_left3A_1130, %shift_right_logical3A_1133 : vector<16xi32>
        %xor3A_1135 = arith.xori %or3A_1134, %add3A_1127 : vector<16xi32>
        %add3A_1136 = vector.broadcast %xor3A_1053 : i32 to vector<16xi32>
        %add3A_1137 = arith.addi %add3A_1127, %add3A_1136 : vector<16xi32>
        %add3A_1138 = arith.constant 0 : i32
        %add3A_1139 = vector.broadcast %add3A_1138 : i32 to vector<16xi32>
        %add3A_1140 = arith.addi %xor3A_1135, %add3A_1139 : vector<16xi32>
        %add3A_1141 = arith.constant 2 : i32
        %add3A_1142 = vector.broadcast %add3A_1141 : i32 to vector<16xi32>
        %add3A_1143 = arith.addi %add3A_1140, %add3A_1142 : vector<16xi32>
        %add3A_1144 = arith.addi %add3A_1137, %add3A_1143 : vector<16xi32>
        %shift_left3A_1145 = arith.constant 13 : i32
        %shift_left3A_1146 = vector.broadcast %shift_left3A_1145 : i32 to vector<16xi32>
        %shift_left3A_1147 = arith.shli %add3A_1143, %shift_left3A_1146 : vector<16xi32>
        %shift_right_logical3A_1148 = arith.constant 19 : i32
        %shift_right_logical3A_1149 = vector.broadcast %shift_right_logical3A_1148 : i32 to vector<16xi32>
        %shift_right_logical3A_1150 = arith.shrui %add3A_1143, %shift_right_logical3A_1149 : vector<16xi32>
        %or3A_1151 = arith.ori %shift_left3A_1147, %shift_right_logical3A_1150 : vector<16xi32>
        %xor3A_1152 = arith.xori %or3A_1151, %add3A_1144 : vector<16xi32>
        %add3A_1153 = arith.addi %add3A_1144, %xor3A_1152 : vector<16xi32>
        %shift_left3A_1154 = arith.constant 15 : i32
        %shift_left3A_1155 = vector.broadcast %shift_left3A_1154 : i32 to vector<16xi32>
        %shift_left3A_1156 = arith.shli %xor3A_1152, %shift_left3A_1155 : vector<16xi32>
        %shift_right_logical3A_1157 = arith.constant 17 : i32
        %shift_right_logical3A_1158 = vector.broadcast %shift_right_logical3A_1157 : i32 to vector<16xi32>
        %shift_right_logical3A_1159 = arith.shrui %xor3A_1152, %shift_right_logical3A_1158 : vector<16xi32>
        %or3A_1160 = arith.ori %shift_left3A_1156, %shift_right_logical3A_1159 : vector<16xi32>
        %xor3A_1161 = arith.xori %or3A_1160, %add3A_1153 : vector<16xi32>
        %add3A_1162 = arith.addi %add3A_1153, %xor3A_1161 : vector<16xi32>
        %shift_left3A_1163 = arith.constant 26 : i32
        %shift_left3A_1164 = vector.broadcast %shift_left3A_1163 : i32 to vector<16xi32>
        %shift_left3A_1165 = arith.shli %xor3A_1161, %shift_left3A_1164 : vector<16xi32>
        %shift_right_logical3A_1166 = arith.constant 6 : i32
        %shift_right_logical3A_1167 = vector.broadcast %shift_right_logical3A_1166 : i32 to vector<16xi32>
        %shift_right_logical3A_1168 = arith.shrui %xor3A_1161, %shift_right_logical3A_1167 : vector<16xi32>
        %or3A_1169 = arith.ori %shift_left3A_1165, %shift_right_logical3A_1168 : vector<16xi32>
        %xor3A_1170 = arith.xori %or3A_1169, %add3A_1162 : vector<16xi32>
        %add3A_1171 = arith.addi %add3A_1162, %xor3A_1170 : vector<16xi32>
        %shift_left3A_1172 = arith.constant 6 : i32
        %shift_left3A_1173 = vector.broadcast %shift_left3A_1172 : i32 to vector<16xi32>
        %shift_left3A_1174 = arith.shli %xor3A_1170, %shift_left3A_1173 : vector<16xi32>
        %shift_right_logical3A_1175 = arith.constant 26 : i32
        %shift_right_logical3A_1176 = vector.broadcast %shift_right_logical3A_1175 : i32 to vector<16xi32>
        %shift_right_logical3A_1177 = arith.shrui %xor3A_1170, %shift_right_logical3A_1176 : vector<16xi32>
        %or3A_1178 = arith.ori %shift_left3A_1174, %shift_right_logical3A_1177 : vector<16xi32>
        %xor3A_1179 = arith.xori %or3A_1178, %add3A_1171 : vector<16xi32>
        %add3A_1180 = arith.constant 0 : i32
        %add3A_1181 = vector.broadcast %add3A_1180 : i32 to vector<16xi32>
        %add3A_1182 = arith.addi %add3A_1171, %add3A_1181 : vector<16xi32>
        %add3A_1183 = arith.constant 42 : i32
        %add3A_1184 = vector.broadcast %add3A_1183 : i32 to vector<16xi32>
        %add3A_1185 = arith.addi %xor3A_1179, %add3A_1184 : vector<16xi32>
        %add3A_1186 = arith.constant 3 : i32
        %add3A_1187 = vector.broadcast %add3A_1186 : i32 to vector<16xi32>
        %add3A_1188 = arith.addi %add3A_1185, %add3A_1187 : vector<16xi32>
        %add3A_1189 = arith.addi %add3A_1182, %add3A_1188 : vector<16xi32>
        %shift_left3A_1190 = arith.constant 17 : i32
        %shift_left3A_1191 = vector.broadcast %shift_left3A_1190 : i32 to vector<16xi32>
        %shift_left3A_1192 = arith.shli %add3A_1188, %shift_left3A_1191 : vector<16xi32>
        %shift_right_logical3A_1193 = arith.constant 15 : i32
        %shift_right_logical3A_1194 = vector.broadcast %shift_right_logical3A_1193 : i32 to vector<16xi32>
        %shift_right_logical3A_1195 = arith.shrui %add3A_1188, %shift_right_logical3A_1194 : vector<16xi32>
        %or3A_1196 = arith.ori %shift_left3A_1192, %shift_right_logical3A_1195 : vector<16xi32>
        %xor3A_1197 = arith.xori %or3A_1196, %add3A_1189 : vector<16xi32>
        %add3A_1198 = arith.addi %add3A_1189, %xor3A_1197 : vector<16xi32>
        %shift_left3A_1199 = arith.constant 29 : i32
        %shift_left3A_1200 = vector.broadcast %shift_left3A_1199 : i32 to vector<16xi32>
        %shift_left3A_1201 = arith.shli %xor3A_1197, %shift_left3A_1200 : vector<16xi32>
        %shift_right_logical3A_1202 = arith.constant 3 : i32
        %shift_right_logical3A_1203 = vector.broadcast %shift_right_logical3A_1202 : i32 to vector<16xi32>
        %shift_right_logical3A_1204 = arith.shrui %xor3A_1197, %shift_right_logical3A_1203 : vector<16xi32>
        %or3A_1205 = arith.ori %shift_left3A_1201, %shift_right_logical3A_1204 : vector<16xi32>
        %xor3A_1206 = arith.xori %or3A_1205, %add3A_1198 : vector<16xi32>
        %add3A_1207 = arith.addi %add3A_1198, %xor3A_1206 : vector<16xi32>
        %shift_left3A_1208 = arith.constant 16 : i32
        %shift_left3A_1209 = vector.broadcast %shift_left3A_1208 : i32 to vector<16xi32>
        %shift_left3A_1210 = arith.shli %xor3A_1206, %shift_left3A_1209 : vector<16xi32>
        %shift_right_logical3A_1211 = arith.constant 16 : i32
        %shift_right_logical3A_1212 = vector.broadcast %shift_right_logical3A_1211 : i32 to vector<16xi32>
        %shift_right_logical3A_1213 = arith.shrui %xor3A_1206, %shift_right_logical3A_1212 : vector<16xi32>
        %or3A_1214 = arith.ori %shift_left3A_1210, %shift_right_logical3A_1213 : vector<16xi32>
        %xor3A_1215 = arith.xori %or3A_1214, %add3A_1207 : vector<16xi32>
        %add3A_1216 = arith.addi %add3A_1207, %xor3A_1215 : vector<16xi32>
        %shift_left3A_1217 = arith.constant 24 : i32
        %shift_left3A_1218 = vector.broadcast %shift_left3A_1217 : i32 to vector<16xi32>
        %shift_left3A_1219 = arith.shli %xor3A_1215, %shift_left3A_1218 : vector<16xi32>
        %shift_right_logical3A_1220 = arith.constant 8 : i32
        %shift_right_logical3A_1221 = vector.broadcast %shift_right_logical3A_1220 : i32 to vector<16xi32>
        %shift_right_logical3A_1222 = arith.shrui %xor3A_1215, %shift_right_logical3A_1221 : vector<16xi32>
        %or3A_1223 = arith.ori %shift_left3A_1219, %shift_right_logical3A_1222 : vector<16xi32>
        %xor3A_1224 = arith.xori %or3A_1223, %add3A_1216 : vector<16xi32>
        %add3A_1225 = arith.constant 42 : i32
        %add3A_1226 = vector.broadcast %add3A_1225 : i32 to vector<16xi32>
        %add3A_1227 = arith.addi %add3A_1216, %add3A_1226 : vector<16xi32>
        %add3A_1228 = vector.broadcast %xor3A_1053 : i32 to vector<16xi32>
        %add3A_1229 = arith.addi %xor3A_1224, %add3A_1228 : vector<16xi32>
        %add3A_1230 = arith.constant 4 : i32
        %add3A_1231 = vector.broadcast %add3A_1230 : i32 to vector<16xi32>
        %add3A_1232 = arith.addi %add3A_1229, %add3A_1231 : vector<16xi32>
        %add3A_1233 = arith.addi %add3A_1227, %add3A_1232 : vector<16xi32>
        %shift_left3A_1234 = arith.constant 13 : i32
        %shift_left3A_1235 = vector.broadcast %shift_left3A_1234 : i32 to vector<16xi32>
        %shift_left3A_1236 = arith.shli %add3A_1232, %shift_left3A_1235 : vector<16xi32>
        %shift_right_logical3A_1237 = arith.constant 19 : i32
        %shift_right_logical3A_1238 = vector.broadcast %shift_right_logical3A_1237 : i32 to vector<16xi32>
        %shift_right_logical3A_1239 = arith.shrui %add3A_1232, %shift_right_logical3A_1238 : vector<16xi32>
        %or3A_1240 = arith.ori %shift_left3A_1236, %shift_right_logical3A_1239 : vector<16xi32>
        %xor3A_1241 = arith.xori %or3A_1240, %add3A_1233 : vector<16xi32>
        %add3A_1242 = arith.addi %add3A_1233, %xor3A_1241 : vector<16xi32>
        %shift_left3A_1243 = arith.constant 15 : i32
        %shift_left3A_1244 = vector.broadcast %shift_left3A_1243 : i32 to vector<16xi32>
        %shift_left3A_1245 = arith.shli %xor3A_1241, %shift_left3A_1244 : vector<16xi32>
        %shift_right_logical3A_1246 = arith.constant 17 : i32
        %shift_right_logical3A_1247 = vector.broadcast %shift_right_logical3A_1246 : i32 to vector<16xi32>
        %shift_right_logical3A_1248 = arith.shrui %xor3A_1241, %shift_right_logical3A_1247 : vector<16xi32>
        %or3A_1249 = arith.ori %shift_left3A_1245, %shift_right_logical3A_1248 : vector<16xi32>
        %xor3A_1250 = arith.xori %or3A_1249, %add3A_1242 : vector<16xi32>
        %add3A_1251 = arith.addi %add3A_1242, %xor3A_1250 : vector<16xi32>
        %shift_left3A_1252 = arith.constant 26 : i32
        %shift_left3A_1253 = vector.broadcast %shift_left3A_1252 : i32 to vector<16xi32>
        %shift_left3A_1254 = arith.shli %xor3A_1250, %shift_left3A_1253 : vector<16xi32>
        %shift_right_logical3A_1255 = arith.constant 6 : i32
        %shift_right_logical3A_1256 = vector.broadcast %shift_right_logical3A_1255 : i32 to vector<16xi32>
        %shift_right_logical3A_1257 = arith.shrui %xor3A_1250, %shift_right_logical3A_1256 : vector<16xi32>
        %or3A_1258 = arith.ori %shift_left3A_1254, %shift_right_logical3A_1257 : vector<16xi32>
        %xor3A_1259 = arith.xori %or3A_1258, %add3A_1251 : vector<16xi32>
        %add3A_1260 = arith.addi %add3A_1251, %xor3A_1259 : vector<16xi32>
        %shift_left3A_1261 = arith.constant 6 : i32
        %shift_left3A_1262 = vector.broadcast %shift_left3A_1261 : i32 to vector<16xi32>
        %shift_left3A_1263 = arith.shli %xor3A_1259, %shift_left3A_1262 : vector<16xi32>
        %shift_right_logical3A_1264 = arith.constant 26 : i32
        %shift_right_logical3A_1265 = vector.broadcast %shift_right_logical3A_1264 : i32 to vector<16xi32>
        %shift_right_logical3A_1266 = arith.shrui %xor3A_1259, %shift_right_logical3A_1265 : vector<16xi32>
        %or3A_1267 = arith.ori %shift_left3A_1263, %shift_right_logical3A_1266 : vector<16xi32>
        %xor3A_1268 = arith.xori %or3A_1267, %add3A_1260 : vector<16xi32>
        %add3A_1269 = vector.broadcast %xor3A_1053 : i32 to vector<16xi32>
        %add3A_1270 = arith.addi %add3A_1260, %add3A_1269 : vector<16xi32>
        %add3A_1271 = arith.constant 0 : i32
        %add3A_1272 = vector.broadcast %add3A_1271 : i32 to vector<16xi32>
        %add3A_1273 = arith.addi %xor3A_1268, %add3A_1272 : vector<16xi32>
        %add3A_1274 = arith.constant 5 : i32
        %add3A_1275 = vector.broadcast %add3A_1274 : i32 to vector<16xi32>
        %add3A_1276 = arith.addi %add3A_1273, %add3A_1275 : vector<16xi32>
        %xor3A_1277 = arith.xori %add3A_1270, %add3A_1276 : vector<16xi32>
        %shift_right_logical3A_1278 = arith.constant 9 : i32
        %shift_right_logical3A_1279 = vector.broadcast %shift_right_logical3A_1278 : i32 to vector<16xi32>
        %shift_right_logical3A_1280 = arith.shrui %xor3A_1277, %shift_right_logical3A_1279 : vector<16xi32>
        %or3A_1281 = arith.constant 1065353216 : i32
        %or3A_1282 = vector.broadcast %or3A_1281 : i32 to vector<16xi32>
        %or3A_1283 = arith.ori %shift_right_logical3A_1280, %or3A_1282 : vector<16xi32>
        %bitcast_convert_type3A_1284 = tpu.bitcast %or3A_1283 : vector<16xi32> -> vector<16xf32>
        %sub3A_1285 = arith.constant 1.000000e+00 : f32
        %sub3A_1286 = vector.broadcast %sub3A_1285 : f32 to vector<16xf32>
        %sub3A_1287 = arith.subf %bitcast_convert_type3A_1284, %sub3A_1286 : vector<16xf32>
        %mul3A_1288 = arith.constant 128 : i32
        %mul3A_1289 = arith.muli %scan3A_18, %mul3A_1288 : i32
        %add3A_1290 = arith.constant 64 : i32
        %add3A_1291 = arith.addi %mul3A_1289, %add3A_1290 : i32
        %swap3A_1292 = arith.index_cast %add3A_1291 : i32 to index
        %swap3A_1293 = tpu.vector_load %arg3[%swap3A_1292] {strides = array<i32>} : memref<4096xf32, #tpu.memory_space<vmem>>, vector<16xf32>,
        %swap3A_1294 = vector.shape_cast %swap3A_1293 : vector<16xf32> to vector<16xf32>
        %swap3A_1295 = vector.shape_cast %sub3A_1287 : vector<16xf32> to vector<16xf32>
        tpu.vector_store %arg3[%swap3A_1292], %swap3A_1295 {strides = array<i32>} : memref<4096xf32, #tpu.memory_space<vmem>>, vector<16xf32>,
        %mul3A_1296 = arith.constant 128 : i32
        %mul3A_1297 = arith.muli %scan3A_18, %mul3A_1296 : i32
        %add3A_1298 = arith.addi %add3A_11, %mul3A_1297 : i32
        %add3A_1299 = arith.constant 80 : i32
        %add3A_1300 = arith.addi %add3A_1298, %add3A_1299 : i32
        %iota3A_1301 = tpu.iota {dimensions = array<i32: 0>} : vector<16xi32>
        %add3A_1302 = arith.constant 5767168 : i32
        %add3A_1303 = arith.addi %add3A_1302, %add3A_1300 : i32
        %add3A_1304 = vector.broadcast %add3A_1303 : i32 to vector<16xi32>
        %add3A_1305 = arith.addi %iota3A_1301, %add3A_1304 : vector<16xi32>
        %xor3A_1306 = arith.constant 466688986 : i32
        %xor3A_1307 = arith.constant 0 : i32
        %xor3A_1308 = arith.xori %xor3A_1306, %xor3A_1307 : i32
        %xor3A_1309 = arith.constant 42 : i32
        %xor3A_1310 = arith.xori %xor3A_1308, %xor3A_1309 : i32
        %add3A_1311 = arith.constant 42 : i32
        %add3A_1312 = vector.broadcast %add3A_1311 : i32 to vector<16xi32>
        %add3A_1313 = arith.addi %add3A_1305, %add3A_1312 : vector<16xi32>
        %shift_left3A_1314 = arith.constant 13 : i32
        %shift_left3A_1315 = vector.broadcast %shift_left3A_1314 : i32 to vector<16xi32>
        %shift_left3A_1316 = arith.shli %add3A_1313, %shift_left3A_1315 : vector<16xi32>
        %shift_right_logical3A_1317 = arith.constant 19 : i32
        %shift_right_logical3A_1318 = vector.broadcast %shift_right_logical3A_1317 : i32 to vector<16xi32>
        %shift_right_logical3A_1319 = arith.shrui %add3A_1313, %shift_right_logical3A_1318 : vector<16xi32>
        %or3A_1320 = arith.ori %shift_left3A_1316, %shift_right_logical3A_1319 : vector<16xi32>
        %xor3A_1321 = arith.xori %or3A_1320, %add3A_1313 : vector<16xi32>
        %add3A_1322 = arith.addi %add3A_1313, %xor3A_1321 : vector<16xi32>
        %shift_left3A_1323 = arith.constant 15 : i32
        %shift_left3A_1324 = vector.broadcast %shift_left3A_1323 : i32 to vector<16xi32>
        %shift_left3A_1325 = arith.shli %xor3A_1321, %shift_left3A_1324 : vector<16xi32>
        %shift_right_logical3A_1326 = arith.constant 17 : i32
        %shift_right_logical3A_1327 = vector.broadcast %shift_right_logical3A_1326 : i32 to vector<16xi32>
        %shift_right_logical3A_1328 = arith.shrui %xor3A_1321, %shift_right_logical3A_1327 : vector<16xi32>
        %or3A_1329 = arith.ori %shift_left3A_1325, %shift_right_logical3A_1328 : vector<16xi32>
        %xor3A_1330 = arith.xori %or3A_1329, %add3A_1322 : vector<16xi32>
        %add3A_1331 = arith.addi %add3A_1322, %xor3A_1330 : vector<16xi32>
        %shift_left3A_1332 = arith.constant 26 : i32
        %shift_left3A_1333 = vector.broadcast %shift_left3A_1332 : i32 to vector<16xi32>
        %shift_left3A_1334 = arith.shli %xor3A_1330, %shift_left3A_1333 : vector<16xi32>
        %shift_right_logical3A_1335 = arith.constant 6 : i32
        %shift_right_logical3A_1336 = vector.broadcast %shift_right_logical3A_1335 : i32 to vector<16xi32>
        %shift_right_logical3A_1337 = arith.shrui %xor3A_1330, %shift_right_logical3A_1336 : vector<16xi32>
        %or3A_1338 = arith.ori %shift_left3A_1334, %shift_right_logical3A_1337 : vector<16xi32>
        %xor3A_1339 = arith.xori %or3A_1338, %add3A_1331 : vector<16xi32>
        %add3A_1340 = arith.addi %add3A_1331, %xor3A_1339 : vector<16xi32>
        %shift_left3A_1341 = arith.constant 6 : i32
        %shift_left3A_1342 = vector.broadcast %shift_left3A_1341 : i32 to vector<16xi32>
        %shift_left3A_1343 = arith.shli %xor3A_1339, %shift_left3A_1342 : vector<16xi32>
        %shift_right_logical3A_1344 = arith.constant 26 : i32
        %shift_right_logical3A_1345 = vector.broadcast %shift_right_logical3A_1344 : i32 to vector<16xi32>
        %shift_right_logical3A_1346 = arith.shrui %xor3A_1339, %shift_right_logical3A_1345 : vector<16xi32>
        %or3A_1347 = arith.ori %shift_left3A_1343, %shift_right_logical3A_1346 : vector<16xi32>
        %xor3A_1348 = arith.xori %or3A_1347, %add3A_1340 : vector<16xi32>
        %add3A_1349 = arith.constant 42 : i32
        %add3A_1350 = vector.broadcast %add3A_1349 : i32 to vector<16xi32>
        %add3A_1351 = arith.addi %add3A_1340, %add3A_1350 : vector<16xi32>
        %add3A_1352 = vector.broadcast %xor3A_1310 : i32 to vector<16xi32>
        %add3A_1353 = arith.addi %xor3A_1348, %add3A_1352 : vector<16xi32>
        %add3A_1354 = arith.constant 1 : i32
        %add3A_1355 = vector.broadcast %add3A_1354 : i32 to vector<16xi32>
        %add3A_1356 = arith.addi %add3A_1353, %add3A_1355 : vector<16xi32>
        %add3A_1357 = arith.addi %add3A_1351, %add3A_1356 : vector<16xi32>
        %shift_left3A_1358 = arith.constant 17 : i32
        %shift_left3A_1359 = vector.broadcast %shift_left3A_1358 : i32 to vector<16xi32>
        %shift_left3A_1360 = arith.shli %add3A_1356, %shift_left3A_1359 : vector<16xi32>
        %shift_right_logical3A_1361 = arith.constant 15 : i32
        %shift_right_logical3A_1362 = vector.broadcast %shift_right_logical3A_1361 : i32 to vector<16xi32>
        %shift_right_logical3A_1363 = arith.shrui %add3A_1356, %shift_right_logical3A_1362 : vector<16xi32>
        %or3A_1364 = arith.ori %shift_left3A_1360, %shift_right_logical3A_1363 : vector<16xi32>
        %xor3A_1365 = arith.xori %or3A_1364, %add3A_1357 : vector<16xi32>
        %add3A_1366 = arith.addi %add3A_1357, %xor3A_1365 : vector<16xi32>
        %shift_left3A_1367 = arith.constant 29 : i32
        %shift_left3A_1368 = vector.broadcast %shift_left3A_1367 : i32 to vector<16xi32>
        %shift_left3A_1369 = arith.shli %xor3A_1365, %shift_left3A_1368 : vector<16xi32>
        %shift_right_logical3A_1370 = arith.constant 3 : i32
        %shift_right_logical3A_1371 = vector.broadcast %shift_right_logical3A_1370 : i32 to vector<16xi32>
        %shift_right_logical3A_1372 = arith.shrui %xor3A_1365, %shift_right_logical3A_1371 : vector<16xi32>
        %or3A_1373 = arith.ori %shift_left3A_1369, %shift_right_logical3A_1372 : vector<16xi32>
        %xor3A_1374 = arith.xori %or3A_1373, %add3A_1366 : vector<16xi32>
        %add3A_1375 = arith.addi %add3A_1366, %xor3A_1374 : vector<16xi32>
        %shift_left3A_1376 = arith.constant 16 : i32
        %shift_left3A_1377 = vector.broadcast %shift_left3A_1376 : i32 to vector<16xi32>
        %shift_left3A_1378 = arith.shli %xor3A_1374, %shift_left3A_1377 : vector<16xi32>
        %shift_right_logical3A_1379 = arith.constant 16 : i32
        %shift_right_logical3A_1380 = vector.broadcast %shift_right_logical3A_1379 : i32 to vector<16xi32>
        %shift_right_logical3A_1381 = arith.shrui %xor3A_1374, %shift_right_logical3A_1380 : vector<16xi32>
        %or3A_1382 = arith.ori %shift_left3A_1378, %shift_right_logical3A_1381 : vector<16xi32>
        %xor3A_1383 = arith.xori %or3A_1382, %add3A_1375 : vector<16xi32>
        %add3A_1384 = arith.addi %add3A_1375, %xor3A_1383 : vector<16xi32>
        %shift_left3A_1385 = arith.constant 24 : i32
        %shift_left3A_1386 = vector.broadcast %shift_left3A_1385 : i32 to vector<16xi32>
        %shift_left3A_1387 = arith.shli %xor3A_1383, %shift_left3A_1386 : vector<16xi32>
        %shift_right_logical3A_1388 = arith.constant 8 : i32
        %shift_right_logical3A_1389 = vector.broadcast %shift_right_logical3A_1388 : i32 to vector<16xi32>
        %shift_right_logical3A_1390 = arith.shrui %xor3A_1383, %shift_right_logical3A_1389 : vector<16xi32>
        %or3A_1391 = arith.ori %shift_left3A_1387, %shift_right_logical3A_1390 : vector<16xi32>
        %xor3A_1392 = arith.xori %or3A_1391, %add3A_1384 : vector<16xi32>
        %add3A_1393 = vector.broadcast %xor3A_1310 : i32 to vector<16xi32>
        %add3A_1394 = arith.addi %add3A_1384, %add3A_1393 : vector<16xi32>
        %add3A_1395 = arith.constant 0 : i32
        %add3A_1396 = vector.broadcast %add3A_1395 : i32 to vector<16xi32>
        %add3A_1397 = arith.addi %xor3A_1392, %add3A_1396 : vector<16xi32>
        %add3A_1398 = arith.constant 2 : i32
        %add3A_1399 = vector.broadcast %add3A_1398 : i32 to vector<16xi32>
        %add3A_1400 = arith.addi %add3A_1397, %add3A_1399 : vector<16xi32>
        %add3A_1401 = arith.addi %add3A_1394, %add3A_1400 : vector<16xi32>
        %shift_left3A_1402 = arith.constant 13 : i32
        %shift_left3A_1403 = vector.broadcast %shift_left3A_1402 : i32 to vector<16xi32>
        %shift_left3A_1404 = arith.shli %add3A_1400, %shift_left3A_1403 : vector<16xi32>
        %shift_right_logical3A_1405 = arith.constant 19 : i32
        %shift_right_logical3A_1406 = vector.broadcast %shift_right_logical3A_1405 : i32 to vector<16xi32>
        %shift_right_logical3A_1407 = arith.shrui %add3A_1400, %shift_right_logical3A_1406 : vector<16xi32>
        %or3A_1408 = arith.ori %shift_left3A_1404, %shift_right_logical3A_1407 : vector<16xi32>
        %xor3A_1409 = arith.xori %or3A_1408, %add3A_1401 : vector<16xi32>
        %add3A_1410 = arith.addi %add3A_1401, %xor3A_1409 : vector<16xi32>
        %shift_left3A_1411 = arith.constant 15 : i32
        %shift_left3A_1412 = vector.broadcast %shift_left3A_1411 : i32 to vector<16xi32>
        %shift_left3A_1413 = arith.shli %xor3A_1409, %shift_left3A_1412 : vector<16xi32>
        %shift_right_logical3A_1414 = arith.constant 17 : i32
        %shift_right_logical3A_1415 = vector.broadcast %shift_right_logical3A_1414 : i32 to vector<16xi32>
        %shift_right_logical3A_1416 = arith.shrui %xor3A_1409, %shift_right_logical3A_1415 : vector<16xi32>
        %or3A_1417 = arith.ori %shift_left3A_1413, %shift_right_logical3A_1416 : vector<16xi32>
        %xor3A_1418 = arith.xori %or3A_1417, %add3A_1410 : vector<16xi32>
        %add3A_1419 = arith.addi %add3A_1410, %xor3A_1418 : vector<16xi32>
        %shift_left3A_1420 = arith.constant 26 : i32
        %shift_left3A_1421 = vector.broadcast %shift_left3A_1420 : i32 to vector<16xi32>
        %shift_left3A_1422 = arith.shli %xor3A_1418, %shift_left3A_1421 : vector<16xi32>
        %shift_right_logical3A_1423 = arith.constant 6 : i32
        %shift_right_logical3A_1424 = vector.broadcast %shift_right_logical3A_1423 : i32 to vector<16xi32>
        %shift_right_logical3A_1425 = arith.shrui %xor3A_1418, %shift_right_logical3A_1424 : vector<16xi32>
        %or3A_1426 = arith.ori %shift_left3A_1422, %shift_right_logical3A_1425 : vector<16xi32>
        %xor3A_1427 = arith.xori %or3A_1426, %add3A_1419 : vector<16xi32>
        %add3A_1428 = arith.addi %add3A_1419, %xor3A_1427 : vector<16xi32>
        %shift_left3A_1429 = arith.constant 6 : i32
        %shift_left3A_1430 = vector.broadcast %shift_left3A_1429 : i32 to vector<16xi32>
        %shift_left3A_1431 = arith.shli %xor3A_1427, %shift_left3A_1430 : vector<16xi32>
        %shift_right_logical3A_1432 = arith.constant 26 : i32
        %shift_right_logical3A_1433 = vector.broadcast %shift_right_logical3A_1432 : i32 to vector<16xi32>
        %shift_right_logical3A_1434 = arith.shrui %xor3A_1427, %shift_right_logical3A_1433 : vector<16xi32>
        %or3A_1435 = arith.ori %shift_left3A_1431, %shift_right_logical3A_1434 : vector<16xi32>
        %xor3A_1436 = arith.xori %or3A_1435, %add3A_1428 : vector<16xi32>
        %add3A_1437 = arith.constant 0 : i32
        %add3A_1438 = vector.broadcast %add3A_1437 : i32 to vector<16xi32>
        %add3A_1439 = arith.addi %add3A_1428, %add3A_1438 : vector<16xi32>
        %add3A_1440 = arith.constant 42 : i32
        %add3A_1441 = vector.broadcast %add3A_1440 : i32 to vector<16xi32>
        %add3A_1442 = arith.addi %xor3A_1436, %add3A_1441 : vector<16xi32>
        %add3A_1443 = arith.constant 3 : i32
        %add3A_1444 = vector.broadcast %add3A_1443 : i32 to vector<16xi32>
        %add3A_1445 = arith.addi %add3A_1442, %add3A_1444 : vector<16xi32>
        %add3A_1446 = arith.addi %add3A_1439, %add3A_1445 : vector<16xi32>
        %shift_left3A_1447 = arith.constant 17 : i32
        %shift_left3A_1448 = vector.broadcast %shift_left3A_1447 : i32 to vector<16xi32>
        %shift_left3A_1449 = arith.shli %add3A_1445, %shift_left3A_1448 : vector<16xi32>
        %shift_right_logical3A_1450 = arith.constant 15 : i32
        %shift_right_logical3A_1451 = vector.broadcast %shift_right_logical3A_1450 : i32 to vector<16xi32>
        %shift_right_logical3A_1452 = arith.shrui %add3A_1445, %shift_right_logical3A_1451 : vector<16xi32>
        %or3A_1453 = arith.ori %shift_left3A_1449, %shift_right_logical3A_1452 : vector<16xi32>
        %xor3A_1454 = arith.xori %or3A_1453, %add3A_1446 : vector<16xi32>
        %add3A_1455 = arith.addi %add3A_1446, %xor3A_1454 : vector<16xi32>
        %shift_left3A_1456 = arith.constant 29 : i32
        %shift_left3A_1457 = vector.broadcast %shift_left3A_1456 : i32 to vector<16xi32>
        %shift_left3A_1458 = arith.shli %xor3A_1454, %shift_left3A_1457 : vector<16xi32>
        %shift_right_logical3A_1459 = arith.constant 3 : i32
        %shift_right_logical3A_1460 = vector.broadcast %shift_right_logical3A_1459 : i32 to vector<16xi32>
        %shift_right_logical3A_1461 = arith.shrui %xor3A_1454, %shift_right_logical3A_1460 : vector<16xi32>
        %or3A_1462 = arith.ori %shift_left3A_1458, %shift_right_logical3A_1461 : vector<16xi32>
        %xor3A_1463 = arith.xori %or3A_1462, %add3A_1455 : vector<16xi32>
        %add3A_1464 = arith.addi %add3A_1455, %xor3A_1463 : vector<16xi32>
        %shift_left3A_1465 = arith.constant 16 : i32
        %shift_left3A_1466 = vector.broadcast %shift_left3A_1465 : i32 to vector<16xi32>
        %shift_left3A_1467 = arith.shli %xor3A_1463, %shift_left3A_1466 : vector<16xi32>
        %shift_right_logical3A_1468 = arith.constant 16 : i32
        %shift_right_logical3A_1469 = vector.broadcast %shift_right_logical3A_1468 : i32 to vector<16xi32>
        %shift_right_logical3A_1470 = arith.shrui %xor3A_1463, %shift_right_logical3A_1469 : vector<16xi32>
        %or3A_1471 = arith.ori %shift_left3A_1467, %shift_right_logical3A_1470 : vector<16xi32>
        %xor3A_1472 = arith.xori %or3A_1471, %add3A_1464 : vector<16xi32>
        %add3A_1473 = arith.addi %add3A_1464, %xor3A_1472 : vector<16xi32>
        %shift_left3A_1474 = arith.constant 24 : i32
        %shift_left3A_1475 = vector.broadcast %shift_left3A_1474 : i32 to vector<16xi32>
        %shift_left3A_1476 = arith.shli %xor3A_1472, %shift_left3A_1475 : vector<16xi32>
        %shift_right_logical3A_1477 = arith.constant 8 : i32
        %shift_right_logical3A_1478 = vector.broadcast %shift_right_logical3A_1477 : i32 to vector<16xi32>
        %shift_right_logical3A_1479 = arith.shrui %xor3A_1472, %shift_right_logical3A_1478 : vector<16xi32>
        %or3A_1480 = arith.ori %shift_left3A_1476, %shift_right_logical3A_1479 : vector<16xi32>
        %xor3A_1481 = arith.xori %or3A_1480, %add3A_1473 : vector<16xi32>
        %add3A_1482 = arith.constant 42 : i32
        %add3A_1483 = vector.broadcast %add3A_1482 : i32 to vector<16xi32>
        %add3A_1484 = arith.addi %add3A_1473, %add3A_1483 : vector<16xi32>
        %add3A_1485 = vector.broadcast %xor3A_1310 : i32 to vector<16xi32>
        %add3A_1486 = arith.addi %xor3A_1481, %add3A_1485 : vector<16xi32>
        %add3A_1487 = arith.constant 4 : i32
        %add3A_1488 = vector.broadcast %add3A_1487 : i32 to vector<16xi32>
        %add3A_1489 = arith.addi %add3A_1486, %add3A_1488 : vector<16xi32>
        %add3A_1490 = arith.addi %add3A_1484, %add3A_1489 : vector<16xi32>
        %shift_left3A_1491 = arith.constant 13 : i32
        %shift_left3A_1492 = vector.broadcast %shift_left3A_1491 : i32 to vector<16xi32>
        %shift_left3A_1493 = arith.shli %add3A_1489, %shift_left3A_1492 : vector<16xi32>
        %shift_right_logical3A_1494 = arith.constant 19 : i32
        %shift_right_logical3A_1495 = vector.broadcast %shift_right_logical3A_1494 : i32 to vector<16xi32>
        %shift_right_logical3A_1496 = arith.shrui %add3A_1489, %shift_right_logical3A_1495 : vector<16xi32>
        %or3A_1497 = arith.ori %shift_left3A_1493, %shift_right_logical3A_1496 : vector<16xi32>
        %xor3A_1498 = arith.xori %or3A_1497, %add3A_1490 : vector<16xi32>
        %add3A_1499 = arith.addi %add3A_1490, %xor3A_1498 : vector<16xi32>
        %shift_left3A_1500 = arith.constant 15 : i32
        %shift_left3A_1501 = vector.broadcast %shift_left3A_1500 : i32 to vector<16xi32>
        %shift_left3A_1502 = arith.shli %xor3A_1498, %shift_left3A_1501 : vector<16xi32>
        %shift_right_logical3A_1503 = arith.constant 17 : i32
        %shift_right_logical3A_1504 = vector.broadcast %shift_right_logical3A_1503 : i32 to vector<16xi32>
        %shift_right_logical3A_1505 = arith.shrui %xor3A_1498, %shift_right_logical3A_1504 : vector<16xi32>
        %or3A_1506 = arith.ori %shift_left3A_1502, %shift_right_logical3A_1505 : vector<16xi32>
        %xor3A_1507 = arith.xori %or3A_1506, %add3A_1499 : vector<16xi32>
        %add3A_1508 = arith.addi %add3A_1499, %xor3A_1507 : vector<16xi32>
        %shift_left3A_1509 = arith.constant 26 : i32
        %shift_left3A_1510 = vector.broadcast %shift_left3A_1509 : i32 to vector<16xi32>
        %shift_left3A_1511 = arith.shli %xor3A_1507, %shift_left3A_1510 : vector<16xi32>
        %shift_right_logical3A_1512 = arith.constant 6 : i32
        %shift_right_logical3A_1513 = vector.broadcast %shift_right_logical3A_1512 : i32 to vector<16xi32>
        %shift_right_logical3A_1514 = arith.shrui %xor3A_1507, %shift_right_logical3A_1513 : vector<16xi32>
        %or3A_1515 = arith.ori %shift_left3A_1511, %shift_right_logical3A_1514 : vector<16xi32>
        %xor3A_1516 = arith.xori %or3A_1515, %add3A_1508 : vector<16xi32>
        %add3A_1517 = arith.addi %add3A_1508, %xor3A_1516 : vector<16xi32>
        %shift_left3A_1518 = arith.constant 6 : i32
        %shift_left3A_1519 = vector.broadcast %shift_left3A_1518 : i32 to vector<16xi32>
        %shift_left3A_1520 = arith.shli %xor3A_1516, %shift_left3A_1519 : vector<16xi32>
        %shift_right_logical3A_1521 = arith.constant 26 : i32
        %shift_right_logical3A_1522 = vector.broadcast %shift_right_logical3A_1521 : i32 to vector<16xi32>
        %shift_right_logical3A_1523 = arith.shrui %xor3A_1516, %shift_right_logical3A_1522 : vector<16xi32>
        %or3A_1524 = arith.ori %shift_left3A_1520, %shift_right_logical3A_1523 : vector<16xi32>
        %xor3A_1525 = arith.xori %or3A_1524, %add3A_1517 : vector<16xi32>
        %add3A_1526 = vector.broadcast %xor3A_1310 : i32 to vector<16xi32>
        %add3A_1527 = arith.addi %add3A_1517, %add3A_1526 : vector<16xi32>
        %add3A_1528 = arith.constant 0 : i32
        %add3A_1529 = vector.broadcast %add3A_1528 : i32 to vector<16xi32>
        %add3A_1530 = arith.addi %xor3A_1525, %add3A_1529 : vector<16xi32>
        %add3A_1531 = arith.constant 5 : i32
        %add3A_1532 = vector.broadcast %add3A_1531 : i32 to vector<16xi32>
        %add3A_1533 = arith.addi %add3A_1530, %add3A_1532 : vector<16xi32>
        %xor3A_1534 = arith.xori %add3A_1527, %add3A_1533 : vector<16xi32>
        %shift_right_logical3A_1535 = arith.constant 9 : i32
        %shift_right_logical3A_1536 = vector.broadcast %shift_right_logical3A_1535 : i32 to vector<16xi32>
        %shift_right_logical3A_1537 = arith.shrui %xor3A_1534, %shift_right_logical3A_1536 : vector<16xi32>
        %or3A_1538 = arith.constant 1065353216 : i32
        %or3A_1539 = vector.broadcast %or3A_1538 : i32 to vector<16xi32>
        %or3A_1540 = arith.ori %shift_right_logical3A_1537, %or3A_1539 : vector<16xi32>
        %bitcast_convert_type3A_1541 = tpu.bitcast %or3A_1540 : vector<16xi32> -> vector<16xf32>
        %sub3A_1542 = arith.constant 1.000000e+00 : f32
        %sub3A_1543 = vector.broadcast %sub3A_1542 : f32 to vector<16xf32>
        %sub3A_1544 = arith.subf %bitcast_convert_type3A_1541, %sub3A_1543 : vector<16xf32>
        %mul3A_1545 = arith.constant 128 : i32
        %mul3A_1546 = arith.muli %scan3A_18, %mul3A_1545 : i32
        %add3A_1547 = arith.constant 80 : i32
        %add3A_1548 = arith.addi %mul3A_1546, %add3A_1547 : i32
        %swap3A_1549 = arith.index_cast %add3A_1548 : i32 to index
        %swap3A_1550 = tpu.vector_load %arg3[%swap3A_1549] {strides = array<i32>} : memref<4096xf32, #tpu.memory_space<vmem>>, vector<16xf32>,
        %swap3A_1551 = vector.shape_cast %swap3A_1550 : vector<16xf32> to vector<16xf32>
        %swap3A_1552 = vector.shape_cast %sub3A_1544 : vector<16xf32> to vector<16xf32>
        tpu.vector_store %arg3[%swap3A_1549], %swap3A_1552 {strides = array<i32>} : memref<4096xf32, #tpu.memory_space<vmem>>, vector<16xf32>,
        %mul3A_1553 = arith.constant 128 : i32
        %mul3A_1554 = arith.muli %scan3A_18, %mul3A_1553 : i32
        %add3A_1555 = arith.addi %add3A_11, %mul3A_1554 : i32
        %add3A_1556 = arith.constant 96 : i32
        %add3A_1557 = arith.addi %add3A_1555, %add3A_1556 : i32
        %iota3A_1558 = tpu.iota {dimensions = array<i32: 0>} : vector<16xi32>
        %add3A_1559 = arith.constant 5767168 : i32
        %add3A_1560 = arith.addi %add3A_1559, %add3A_1557 : i32
        %add3A_1561 = vector.broadcast %add3A_1560 : i32 to vector<16xi32>
        %add3A_1562 = arith.addi %iota3A_1558, %add3A_1561 : vector<16xi32>
        %xor3A_1563 = arith.constant 466688986 : i32
        %xor3A_1564 = arith.constant 0 : i32
        %xor3A_1565 = arith.xori %xor3A_1563, %xor3A_1564 : i32
        %xor3A_1566 = arith.constant 42 : i32
        %xor3A_1567 = arith.xori %xor3A_1565, %xor3A_1566 : i32
        %add3A_1568 = arith.constant 42 : i32
        %add3A_1569 = vector.broadcast %add3A_1568 : i32 to vector<16xi32>
        %add3A_1570 = arith.addi %add3A_1562, %add3A_1569 : vector<16xi32>
        %shift_left3A_1571 = arith.constant 13 : i32
        %shift_left3A_1572 = vector.broadcast %shift_left3A_1571 : i32 to vector<16xi32>
        %shift_left3A_1573 = arith.shli %add3A_1570, %shift_left3A_1572 : vector<16xi32>
        %shift_right_logical3A_1574 = arith.constant 19 : i32
        %shift_right_logical3A_1575 = vector.broadcast %shift_right_logical3A_1574 : i32 to vector<16xi32>
        %shift_right_logical3A_1576 = arith.shrui %add3A_1570, %shift_right_logical3A_1575 : vector<16xi32>
        %or3A_1577 = arith.ori %shift_left3A_1573, %shift_right_logical3A_1576 : vector<16xi32>
        %xor3A_1578 = arith.xori %or3A_1577, %add3A_1570 : vector<16xi32>
        %add3A_1579 = arith.addi %add3A_1570, %xor3A_1578 : vector<16xi32>
        %shift_left3A_1580 = arith.constant 15 : i32
        %shift_left3A_1581 = vector.broadcast %shift_left3A_1580 : i32 to vector<16xi32>
        %shift_left3A_1582 = arith.shli %xor3A_1578, %shift_left3A_1581 : vector<16xi32>
        %shift_right_logical3A_1583 = arith.constant 17 : i32
        %shift_right_logical3A_1584 = vector.broadcast %shift_right_logical3A_1583 : i32 to vector<16xi32>
        %shift_right_logical3A_1585 = arith.shrui %xor3A_1578, %shift_right_logical3A_1584 : vector<16xi32>
        %or3A_1586 = arith.ori %shift_left3A_1582, %shift_right_logical3A_1585 : vector<16xi32>
        %xor3A_1587 = arith.xori %or3A_1586, %add3A_1579 : vector<16xi32>
        %add3A_1588 = arith.addi %add3A_1579, %xor3A_1587 : vector<16xi32>
        %shift_left3A_1589 = arith.constant 26 : i32
        %shift_left3A_1590 = vector.broadcast %shift_left3A_1589 : i32 to vector<16xi32>
        %shift_left3A_1591 = arith.shli %xor3A_1587, %shift_left3A_1590 : vector<16xi32>
        %shift_right_logical3A_1592 = arith.constant 6 : i32
        %shift_right_logical3A_1593 = vector.broadcast %shift_right_logical3A_1592 : i32 to vector<16xi32>
        %shift_right_logical3A_1594 = arith.shrui %xor3A_1587, %shift_right_logical3A_1593 : vector<16xi32>
        %or3A_1595 = arith.ori %shift_left3A_1591, %shift_right_logical3A_1594 : vector<16xi32>
        %xor3A_1596 = arith.xori %or3A_1595, %add3A_1588 : vector<16xi32>
        %add3A_1597 = arith.addi %add3A_1588, %xor3A_1596 : vector<16xi32>
        %shift_left3A_1598 = arith.constant 6 : i32
        %shift_left3A_1599 = vector.broadcast %shift_left3A_1598 : i32 to vector<16xi32>
        %shift_left3A_1600 = arith.shli %xor3A_1596, %shift_left3A_1599 : vector<16xi32>
        %shift_right_logical3A_1601 = arith.constant 26 : i32
        %shift_right_logical3A_1602 = vector.broadcast %shift_right_logical3A_1601 : i32 to vector<16xi32>
        %shift_right_logical3A_1603 = arith.shrui %xor3A_1596, %shift_right_logical3A_1602 : vector<16xi32>
        %or3A_1604 = arith.ori %shift_left3A_1600, %shift_right_logical3A_1603 : vector<16xi32>
        %xor3A_1605 = arith.xori %or3A_1604, %add3A_1597 : vector<16xi32>
        %add3A_1606 = arith.constant 42 : i32
        %add3A_1607 = vector.broadcast %add3A_1606 : i32 to vector<16xi32>
        %add3A_1608 = arith.addi %add3A_1597, %add3A_1607 : vector<16xi32>
        %add3A_1609 = vector.broadcast %xor3A_1567 : i32 to vector<16xi32>
        %add3A_1610 = arith.addi %xor3A_1605, %add3A_1609 : vector<16xi32>
        %add3A_1611 = arith.constant 1 : i32
        %add3A_1612 = vector.broadcast %add3A_1611 : i32 to vector<16xi32>
        %add3A_1613 = arith.addi %add3A_1610, %add3A_1612 : vector<16xi32>
        %add3A_1614 = arith.addi %add3A_1608, %add3A_1613 : vector<16xi32>
        %shift_left3A_1615 = arith.constant 17 : i32
        %shift_left3A_1616 = vector.broadcast %shift_left3A_1615 : i32 to vector<16xi32>
        %shift_left3A_1617 = arith.shli %add3A_1613, %shift_left3A_1616 : vector<16xi32>
        %shift_right_logical3A_1618 = arith.constant 15 : i32
        %shift_right_logical3A_1619 = vector.broadcast %shift_right_logical3A_1618 : i32 to vector<16xi32>
        %shift_right_logical3A_1620 = arith.shrui %add3A_1613, %shift_right_logical3A_1619 : vector<16xi32>
        %or3A_1621 = arith.ori %shift_left3A_1617, %shift_right_logical3A_1620 : vector<16xi32>
        %xor3A_1622 = arith.xori %or3A_1621, %add3A_1614 : vector<16xi32>
        %add3A_1623 = arith.addi %add3A_1614, %xor3A_1622 : vector<16xi32>
        %shift_left3A_1624 = arith.constant 29 : i32
        %shift_left3A_1625 = vector.broadcast %shift_left3A_1624 : i32 to vector<16xi32>
        %shift_left3A_1626 = arith.shli %xor3A_1622, %shift_left3A_1625 : vector<16xi32>
        %shift_right_logical3A_1627 = arith.constant 3 : i32
        %shift_right_logical3A_1628 = vector.broadcast %shift_right_logical3A_1627 : i32 to vector<16xi32>
        %shift_right_logical3A_1629 = arith.shrui %xor3A_1622, %shift_right_logical3A_1628 : vector<16xi32>
        %or3A_1630 = arith.ori %shift_left3A_1626, %shift_right_logical3A_1629 : vector<16xi32>
        %xor3A_1631 = arith.xori %or3A_1630, %add3A_1623 : vector<16xi32>
        %add3A_1632 = arith.addi %add3A_1623, %xor3A_1631 : vector<16xi32>
        %shift_left3A_1633 = arith.constant 16 : i32
        %shift_left3A_1634 = vector.broadcast %shift_left3A_1633 : i32 to vector<16xi32>
        %shift_left3A_1635 = arith.shli %xor3A_1631, %shift_left3A_1634 : vector<16xi32>
        %shift_right_logical3A_1636 = arith.constant 16 : i32
        %shift_right_logical3A_1637 = vector.broadcast %shift_right_logical3A_1636 : i32 to vector<16xi32>
        %shift_right_logical3A_1638 = arith.shrui %xor3A_1631, %shift_right_logical3A_1637 : vector<16xi32>
        %or3A_1639 = arith.ori %shift_left3A_1635, %shift_right_logical3A_1638 : vector<16xi32>
        %xor3A_1640 = arith.xori %or3A_1639, %add3A_1632 : vector<16xi32>
        %add3A_1641 = arith.addi %add3A_1632, %xor3A_1640 : vector<16xi32>
        %shift_left3A_1642 = arith.constant 24 : i32
        %shift_left3A_1643 = vector.broadcast %shift_left3A_1642 : i32 to vector<16xi32>
        %shift_left3A_1644 = arith.shli %xor3A_1640, %shift_left3A_1643 : vector<16xi32>
        %shift_right_logical3A_1645 = arith.constant 8 : i32
        %shift_right_logical3A_1646 = vector.broadcast %shift_right_logical3A_1645 : i32 to vector<16xi32>
        %shift_right_logical3A_1647 = arith.shrui %xor3A_1640, %shift_right_logical3A_1646 : vector<16xi32>
        %or3A_1648 = arith.ori %shift_left3A_1644, %shift_right_logical3A_1647 : vector<16xi32>
        %xor3A_1649 = arith.xori %or3A_1648, %add3A_1641 : vector<16xi32>
        %add3A_1650 = vector.broadcast %xor3A_1567 : i32 to vector<16xi32>
        %add3A_1651 = arith.addi %add3A_1641, %add3A_1650 : vector<16xi32>
        %add3A_1652 = arith.constant 0 : i32
        %add3A_1653 = vector.broadcast %add3A_1652 : i32 to vector<16xi32>
        %add3A_1654 = arith.addi %xor3A_1649, %add3A_1653 : vector<16xi32>
        %add3A_1655 = arith.constant 2 : i32
        %add3A_1656 = vector.broadcast %add3A_1655 : i32 to vector<16xi32>
        %add3A_1657 = arith.addi %add3A_1654, %add3A_1656 : vector<16xi32>
        %add3A_1658 = arith.addi %add3A_1651, %add3A_1657 : vector<16xi32>
        %shift_left3A_1659 = arith.constant 13 : i32
        %shift_left3A_1660 = vector.broadcast %shift_left3A_1659 : i32 to vector<16xi32>
        %shift_left3A_1661 = arith.shli %add3A_1657, %shift_left3A_1660 : vector<16xi32>
        %shift_right_logical3A_1662 = arith.constant 19 : i32
        %shift_right_logical3A_1663 = vector.broadcast %shift_right_logical3A_1662 : i32 to vector<16xi32>
        %shift_right_logical3A_1664 = arith.shrui %add3A_1657, %shift_right_logical3A_1663 : vector<16xi32>
        %or3A_1665 = arith.ori %shift_left3A_1661, %shift_right_logical3A_1664 : vector<16xi32>
        %xor3A_1666 = arith.xori %or3A_1665, %add3A_1658 : vector<16xi32>
        %add3A_1667 = arith.addi %add3A_1658, %xor3A_1666 : vector<16xi32>
        %shift_left3A_1668 = arith.constant 15 : i32
        %shift_left3A_1669 = vector.broadcast %shift_left3A_1668 : i32 to vector<16xi32>
        %shift_left3A_1670 = arith.shli %xor3A_1666, %shift_left3A_1669 : vector<16xi32>
        %shift_right_logical3A_1671 = arith.constant 17 : i32
        %shift_right_logical3A_1672 = vector.broadcast %shift_right_logical3A_1671 : i32 to vector<16xi32>
        %shift_right_logical3A_1673 = arith.shrui %xor3A_1666, %shift_right_logical3A_1672 : vector<16xi32>
        %or3A_1674 = arith.ori %shift_left3A_1670, %shift_right_logical3A_1673 : vector<16xi32>
        %xor3A_1675 = arith.xori %or3A_1674, %add3A_1667 : vector<16xi32>
        %add3A_1676 = arith.addi %add3A_1667, %xor3A_1675 : vector<16xi32>
        %shift_left3A_1677 = arith.constant 26 : i32
        %shift_left3A_1678 = vector.broadcast %shift_left3A_1677 : i32 to vector<16xi32>
        %shift_left3A_1679 = arith.shli %xor3A_1675, %shift_left3A_1678 : vector<16xi32>
        %shift_right_logical3A_1680 = arith.constant 6 : i32
        %shift_right_logical3A_1681 = vector.broadcast %shift_right_logical3A_1680 : i32 to vector<16xi32>
        %shift_right_logical3A_1682 = arith.shrui %xor3A_1675, %shift_right_logical3A_1681 : vector<16xi32>
        %or3A_1683 = arith.ori %shift_left3A_1679, %shift_right_logical3A_1682 : vector<16xi32>
        %xor3A_1684 = arith.xori %or3A_1683, %add3A_1676 : vector<16xi32>
        %add3A_1685 = arith.addi %add3A_1676, %xor3A_1684 : vector<16xi32>
        %shift_left3A_1686 = arith.constant 6 : i32
        %shift_left3A_1687 = vector.broadcast %shift_left3A_1686 : i32 to vector<16xi32>
        %shift_left3A_1688 = arith.shli %xor3A_1684, %shift_left3A_1687 : vector<16xi32>
        %shift_right_logical3A_1689 = arith.constant 26 : i32
        %shift_right_logical3A_1690 = vector.broadcast %shift_right_logical3A_1689 : i32 to vector<16xi32>
        %shift_right_logical3A_1691 = arith.shrui %xor3A_1684, %shift_right_logical3A_1690 : vector<16xi32>
        %or3A_1692 = arith.ori %shift_left3A_1688, %shift_right_logical3A_1691 : vector<16xi32>
        %xor3A_1693 = arith.xori %or3A_1692, %add3A_1685 : vector<16xi32>
        %add3A_1694 = arith.constant 0 : i32
        %add3A_1695 = vector.broadcast %add3A_1694 : i32 to vector<16xi32>
        %add3A_1696 = arith.addi %add3A_1685, %add3A_1695 : vector<16xi32>
        %add3A_1697 = arith.constant 42 : i32
        %add3A_1698 = vector.broadcast %add3A_1697 : i32 to vector<16xi32>
        %add3A_1699 = arith.addi %xor3A_1693, %add3A_1698 : vector<16xi32>
        %add3A_1700 = arith.constant 3 : i32
        %add3A_1701 = vector.broadcast %add3A_1700 : i32 to vector<16xi32>
        %add3A_1702 = arith.addi %add3A_1699, %add3A_1701 : vector<16xi32>
        %add3A_1703 = arith.addi %add3A_1696, %add3A_1702 : vector<16xi32>
        %shift_left3A_1704 = arith.constant 17 : i32
        %shift_left3A_1705 = vector.broadcast %shift_left3A_1704 : i32 to vector<16xi32>
        %shift_left3A_1706 = arith.shli %add3A_1702, %shift_left3A_1705 : vector<16xi32>
        %shift_right_logical3A_1707 = arith.constant 15 : i32
        %shift_right_logical3A_1708 = vector.broadcast %shift_right_logical3A_1707 : i32 to vector<16xi32>
        %shift_right_logical3A_1709 = arith.shrui %add3A_1702, %shift_right_logical3A_1708 : vector<16xi32>
        %or3A_1710 = arith.ori %shift_left3A_1706, %shift_right_logical3A_1709 : vector<16xi32>
        %xor3A_1711 = arith.xori %or3A_1710, %add3A_1703 : vector<16xi32>
        %add3A_1712 = arith.addi %add3A_1703, %xor3A_1711 : vector<16xi32>
        %shift_left3A_1713 = arith.constant 29 : i32
        %shift_left3A_1714 = vector.broadcast %shift_left3A_1713 : i32 to vector<16xi32>
        %shift_left3A_1715 = arith.shli %xor3A_1711, %shift_left3A_1714 : vector<16xi32>
        %shift_right_logical3A_1716 = arith.constant 3 : i32
        %shift_right_logical3A_1717 = vector.broadcast %shift_right_logical3A_1716 : i32 to vector<16xi32>
        %shift_right_logical3A_1718 = arith.shrui %xor3A_1711, %shift_right_logical3A_1717 : vector<16xi32>
        %or3A_1719 = arith.ori %shift_left3A_1715, %shift_right_logical3A_1718 : vector<16xi32>
        %xor3A_1720 = arith.xori %or3A_1719, %add3A_1712 : vector<16xi32>
        %add3A_1721 = arith.addi %add3A_1712, %xor3A_1720 : vector<16xi32>
        %shift_left3A_1722 = arith.constant 16 : i32
        %shift_left3A_1723 = vector.broadcast %shift_left3A_1722 : i32 to vector<16xi32>
        %shift_left3A_1724 = arith.shli %xor3A_1720, %shift_left3A_1723 : vector<16xi32>
        %shift_right_logical3A_1725 = arith.constant 16 : i32
        %shift_right_logical3A_1726 = vector.broadcast %shift_right_logical3A_1725 : i32 to vector<16xi32>
        %shift_right_logical3A_1727 = arith.shrui %xor3A_1720, %shift_right_logical3A_1726 : vector<16xi32>
        %or3A_1728 = arith.ori %shift_left3A_1724, %shift_right_logical3A_1727 : vector<16xi32>
        %xor3A_1729 = arith.xori %or3A_1728, %add3A_1721 : vector<16xi32>
        %add3A_1730 = arith.addi %add3A_1721, %xor3A_1729 : vector<16xi32>
        %shift_left3A_1731 = arith.constant 24 : i32
        %shift_left3A_1732 = vector.broadcast %shift_left3A_1731 : i32 to vector<16xi32>
        %shift_left3A_1733 = arith.shli %xor3A_1729, %shift_left3A_1732 : vector<16xi32>
        %shift_right_logical3A_1734 = arith.constant 8 : i32
        %shift_right_logical3A_1735 = vector.broadcast %shift_right_logical3A_1734 : i32 to vector<16xi32>
        %shift_right_logical3A_1736 = arith.shrui %xor3A_1729, %shift_right_logical3A_1735 : vector<16xi32>
        %or3A_1737 = arith.ori %shift_left3A_1733, %shift_right_logical3A_1736 : vector<16xi32>
        %xor3A_1738 = arith.xori %or3A_1737, %add3A_1730 : vector<16xi32>
        %add3A_1739 = arith.constant 42 : i32
        %add3A_1740 = vector.broadcast %add3A_1739 : i32 to vector<16xi32>
        %add3A_1741 = arith.addi %add3A_1730, %add3A_1740 : vector<16xi32>
        %add3A_1742 = vector.broadcast %xor3A_1567 : i32 to vector<16xi32>
        %add3A_1743 = arith.addi %xor3A_1738, %add3A_1742 : vector<16xi32>
        %add3A_1744 = arith.constant 4 : i32
        %add3A_1745 = vector.broadcast %add3A_1744 : i32 to vector<16xi32>
        %add3A_1746 = arith.addi %add3A_1743, %add3A_1745 : vector<16xi32>
        %add3A_1747 = arith.addi %add3A_1741, %add3A_1746 : vector<16xi32>
        %shift_left3A_1748 = arith.constant 13 : i32
        %shift_left3A_1749 = vector.broadcast %shift_left3A_1748 : i32 to vector<16xi32>
        %shift_left3A_1750 = arith.shli %add3A_1746, %shift_left3A_1749 : vector<16xi32>
        %shift_right_logical3A_1751 = arith.constant 19 : i32
        %shift_right_logical3A_1752 = vector.broadcast %shift_right_logical3A_1751 : i32 to vector<16xi32>
        %shift_right_logical3A_1753 = arith.shrui %add3A_1746, %shift_right_logical3A_1752 : vector<16xi32>
        %or3A_1754 = arith.ori %shift_left3A_1750, %shift_right_logical3A_1753 : vector<16xi32>
        %xor3A_1755 = arith.xori %or3A_1754, %add3A_1747 : vector<16xi32>
        %add3A_1756 = arith.addi %add3A_1747, %xor3A_1755 : vector<16xi32>
        %shift_left3A_1757 = arith.constant 15 : i32
        %shift_left3A_1758 = vector.broadcast %shift_left3A_1757 : i32 to vector<16xi32>
        %shift_left3A_1759 = arith.shli %xor3A_1755, %shift_left3A_1758 : vector<16xi32>
        %shift_right_logical3A_1760 = arith.constant 17 : i32
        %shift_right_logical3A_1761 = vector.broadcast %shift_right_logical3A_1760 : i32 to vector<16xi32>
        %shift_right_logical3A_1762 = arith.shrui %xor3A_1755, %shift_right_logical3A_1761 : vector<16xi32>
        %or3A_1763 = arith.ori %shift_left3A_1759, %shift_right_logical3A_1762 : vector<16xi32>
        %xor3A_1764 = arith.xori %or3A_1763, %add3A_1756 : vector<16xi32>
        %add3A_1765 = arith.addi %add3A_1756, %xor3A_1764 : vector<16xi32>
        %shift_left3A_1766 = arith.constant 26 : i32
        %shift_left3A_1767 = vector.broadcast %shift_left3A_1766 : i32 to vector<16xi32>
        %shift_left3A_1768 = arith.shli %xor3A_1764, %shift_left3A_1767 : vector<16xi32>
        %shift_right_logical3A_1769 = arith.constant 6 : i32
        %shift_right_logical3A_1770 = vector.broadcast %shift_right_logical3A_1769 : i32 to vector<16xi32>
        %shift_right_logical3A_1771 = arith.shrui %xor3A_1764, %shift_right_logical3A_1770 : vector<16xi32>
        %or3A_1772 = arith.ori %shift_left3A_1768, %shift_right_logical3A_1771 : vector<16xi32>
        %xor3A_1773 = arith.xori %or3A_1772, %add3A_1765 : vector<16xi32>
        %add3A_1774 = arith.addi %add3A_1765, %xor3A_1773 : vector<16xi32>
        %shift_left3A_1775 = arith.constant 6 : i32
        %shift_left3A_1776 = vector.broadcast %shift_left3A_1775 : i32 to vector<16xi32>
        %shift_left3A_1777 = arith.shli %xor3A_1773, %shift_left3A_1776 : vector<16xi32>
        %shift_right_logical3A_1778 = arith.constant 26 : i32
        %shift_right_logical3A_1779 = vector.broadcast %shift_right_logical3A_1778 : i32 to vector<16xi32>
        %shift_right_logical3A_1780 = arith.shrui %xor3A_1773, %shift_right_logical3A_1779 : vector<16xi32>
        %or3A_1781 = arith.ori %shift_left3A_1777, %shift_right_logical3A_1780 : vector<16xi32>
        %xor3A_1782 = arith.xori %or3A_1781, %add3A_1774 : vector<16xi32>
        %add3A_1783 = vector.broadcast %xor3A_1567 : i32 to vector<16xi32>
        %add3A_1784 = arith.addi %add3A_1774, %add3A_1783 : vector<16xi32>
        %add3A_1785 = arith.constant 0 : i32
        %add3A_1786 = vector.broadcast %add3A_1785 : i32 to vector<16xi32>
        %add3A_1787 = arith.addi %xor3A_1782, %add3A_1786 : vector<16xi32>
        %add3A_1788 = arith.constant 5 : i32
        %add3A_1789 = vector.broadcast %add3A_1788 : i32 to vector<16xi32>
        %add3A_1790 = arith.addi %add3A_1787, %add3A_1789 : vector<16xi32>
        %xor3A_1791 = arith.xori %add3A_1784, %add3A_1790 : vector<16xi32>
        %shift_right_logical3A_1792 = arith.constant 9 : i32
        %shift_right_logical3A_1793 = vector.broadcast %shift_right_logical3A_1792 : i32 to vector<16xi32>
        %shift_right_logical3A_1794 = arith.shrui %xor3A_1791, %shift_right_logical3A_1793 : vector<16xi32>
        %or3A_1795 = arith.constant 1065353216 : i32
        %or3A_1796 = vector.broadcast %or3A_1795 : i32 to vector<16xi32>
        %or3A_1797 = arith.ori %shift_right_logical3A_1794, %or3A_1796 : vector<16xi32>
        %bitcast_convert_type3A_1798 = tpu.bitcast %or3A_1797 : vector<16xi32> -> vector<16xf32>
        %sub3A_1799 = arith.constant 1.000000e+00 : f32
        %sub3A_1800 = vector.broadcast %sub3A_1799 : f32 to vector<16xf32>
        %sub3A_1801 = arith.subf %bitcast_convert_type3A_1798, %sub3A_1800 : vector<16xf32>
        %mul3A_1802 = arith.constant 128 : i32
        %mul3A_1803 = arith.muli %scan3A_18, %mul3A_1802 : i32
        %add3A_1804 = arith.constant 96 : i32
        %add3A_1805 = arith.addi %mul3A_1803, %add3A_1804 : i32
        %swap3A_1806 = arith.index_cast %add3A_1805 : i32 to index
        %swap3A_1807 = tpu.vector_load %arg3[%swap3A_1806] {strides = array<i32>} : memref<4096xf32, #tpu.memory_space<vmem>>, vector<16xf32>,
        %swap3A_1808 = vector.shape_cast %swap3A_1807 : vector<16xf32> to vector<16xf32>
        %swap3A_1809 = vector.shape_cast %sub3A_1801 : vector<16xf32> to vector<16xf32>
        tpu.vector_store %arg3[%swap3A_1806], %swap3A_1809 {strides = array<i32>} : memref<4096xf32, #tpu.memory_space<vmem>>, vector<16xf32>,
        %mul3A_1810 = arith.constant 128 : i32
        %mul3A_1811 = arith.muli %scan3A_18, %mul3A_1810 : i32
        %add3A_1812 = arith.addi %add3A_11, %mul3A_1811 : i32
        %add3A_1813 = arith.constant 112 : i32
        %add3A_1814 = arith.addi %add3A_1812, %add3A_1813 : i32
        %iota3A_1815 = tpu.iota {dimensions = array<i32: 0>} : vector<16xi32>
        %add3A_1816 = arith.constant 5767168 : i32
        %add3A_1817 = arith.addi %add3A_1816, %add3A_1814 : i32
        %add3A_1818 = vector.broadcast %add3A_1817 : i32 to vector<16xi32>
        %add3A_1819 = arith.addi %iota3A_1815, %add3A_1818 : vector<16xi32>
        %xor3A_1820 = arith.constant 466688986 : i32
        %xor3A_1821 = arith.constant 0 : i32
        %xor3A_1822 = arith.xori %xor3A_1820, %xor3A_1821 : i32
        %xor3A_1823 = arith.constant 42 : i32
        %xor3A_1824 = arith.xori %xor3A_1822, %xor3A_1823 : i32
        %add3A_1825 = arith.constant 42 : i32
        %add3A_1826 = vector.broadcast %add3A_1825 : i32 to vector<16xi32>
        %add3A_1827 = arith.addi %add3A_1819, %add3A_1826 : vector<16xi32>
        %shift_left3A_1828 = arith.constant 13 : i32
        %shift_left3A_1829 = vector.broadcast %shift_left3A_1828 : i32 to vector<16xi32>
        %shift_left3A_1830 = arith.shli %add3A_1827, %shift_left3A_1829 : vector<16xi32>
        %shift_right_logical3A_1831 = arith.constant 19 : i32
        %shift_right_logical3A_1832 = vector.broadcast %shift_right_logical3A_1831 : i32 to vector<16xi32>
        %shift_right_logical3A_1833 = arith.shrui %add3A_1827, %shift_right_logical3A_1832 : vector<16xi32>
        %or3A_1834 = arith.ori %shift_left3A_1830, %shift_right_logical3A_1833 : vector<16xi32>
        %xor3A_1835 = arith.xori %or3A_1834, %add3A_1827 : vector<16xi32>
        %add3A_1836 = arith.addi %add3A_1827, %xor3A_1835 : vector<16xi32>
        %shift_left3A_1837 = arith.constant 15 : i32
        %shift_left3A_1838 = vector.broadcast %shift_left3A_1837 : i32 to vector<16xi32>
        %shift_left3A_1839 = arith.shli %xor3A_1835, %shift_left3A_1838 : vector<16xi32>
        %shift_right_logical3A_1840 = arith.constant 17 : i32
        %shift_right_logical3A_1841 = vector.broadcast %shift_right_logical3A_1840 : i32 to vector<16xi32>
        %shift_right_logical3A_1842 = arith.shrui %xor3A_1835, %shift_right_logical3A_1841 : vector<16xi32>
        %or3A_1843 = arith.ori %shift_left3A_1839, %shift_right_logical3A_1842 : vector<16xi32>
        %xor3A_1844 = arith.xori %or3A_1843, %add3A_1836 : vector<16xi32>
        %add3A_1845 = arith.addi %add3A_1836, %xor3A_1844 : vector<16xi32>
        %shift_left3A_1846 = arith.constant 26 : i32
        %shift_left3A_1847 = vector.broadcast %shift_left3A_1846 : i32 to vector<16xi32>
        %shift_left3A_1848 = arith.shli %xor3A_1844, %shift_left3A_1847 : vector<16xi32>
        %shift_right_logical3A_1849 = arith.constant 6 : i32
        %shift_right_logical3A_1850 = vector.broadcast %shift_right_logical3A_1849 : i32 to vector<16xi32>
        %shift_right_logical3A_1851 = arith.shrui %xor3A_1844, %shift_right_logical3A_1850 : vector<16xi32>
        %or3A_1852 = arith.ori %shift_left3A_1848, %shift_right_logical3A_1851 : vector<16xi32>
        %xor3A_1853 = arith.xori %or3A_1852, %add3A_1845 : vector<16xi32>
        %add3A_1854 = arith.addi %add3A_1845, %xor3A_1853 : vector<16xi32>
        %shift_left3A_1855 = arith.constant 6 : i32
        %shift_left3A_1856 = vector.broadcast %shift_left3A_1855 : i32 to vector<16xi32>
        %shift_left3A_1857 = arith.shli %xor3A_1853, %shift_left3A_1856 : vector<16xi32>
        %shift_right_logical3A_1858 = arith.constant 26 : i32
        %shift_right_logical3A_1859 = vector.broadcast %shift_right_logical3A_1858 : i32 to vector<16xi32>
        %shift_right_logical3A_1860 = arith.shrui %xor3A_1853, %shift_right_logical3A_1859 : vector<16xi32>
        %or3A_1861 = arith.ori %shift_left3A_1857, %shift_right_logical3A_1860 : vector<16xi32>
        %xor3A_1862 = arith.xori %or3A_1861, %add3A_1854 : vector<16xi32>
        %add3A_1863 = arith.constant 42 : i32
        %add3A_1864 = vector.broadcast %add3A_1863 : i32 to vector<16xi32>
        %add3A_1865 = arith.addi %add3A_1854, %add3A_1864 : vector<16xi32>
        %add3A_1866 = vector.broadcast %xor3A_1824 : i32 to vector<16xi32>
        %add3A_1867 = arith.addi %xor3A_1862, %add3A_1866 : vector<16xi32>
        %add3A_1868 = arith.constant 1 : i32
        %add3A_1869 = vector.broadcast %add3A_1868 : i32 to vector<16xi32>
        %add3A_1870 = arith.addi %add3A_1867, %add3A_1869 : vector<16xi32>
        %add3A_1871 = arith.addi %add3A_1865, %add3A_1870 : vector<16xi32>
        %shift_left3A_1872 = arith.constant 17 : i32
        %shift_left3A_1873 = vector.broadcast %shift_left3A_1872 : i32 to vector<16xi32>
        %shift_left3A_1874 = arith.shli %add3A_1870, %shift_left3A_1873 : vector<16xi32>
        %shift_right_logical3A_1875 = arith.constant 15 : i32
        %shift_right_logical3A_1876 = vector.broadcast %shift_right_logical3A_1875 : i32 to vector<16xi32>
        %shift_right_logical3A_1877 = arith.shrui %add3A_1870, %shift_right_logical3A_1876 : vector<16xi32>
        %or3A_1878 = arith.ori %shift_left3A_1874, %shift_right_logical3A_1877 : vector<16xi32>
        %xor3A_1879 = arith.xori %or3A_1878, %add3A_1871 : vector<16xi32>
        %add3A_1880 = arith.addi %add3A_1871, %xor3A_1879 : vector<16xi32>
        %shift_left3A_1881 = arith.constant 29 : i32
        %shift_left3A_1882 = vector.broadcast %shift_left3A_1881 : i32 to vector<16xi32>
        %shift_left3A_1883 = arith.shli %xor3A_1879, %shift_left3A_1882 : vector<16xi32>
        %shift_right_logical3A_1884 = arith.constant 3 : i32
        %shift_right_logical3A_1885 = vector.broadcast %shift_right_logical3A_1884 : i32 to vector<16xi32>
        %shift_right_logical3A_1886 = arith.shrui %xor3A_1879, %shift_right_logical3A_1885 : vector<16xi32>
        %or3A_1887 = arith.ori %shift_left3A_1883, %shift_right_logical3A_1886 : vector<16xi32>
        %xor3A_1888 = arith.xori %or3A_1887, %add3A_1880 : vector<16xi32>
        %add3A_1889 = arith.addi %add3A_1880, %xor3A_1888 : vector<16xi32>
        %shift_left3A_1890 = arith.constant 16 : i32
        %shift_left3A_1891 = vector.broadcast %shift_left3A_1890 : i32 to vector<16xi32>
        %shift_left3A_1892 = arith.shli %xor3A_1888, %shift_left3A_1891 : vector<16xi32>
        %shift_right_logical3A_1893 = arith.constant 16 : i32
        %shift_right_logical3A_1894 = vector.broadcast %shift_right_logical3A_1893 : i32 to vector<16xi32>
        %shift_right_logical3A_1895 = arith.shrui %xor3A_1888, %shift_right_logical3A_1894 : vector<16xi32>
        %or3A_1896 = arith.ori %shift_left3A_1892, %shift_right_logical3A_1895 : vector<16xi32>
        %xor3A_1897 = arith.xori %or3A_1896, %add3A_1889 : vector<16xi32>
        %add3A_1898 = arith.addi %add3A_1889, %xor3A_1897 : vector<16xi32>
        %shift_left3A_1899 = arith.constant 24 : i32
        %shift_left3A_1900 = vector.broadcast %shift_left3A_1899 : i32 to vector<16xi32>
        %shift_left3A_1901 = arith.shli %xor3A_1897, %shift_left3A_1900 : vector<16xi32>
        %shift_right_logical3A_1902 = arith.constant 8 : i32
        %shift_right_logical3A_1903 = vector.broadcast %shift_right_logical3A_1902 : i32 to vector<16xi32>
        %shift_right_logical3A_1904 = arith.shrui %xor3A_1897, %shift_right_logical3A_1903 : vector<16xi32>
        %or3A_1905 = arith.ori %shift_left3A_1901, %shift_right_logical3A_1904 : vector<16xi32>
        %xor3A_1906 = arith.xori %or3A_1905, %add3A_1898 : vector<16xi32>
        %add3A_1907 = vector.broadcast %xor3A_1824 : i32 to vector<16xi32>
        %add3A_1908 = arith.addi %add3A_1898, %add3A_1907 : vector<16xi32>
        %add3A_1909 = arith.constant 0 : i32
        %add3A_1910 = vector.broadcast %add3A_1909 : i32 to vector<16xi32>
        %add3A_1911 = arith.addi %xor3A_1906, %add3A_1910 : vector<16xi32>
        %add3A_1912 = arith.constant 2 : i32
        %add3A_1913 = vector.broadcast %add3A_1912 : i32 to vector<16xi32>
        %add3A_1914 = arith.addi %add3A_1911, %add3A_1913 : vector<16xi32>
        %add3A_1915 = arith.addi %add3A_1908, %add3A_1914 : vector<16xi32>
        %shift_left3A_1916 = arith.constant 13 : i32
        %shift_left3A_1917 = vector.broadcast %shift_left3A_1916 : i32 to vector<16xi32>
        %shift_left3A_1918 = arith.shli %add3A_1914, %shift_left3A_1917 : vector<16xi32>
        %shift_right_logical3A_1919 = arith.constant 19 : i32
        %shift_right_logical3A_1920 = vector.broadcast %shift_right_logical3A_1919 : i32 to vector<16xi32>
        %shift_right_logical3A_1921 = arith.shrui %add3A_1914, %shift_right_logical3A_1920 : vector<16xi32>
        %or3A_1922 = arith.ori %shift_left3A_1918, %shift_right_logical3A_1921 : vector<16xi32>
        %xor3A_1923 = arith.xori %or3A_1922, %add3A_1915 : vector<16xi32>
        %add3A_1924 = arith.addi %add3A_1915, %xor3A_1923 : vector<16xi32>
        %shift_left3A_1925 = arith.constant 15 : i32
        %shift_left3A_1926 = vector.broadcast %shift_left3A_1925 : i32 to vector<16xi32>
        %shift_left3A_1927 = arith.shli %xor3A_1923, %shift_left3A_1926 : vector<16xi32>
        %shift_right_logical3A_1928 = arith.constant 17 : i32
        %shift_right_logical3A_1929 = vector.broadcast %shift_right_logical3A_1928 : i32 to vector<16xi32>
        %shift_right_logical3A_1930 = arith.shrui %xor3A_1923, %shift_right_logical3A_1929 : vector<16xi32>
        %or3A_1931 = arith.ori %shift_left3A_1927, %shift_right_logical3A_1930 : vector<16xi32>
        %xor3A_1932 = arith.xori %or3A_1931, %add3A_1924 : vector<16xi32>
        %add3A_1933 = arith.addi %add3A_1924, %xor3A_1932 : vector<16xi32>
        %shift_left3A_1934 = arith.constant 26 : i32
        %shift_left3A_1935 = vector.broadcast %shift_left3A_1934 : i32 to vector<16xi32>
        %shift_left3A_1936 = arith.shli %xor3A_1932, %shift_left3A_1935 : vector<16xi32>
        %shift_right_logical3A_1937 = arith.constant 6 : i32
        %shift_right_logical3A_1938 = vector.broadcast %shift_right_logical3A_1937 : i32 to vector<16xi32>
        %shift_right_logical3A_1939 = arith.shrui %xor3A_1932, %shift_right_logical3A_1938 : vector<16xi32>
        %or3A_1940 = arith.ori %shift_left3A_1936, %shift_right_logical3A_1939 : vector<16xi32>
        %xor3A_1941 = arith.xori %or3A_1940, %add3A_1933 : vector<16xi32>
        %add3A_1942 = arith.addi %add3A_1933, %xor3A_1941 : vector<16xi32>
        %shift_left3A_1943 = arith.constant 6 : i32
        %shift_left3A_1944 = vector.broadcast %shift_left3A_1943 : i32 to vector<16xi32>
        %shift_left3A_1945 = arith.shli %xor3A_1941, %shift_left3A_1944 : vector<16xi32>
        %shift_right_logical3A_1946 = arith.constant 26 : i32
        %shift_right_logical3A_1947 = vector.broadcast %shift_right_logical3A_1946 : i32 to vector<16xi32>
        %shift_right_logical3A_1948 = arith.shrui %xor3A_1941, %shift_right_logical3A_1947 : vector<16xi32>
        %or3A_1949 = arith.ori %shift_left3A_1945, %shift_right_logical3A_1948 : vector<16xi32>
        %xor3A_1950 = arith.xori %or3A_1949, %add3A_1942 : vector<16xi32>
        %add3A_1951 = arith.constant 0 : i32
        %add3A_1952 = vector.broadcast %add3A_1951 : i32 to vector<16xi32>
        %add3A_1953 = arith.addi %add3A_1942, %add3A_1952 : vector<16xi32>
        %add3A_1954 = arith.constant 42 : i32
        %add3A_1955 = vector.broadcast %add3A_1954 : i32 to vector<16xi32>
        %add3A_1956 = arith.addi %xor3A_1950, %add3A_1955 : vector<16xi32>
        %add3A_1957 = arith.constant 3 : i32
        %add3A_1958 = vector.broadcast %add3A_1957 : i32 to vector<16xi32>
        %add3A_1959 = arith.addi %add3A_1956, %add3A_1958 : vector<16xi32>
        %add3A_1960 = arith.addi %add3A_1953, %add3A_1959 : vector<16xi32>
        %shift_left3A_1961 = arith.constant 17 : i32
        %shift_left3A_1962 = vector.broadcast %shift_left3A_1961 : i32 to vector<16xi32>
        %shift_left3A_1963 = arith.shli %add3A_1959, %shift_left3A_1962 : vector<16xi32>
        %shift_right_logical3A_1964 = arith.constant 15 : i32
        %shift_right_logical3A_1965 = vector.broadcast %shift_right_logical3A_1964 : i32 to vector<16xi32>
        %shift_right_logical3A_1966 = arith.shrui %add3A_1959, %shift_right_logical3A_1965 : vector<16xi32>
        %or3A_1967 = arith.ori %shift_left3A_1963, %shift_right_logical3A_1966 : vector<16xi32>
        %xor3A_1968 = arith.xori %or3A_1967, %add3A_1960 : vector<16xi32>
        %add3A_1969 = arith.addi %add3A_1960, %xor3A_1968 : vector<16xi32>
        %shift_left3A_1970 = arith.constant 29 : i32
        %shift_left3A_1971 = vector.broadcast %shift_left3A_1970 : i32 to vector<16xi32>
        %shift_left3A_1972 = arith.shli %xor3A_1968, %shift_left3A_1971 : vector<16xi32>
        %shift_right_logical3A_1973 = arith.constant 3 : i32
        %shift_right_logical3A_1974 = vector.broadcast %shift_right_logical3A_1973 : i32 to vector<16xi32>
        %shift_right_logical3A_1975 = arith.shrui %xor3A_1968, %shift_right_logical3A_1974 : vector<16xi32>
        %or3A_1976 = arith.ori %shift_left3A_1972, %shift_right_logical3A_1975 : vector<16xi32>
        %xor3A_1977 = arith.xori %or3A_1976, %add3A_1969 : vector<16xi32>
        %add3A_1978 = arith.addi %add3A_1969, %xor3A_1977 : vector<16xi32>
        %shift_left3A_1979 = arith.constant 16 : i32
        %shift_left3A_1980 = vector.broadcast %shift_left3A_1979 : i32 to vector<16xi32>
        %shift_left3A_1981 = arith.shli %xor3A_1977, %shift_left3A_1980 : vector<16xi32>
        %shift_right_logical3A_1982 = arith.constant 16 : i32
        %shift_right_logical3A_1983 = vector.broadcast %shift_right_logical3A_1982 : i32 to vector<16xi32>
        %shift_right_logical3A_1984 = arith.shrui %xor3A_1977, %shift_right_logical3A_1983 : vector<16xi32>
        %or3A_1985 = arith.ori %shift_left3A_1981, %shift_right_logical3A_1984 : vector<16xi32>
        %xor3A_1986 = arith.xori %or3A_1985, %add3A_1978 : vector<16xi32>
        %add3A_1987 = arith.addi %add3A_1978, %xor3A_1986 : vector<16xi32>
        %shift_left3A_1988 = arith.constant 24 : i32
        %shift_left3A_1989 = vector.broadcast %shift_left3A_1988 : i32 to vector<16xi32>
        %shift_left3A_1990 = arith.shli %xor3A_1986, %shift_left3A_1989 : vector<16xi32>
        %shift_right_logical3A_1991 = arith.constant 8 : i32
        %shift_right_logical3A_1992 = vector.broadcast %shift_right_logical3A_1991 : i32 to vector<16xi32>
        %shift_right_logical3A_1993 = arith.shrui %xor3A_1986, %shift_right_logical3A_1992 : vector<16xi32>
        %or3A_1994 = arith.ori %shift_left3A_1990, %shift_right_logical3A_1993 : vector<16xi32>
        %xor3A_1995 = arith.xori %or3A_1994, %add3A_1987 : vector<16xi32>
        %add3A_1996 = arith.constant 42 : i32
        %add3A_1997 = vector.broadcast %add3A_1996 : i32 to vector<16xi32>
        %add3A_1998 = arith.addi %add3A_1987, %add3A_1997 : vector<16xi32>
        %add3A_1999 = vector.broadcast %xor3A_1824 : i32 to vector<16xi32>
        %add3A_2000 = arith.addi %xor3A_1995, %add3A_1999 : vector<16xi32>
        %add3A_2001 = arith.constant 4 : i32
        %add3A_2002 = vector.broadcast %add3A_2001 : i32 to vector<16xi32>
        %add3A_2003 = arith.addi %add3A_2000, %add3A_2002 : vector<16xi32>
        %add3A_2004 = arith.addi %add3A_1998, %add3A_2003 : vector<16xi32>
        %shift_left3A_2005 = arith.constant 13 : i32
        %shift_left3A_2006 = vector.broadcast %shift_left3A_2005 : i32 to vector<16xi32>
        %shift_left3A_2007 = arith.shli %add3A_2003, %shift_left3A_2006 : vector<16xi32>
        %shift_right_logical3A_2008 = arith.constant 19 : i32
        %shift_right_logical3A_2009 = vector.broadcast %shift_right_logical3A_2008 : i32 to vector<16xi32>
        %shift_right_logical3A_2010 = arith.shrui %add3A_2003, %shift_right_logical3A_2009 : vector<16xi32>
        %or3A_2011 = arith.ori %shift_left3A_2007, %shift_right_logical3A_2010 : vector<16xi32>
        %xor3A_2012 = arith.xori %or3A_2011, %add3A_2004 : vector<16xi32>
        %add3A_2013 = arith.addi %add3A_2004, %xor3A_2012 : vector<16xi32>
        %shift_left3A_2014 = arith.constant 15 : i32
        %shift_left3A_2015 = vector.broadcast %shift_left3A_2014 : i32 to vector<16xi32>
        %shift_left3A_2016 = arith.shli %xor3A_2012, %shift_left3A_2015 : vector<16xi32>
        %shift_right_logical3A_2017 = arith.constant 17 : i32
        %shift_right_logical3A_2018 = vector.broadcast %shift_right_logical3A_2017 : i32 to vector<16xi32>
        %shift_right_logical3A_2019 = arith.shrui %xor3A_2012, %shift_right_logical3A_2018 : vector<16xi32>
        %or3A_2020 = arith.ori %shift_left3A_2016, %shift_right_logical3A_2019 : vector<16xi32>
        %xor3A_2021 = arith.xori %or3A_2020, %add3A_2013 : vector<16xi32>
        %add3A_2022 = arith.addi %add3A_2013, %xor3A_2021 : vector<16xi32>
        %shift_left3A_2023 = arith.constant 26 : i32
        %shift_left3A_2024 = vector.broadcast %shift_left3A_2023 : i32 to vector<16xi32>
        %shift_left3A_2025 = arith.shli %xor3A_2021, %shift_left3A_2024 : vector<16xi32>
        %shift_right_logical3A_2026 = arith.constant 6 : i32
        %shift_right_logical3A_2027 = vector.broadcast %shift_right_logical3A_2026 : i32 to vector<16xi32>
        %shift_right_logical3A_2028 = arith.shrui %xor3A_2021, %shift_right_logical3A_2027 : vector<16xi32>
        %or3A_2029 = arith.ori %shift_left3A_2025, %shift_right_logical3A_2028 : vector<16xi32>
        %xor3A_2030 = arith.xori %or3A_2029, %add3A_2022 : vector<16xi32>
        %add3A_2031 = arith.addi %add3A_2022, %xor3A_2030 : vector<16xi32>
        %shift_left3A_2032 = arith.constant 6 : i32
        %shift_left3A_2033 = vector.broadcast %shift_left3A_2032 : i32 to vector<16xi32>
        %shift_left3A_2034 = arith.shli %xor3A_2030, %shift_left3A_2033 : vector<16xi32>
        %shift_right_logical3A_2035 = arith.constant 26 : i32
        %shift_right_logical3A_2036 = vector.broadcast %shift_right_logical3A_2035 : i32 to vector<16xi32>
        %shift_right_logical3A_2037 = arith.shrui %xor3A_2030, %shift_right_logical3A_2036 : vector<16xi32>
        %or3A_2038 = arith.ori %shift_left3A_2034, %shift_right_logical3A_2037 : vector<16xi32>
        %xor3A_2039 = arith.xori %or3A_2038, %add3A_2031 : vector<16xi32>
        %add3A_2040 = vector.broadcast %xor3A_1824 : i32 to vector<16xi32>
        %add3A_2041 = arith.addi %add3A_2031, %add3A_2040 : vector<16xi32>
        %add3A_2042 = arith.constant 0 : i32
        %add3A_2043 = vector.broadcast %add3A_2042 : i32 to vector<16xi32>
        %add3A_2044 = arith.addi %xor3A_2039, %add3A_2043 : vector<16xi32>
        %add3A_2045 = arith.constant 5 : i32
        %add3A_2046 = vector.broadcast %add3A_2045 : i32 to vector<16xi32>
        %add3A_2047 = arith.addi %add3A_2044, %add3A_2046 : vector<16xi32>
        %xor3A_2048 = arith.xori %add3A_2041, %add3A_2047 : vector<16xi32>
        %shift_right_logical3A_2049 = arith.constant 9 : i32
        %shift_right_logical3A_2050 = vector.broadcast %shift_right_logical3A_2049 : i32 to vector<16xi32>
        %shift_right_logical3A_2051 = arith.shrui %xor3A_2048, %shift_right_logical3A_2050 : vector<16xi32>
        %or3A_2052 = arith.constant 1065353216 : i32
        %or3A_2053 = vector.broadcast %or3A_2052 : i32 to vector<16xi32>
        %or3A_2054 = arith.ori %shift_right_logical3A_2051, %or3A_2053 : vector<16xi32>
        %bitcast_convert_type3A_2055 = tpu.bitcast %or3A_2054 : vector<16xi32> -> vector<16xf32>
        %sub3A_2056 = arith.constant 1.000000e+00 : f32
        %sub3A_2057 = vector.broadcast %sub3A_2056 : f32 to vector<16xf32>
        %sub3A_2058 = arith.subf %bitcast_convert_type3A_2055, %sub3A_2057 : vector<16xf32>
        %mul3A_2059 = arith.constant 128 : i32
        %mul3A_2060 = arith.muli %scan3A_18, %mul3A_2059 : i32
        %add3A_2061 = arith.constant 112 : i32
        %add3A_2062 = arith.addi %mul3A_2060, %add3A_2061 : i32
        %swap3A_2063 = arith.index_cast %add3A_2062 : i32 to index
        %swap3A_2064 = tpu.vector_load %arg3[%swap3A_2063] {strides = array<i32>} : memref<4096xf32, #tpu.memory_space<vmem>>, vector<16xf32>,
        %swap3A_2065 = vector.shape_cast %swap3A_2064 : vector<16xf32> to vector<16xf32>
        %swap3A_2066 = vector.shape_cast %sub3A_2058 : vector<16xf32> to vector<16xf32>
        tpu.vector_store %arg3[%swap3A_2063], %swap3A_2066 {strides = array<i32>} : memref<4096xf32, #tpu.memory_space<vmem>>, vector<16xf32>,
      }
      %scan3A_17 = arith.constant 32 : i32
      "tpu.region"() ({
        %run_scoped3A = tpu.sem_alloc : memref<!tpu.dma_semaphore, #tpu.memory_space<semaphore_mem>>
        %dma_start3A = tpu.memref_slice %arg2[%add3A_11] : memref<2621440xf32, #tpu.memory_space<hbm>> -> memref<4096xf32, #tpu.memory_space<hbm>>
        %dma_start3A_18 = tpu.memref_slice %arg2[%add3A_11] : memref<2621440xf32, #tpu.memory_space<hbm>> -> memref<4096xf32, #tpu.memory_space<hbm>>
        tpu.enqueue_dma source(%arg3 : memref<4096xf32, #tpu.memory_space<vmem>>) target(%dma_start3A_18 : memref<4096xf32, #tpu.memory_space<hbm>>) target_semaphore(%run_scoped3A : memref<!tpu.dma_semaphore, #tpu.memory_space<semaphore_mem>>)
        %dma_wait3A = tpu.memref_slice %arg2[%add3A_11] : memref<2621440xf32, #tpu.memory_space<hbm>> -> memref<4096xf32, #tpu.memory_space<hbm>>
        %dma_wait3A_19 = tpu.memref_slice %arg2[%add3A_11] : memref<2621440xf32, #tpu.memory_space<hbm>> -> memref<4096xf32, #tpu.memory_space<hbm>>
        tpu.wait_dma2 semaphore(%run_scoped3A : memref<!tpu.dma_semaphore, #tpu.memory_space<semaphore_mem>>) src(%arg3 : memref<4096xf32, #tpu.memory_space<vmem>>) dst(%dma_wait3A_19 : memref<4096xf32, #tpu.memory_space<hbm>>)
        tpu.yield
      }) : () -> ()
    }
    %scan3A_7 = arith.constant 20 : i32
    return
  }
}

module attributes {stable_mosaic.version = 14 : i64} {
  func.func @_tc_main_body(%arg0: i32, %arg1: memref<1x32x4096xf32, #tpu.memory_space<vmem>>, %arg2: memref<1x1x4096xf32, #tpu.memory_space<vmem>>) attributes {dimension_semantics = [#tpu.dimension_semantics<arbitrary>], iteration_bounds = array<i64: 44>, scalar_prefetch = 0 : i64, scratch_operands = 0 : i64, tpu.core_type = #tpu.core_type<tc>, window_params = [{transform_indices = @transform_0, window_bounds = array<i64: 1, 32, 4096>}, {transform_indices = @transform_1, window_bounds = array<i64: 1, 1, 4096>}]} {
    %mul3A = arith.constant 131072 : i32
    %mul3A_0 = arith.muli %arg0, %mul3A : i32
    %iota3A = tpu.iota {dimensions = array<i32: 0>} : vector<32x4096xi32>
    %shift_left3A = arith.constant 12 : i32
    %shift_left3A_1 = vector.broadcast %shift_left3A : i32 to vector<32x4096xi32>
    %shift_left3A_2 = arith.shli %iota3A, %shift_left3A_1 : vector<32x4096xi32>
    %iota3A_3 = tpu.iota {dimensions = array<i32: 1>} : vector<32x4096xi32>
    %add3A = vector.broadcast %mul3A_0 : i32 to vector<32x4096xi32>
    %add3A_4 = arith.addi %add3A, %shift_left3A_2 : vector<32x4096xi32>
    %add3A_5 = arith.addi %add3A_4, %iota3A_3 : vector<32x4096xi32>
    %xor3A = arith.constant 466688986 : i32
    %xor3A_6 = arith.constant 0 : i32
    %xor3A_7 = arith.xori %xor3A, %xor3A_6 : i32
    %xor3A_8 = arith.constant 42 : i32
    %xor3A_9 = arith.xori %xor3A_7, %xor3A_8 : i32
    %add3A_10 = arith.constant 42 : i32
    %add3A_11 = vector.broadcast %add3A_10 : i32 to vector<32x4096xi32>
    %add3A_12 = arith.addi %add3A_5, %add3A_11 : vector<32x4096xi32>
    %shift_left3A_13 = arith.constant 13 : i32
    %shift_left3A_14 = vector.broadcast %shift_left3A_13 : i32 to vector<32x4096xi32>
    %shift_left3A_15 = arith.shli %add3A_12, %shift_left3A_14 : vector<32x4096xi32>
    %shift_right_logical3A = arith.constant 19 : i32
    %shift_right_logical3A_16 = vector.broadcast %shift_right_logical3A : i32 to vector<32x4096xi32>
    %shift_right_logical3A_17 = arith.shrui %add3A_12, %shift_right_logical3A_16 : vector<32x4096xi32>
    %or3A = arith.ori %shift_left3A_15, %shift_right_logical3A_17 : vector<32x4096xi32>
    %xor3A_18 = arith.xori %or3A, %add3A_12 : vector<32x4096xi32>
    %add3A_19 = arith.addi %add3A_12, %xor3A_18 : vector<32x4096xi32>
    %shift_left3A_20 = arith.constant 15 : i32
    %shift_left3A_21 = vector.broadcast %shift_left3A_20 : i32 to vector<32x4096xi32>
    %shift_left3A_22 = arith.shli %xor3A_18, %shift_left3A_21 : vector<32x4096xi32>
    %shift_right_logical3A_23 = arith.constant 17 : i32
    %shift_right_logical3A_24 = vector.broadcast %shift_right_logical3A_23 : i32 to vector<32x4096xi32>
    %shift_right_logical3A_25 = arith.shrui %xor3A_18, %shift_right_logical3A_24 : vector<32x4096xi32>
    %or3A_26 = arith.ori %shift_left3A_22, %shift_right_logical3A_25 : vector<32x4096xi32>
    %xor3A_27 = arith.xori %or3A_26, %add3A_19 : vector<32x4096xi32>
    %add3A_28 = arith.addi %add3A_19, %xor3A_27 : vector<32x4096xi32>
    %shift_left3A_29 = arith.constant 26 : i32
    %shift_left3A_30 = vector.broadcast %shift_left3A_29 : i32 to vector<32x4096xi32>
    %shift_left3A_31 = arith.shli %xor3A_27, %shift_left3A_30 : vector<32x4096xi32>
    %shift_right_logical3A_32 = arith.constant 6 : i32
    %shift_right_logical3A_33 = vector.broadcast %shift_right_logical3A_32 : i32 to vector<32x4096xi32>
    %shift_right_logical3A_34 = arith.shrui %xor3A_27, %shift_right_logical3A_33 : vector<32x4096xi32>
    %or3A_35 = arith.ori %shift_left3A_31, %shift_right_logical3A_34 : vector<32x4096xi32>
    %xor3A_36 = arith.xori %or3A_35, %add3A_28 : vector<32x4096xi32>
    %add3A_37 = arith.addi %add3A_28, %xor3A_36 : vector<32x4096xi32>
    %shift_left3A_38 = arith.constant 6 : i32
    %shift_left3A_39 = vector.broadcast %shift_left3A_38 : i32 to vector<32x4096xi32>
    %shift_left3A_40 = arith.shli %xor3A_36, %shift_left3A_39 : vector<32x4096xi32>
    %shift_right_logical3A_41 = arith.constant 26 : i32
    %shift_right_logical3A_42 = vector.broadcast %shift_right_logical3A_41 : i32 to vector<32x4096xi32>
    %shift_right_logical3A_43 = arith.shrui %xor3A_36, %shift_right_logical3A_42 : vector<32x4096xi32>
    %or3A_44 = arith.ori %shift_left3A_40, %shift_right_logical3A_43 : vector<32x4096xi32>
    %xor3A_45 = arith.xori %or3A_44, %add3A_37 : vector<32x4096xi32>
    %add3A_46 = arith.constant 42 : i32
    %add3A_47 = vector.broadcast %add3A_46 : i32 to vector<32x4096xi32>
    %add3A_48 = arith.addi %add3A_37, %add3A_47 : vector<32x4096xi32>
    %add3A_49 = vector.broadcast %xor3A_9 : i32 to vector<32x4096xi32>
    %add3A_50 = arith.addi %xor3A_45, %add3A_49 : vector<32x4096xi32>
    %add3A_51 = arith.constant 1 : i32
    %add3A_52 = vector.broadcast %add3A_51 : i32 to vector<32x4096xi32>
    %add3A_53 = arith.addi %add3A_50, %add3A_52 : vector<32x4096xi32>
    %add3A_54 = arith.addi %add3A_48, %add3A_53 : vector<32x4096xi32>
    %shift_left3A_55 = arith.constant 17 : i32
    %shift_left3A_56 = vector.broadcast %shift_left3A_55 : i32 to vector<32x4096xi32>
    %shift_left3A_57 = arith.shli %add3A_53, %shift_left3A_56 : vector<32x4096xi32>
    %shift_right_logical3A_58 = arith.constant 15 : i32
    %shift_right_logical3A_59 = vector.broadcast %shift_right_logical3A_58 : i32 to vector<32x4096xi32>
    %shift_right_logical3A_60 = arith.shrui %add3A_53, %shift_right_logical3A_59 : vector<32x4096xi32>
    %or3A_61 = arith.ori %shift_left3A_57, %shift_right_logical3A_60 : vector<32x4096xi32>
    %xor3A_62 = arith.xori %or3A_61, %add3A_54 : vector<32x4096xi32>
    %add3A_63 = arith.addi %add3A_54, %xor3A_62 : vector<32x4096xi32>
    %shift_left3A_64 = arith.constant 29 : i32
    %shift_left3A_65 = vector.broadcast %shift_left3A_64 : i32 to vector<32x4096xi32>
    %shift_left3A_66 = arith.shli %xor3A_62, %shift_left3A_65 : vector<32x4096xi32>
    %shift_right_logical3A_67 = arith.constant 3 : i32
    %shift_right_logical3A_68 = vector.broadcast %shift_right_logical3A_67 : i32 to vector<32x4096xi32>
    %shift_right_logical3A_69 = arith.shrui %xor3A_62, %shift_right_logical3A_68 : vector<32x4096xi32>
    %or3A_70 = arith.ori %shift_left3A_66, %shift_right_logical3A_69 : vector<32x4096xi32>
    %xor3A_71 = arith.xori %or3A_70, %add3A_63 : vector<32x4096xi32>
    %add3A_72 = arith.addi %add3A_63, %xor3A_71 : vector<32x4096xi32>
    %shift_left3A_73 = arith.constant 16 : i32
    %shift_left3A_74 = vector.broadcast %shift_left3A_73 : i32 to vector<32x4096xi32>
    %shift_left3A_75 = arith.shli %xor3A_71, %shift_left3A_74 : vector<32x4096xi32>
    %shift_right_logical3A_76 = arith.constant 16 : i32
    %shift_right_logical3A_77 = vector.broadcast %shift_right_logical3A_76 : i32 to vector<32x4096xi32>
    %shift_right_logical3A_78 = arith.shrui %xor3A_71, %shift_right_logical3A_77 : vector<32x4096xi32>
    %or3A_79 = arith.ori %shift_left3A_75, %shift_right_logical3A_78 : vector<32x4096xi32>
    %xor3A_80 = arith.xori %or3A_79, %add3A_72 : vector<32x4096xi32>
    %add3A_81 = arith.addi %add3A_72, %xor3A_80 : vector<32x4096xi32>
    %shift_left3A_82 = arith.constant 24 : i32
    %shift_left3A_83 = vector.broadcast %shift_left3A_82 : i32 to vector<32x4096xi32>
    %shift_left3A_84 = arith.shli %xor3A_80, %shift_left3A_83 : vector<32x4096xi32>
    %shift_right_logical3A_85 = arith.constant 8 : i32
    %shift_right_logical3A_86 = vector.broadcast %shift_right_logical3A_85 : i32 to vector<32x4096xi32>
    %shift_right_logical3A_87 = arith.shrui %xor3A_80, %shift_right_logical3A_86 : vector<32x4096xi32>
    %or3A_88 = arith.ori %shift_left3A_84, %shift_right_logical3A_87 : vector<32x4096xi32>
    %xor3A_89 = arith.xori %or3A_88, %add3A_81 : vector<32x4096xi32>
    %add3A_90 = vector.broadcast %xor3A_9 : i32 to vector<32x4096xi32>
    %add3A_91 = arith.addi %add3A_81, %add3A_90 : vector<32x4096xi32>
    %add3A_92 = arith.constant 0 : i32
    %add3A_93 = vector.broadcast %add3A_92 : i32 to vector<32x4096xi32>
    %add3A_94 = arith.addi %xor3A_89, %add3A_93 : vector<32x4096xi32>
    %add3A_95 = arith.constant 2 : i32
    %add3A_96 = vector.broadcast %add3A_95 : i32 to vector<32x4096xi32>
    %add3A_97 = arith.addi %add3A_94, %add3A_96 : vector<32x4096xi32>
    %add3A_98 = arith.addi %add3A_91, %add3A_97 : vector<32x4096xi32>
    %shift_left3A_99 = arith.constant 13 : i32
    %shift_left3A_100 = vector.broadcast %shift_left3A_99 : i32 to vector<32x4096xi32>
    %shift_left3A_101 = arith.shli %add3A_97, %shift_left3A_100 : vector<32x4096xi32>
    %shift_right_logical3A_102 = arith.constant 19 : i32
    %shift_right_logical3A_103 = vector.broadcast %shift_right_logical3A_102 : i32 to vector<32x4096xi32>
    %shift_right_logical3A_104 = arith.shrui %add3A_97, %shift_right_logical3A_103 : vector<32x4096xi32>
    %or3A_105 = arith.ori %shift_left3A_101, %shift_right_logical3A_104 : vector<32x4096xi32>
    %xor3A_106 = arith.xori %or3A_105, %add3A_98 : vector<32x4096xi32>
    %add3A_107 = arith.addi %add3A_98, %xor3A_106 : vector<32x4096xi32>
    %shift_left3A_108 = arith.constant 15 : i32
    %shift_left3A_109 = vector.broadcast %shift_left3A_108 : i32 to vector<32x4096xi32>
    %shift_left3A_110 = arith.shli %xor3A_106, %shift_left3A_109 : vector<32x4096xi32>
    %shift_right_logical3A_111 = arith.constant 17 : i32
    %shift_right_logical3A_112 = vector.broadcast %shift_right_logical3A_111 : i32 to vector<32x4096xi32>
    %shift_right_logical3A_113 = arith.shrui %xor3A_106, %shift_right_logical3A_112 : vector<32x4096xi32>
    %or3A_114 = arith.ori %shift_left3A_110, %shift_right_logical3A_113 : vector<32x4096xi32>
    %xor3A_115 = arith.xori %or3A_114, %add3A_107 : vector<32x4096xi32>
    %add3A_116 = arith.addi %add3A_107, %xor3A_115 : vector<32x4096xi32>
    %shift_left3A_117 = arith.constant 26 : i32
    %shift_left3A_118 = vector.broadcast %shift_left3A_117 : i32 to vector<32x4096xi32>
    %shift_left3A_119 = arith.shli %xor3A_115, %shift_left3A_118 : vector<32x4096xi32>
    %shift_right_logical3A_120 = arith.constant 6 : i32
    %shift_right_logical3A_121 = vector.broadcast %shift_right_logical3A_120 : i32 to vector<32x4096xi32>
    %shift_right_logical3A_122 = arith.shrui %xor3A_115, %shift_right_logical3A_121 : vector<32x4096xi32>
    %or3A_123 = arith.ori %shift_left3A_119, %shift_right_logical3A_122 : vector<32x4096xi32>
    %xor3A_124 = arith.xori %or3A_123, %add3A_116 : vector<32x4096xi32>
    %add3A_125 = arith.addi %add3A_116, %xor3A_124 : vector<32x4096xi32>
    %shift_left3A_126 = arith.constant 6 : i32
    %shift_left3A_127 = vector.broadcast %shift_left3A_126 : i32 to vector<32x4096xi32>
    %shift_left3A_128 = arith.shli %xor3A_124, %shift_left3A_127 : vector<32x4096xi32>
    %shift_right_logical3A_129 = arith.constant 26 : i32
    %shift_right_logical3A_130 = vector.broadcast %shift_right_logical3A_129 : i32 to vector<32x4096xi32>
    %shift_right_logical3A_131 = arith.shrui %xor3A_124, %shift_right_logical3A_130 : vector<32x4096xi32>
    %or3A_132 = arith.ori %shift_left3A_128, %shift_right_logical3A_131 : vector<32x4096xi32>
    %xor3A_133 = arith.xori %or3A_132, %add3A_125 : vector<32x4096xi32>
    %add3A_134 = arith.constant 0 : i32
    %add3A_135 = vector.broadcast %add3A_134 : i32 to vector<32x4096xi32>
    %add3A_136 = arith.addi %add3A_125, %add3A_135 : vector<32x4096xi32>
    %add3A_137 = arith.constant 42 : i32
    %add3A_138 = vector.broadcast %add3A_137 : i32 to vector<32x4096xi32>
    %add3A_139 = arith.addi %xor3A_133, %add3A_138 : vector<32x4096xi32>
    %add3A_140 = arith.constant 3 : i32
    %add3A_141 = vector.broadcast %add3A_140 : i32 to vector<32x4096xi32>
    %add3A_142 = arith.addi %add3A_139, %add3A_141 : vector<32x4096xi32>
    %add3A_143 = arith.addi %add3A_136, %add3A_142 : vector<32x4096xi32>
    %shift_left3A_144 = arith.constant 17 : i32
    %shift_left3A_145 = vector.broadcast %shift_left3A_144 : i32 to vector<32x4096xi32>
    %shift_left3A_146 = arith.shli %add3A_142, %shift_left3A_145 : vector<32x4096xi32>
    %shift_right_logical3A_147 = arith.constant 15 : i32
    %shift_right_logical3A_148 = vector.broadcast %shift_right_logical3A_147 : i32 to vector<32x4096xi32>
    %shift_right_logical3A_149 = arith.shrui %add3A_142, %shift_right_logical3A_148 : vector<32x4096xi32>
    %or3A_150 = arith.ori %shift_left3A_146, %shift_right_logical3A_149 : vector<32x4096xi32>
    %xor3A_151 = arith.xori %or3A_150, %add3A_143 : vector<32x4096xi32>
    %add3A_152 = arith.addi %add3A_143, %xor3A_151 : vector<32x4096xi32>
    %shift_left3A_153 = arith.constant 29 : i32
    %shift_left3A_154 = vector.broadcast %shift_left3A_153 : i32 to vector<32x4096xi32>
    %shift_left3A_155 = arith.shli %xor3A_151, %shift_left3A_154 : vector<32x4096xi32>
    %shift_right_logical3A_156 = arith.constant 3 : i32
    %shift_right_logical3A_157 = vector.broadcast %shift_right_logical3A_156 : i32 to vector<32x4096xi32>
    %shift_right_logical3A_158 = arith.shrui %xor3A_151, %shift_right_logical3A_157 : vector<32x4096xi32>
    %or3A_159 = arith.ori %shift_left3A_155, %shift_right_logical3A_158 : vector<32x4096xi32>
    %xor3A_160 = arith.xori %or3A_159, %add3A_152 : vector<32x4096xi32>
    %add3A_161 = arith.addi %add3A_152, %xor3A_160 : vector<32x4096xi32>
    %shift_left3A_162 = arith.constant 16 : i32
    %shift_left3A_163 = vector.broadcast %shift_left3A_162 : i32 to vector<32x4096xi32>
    %shift_left3A_164 = arith.shli %xor3A_160, %shift_left3A_163 : vector<32x4096xi32>
    %shift_right_logical3A_165 = arith.constant 16 : i32
    %shift_right_logical3A_166 = vector.broadcast %shift_right_logical3A_165 : i32 to vector<32x4096xi32>
    %shift_right_logical3A_167 = arith.shrui %xor3A_160, %shift_right_logical3A_166 : vector<32x4096xi32>
    %or3A_168 = arith.ori %shift_left3A_164, %shift_right_logical3A_167 : vector<32x4096xi32>
    %xor3A_169 = arith.xori %or3A_168, %add3A_161 : vector<32x4096xi32>
    %add3A_170 = arith.addi %add3A_161, %xor3A_169 : vector<32x4096xi32>
    %shift_left3A_171 = arith.constant 24 : i32
    %shift_left3A_172 = vector.broadcast %shift_left3A_171 : i32 to vector<32x4096xi32>
    %shift_left3A_173 = arith.shli %xor3A_169, %shift_left3A_172 : vector<32x4096xi32>
    %shift_right_logical3A_174 = arith.constant 8 : i32
    %shift_right_logical3A_175 = vector.broadcast %shift_right_logical3A_174 : i32 to vector<32x4096xi32>
    %shift_right_logical3A_176 = arith.shrui %xor3A_169, %shift_right_logical3A_175 : vector<32x4096xi32>
    %or3A_177 = arith.ori %shift_left3A_173, %shift_right_logical3A_176 : vector<32x4096xi32>
    %xor3A_178 = arith.xori %or3A_177, %add3A_170 : vector<32x4096xi32>
    %add3A_179 = arith.constant 42 : i32
    %add3A_180 = vector.broadcast %add3A_179 : i32 to vector<32x4096xi32>
    %add3A_181 = arith.addi %add3A_170, %add3A_180 : vector<32x4096xi32>
    %add3A_182 = vector.broadcast %xor3A_9 : i32 to vector<32x4096xi32>
    %add3A_183 = arith.addi %xor3A_178, %add3A_182 : vector<32x4096xi32>
    %add3A_184 = arith.constant 4 : i32
    %add3A_185 = vector.broadcast %add3A_184 : i32 to vector<32x4096xi32>
    %add3A_186 = arith.addi %add3A_183, %add3A_185 : vector<32x4096xi32>
    %add3A_187 = arith.addi %add3A_181, %add3A_186 : vector<32x4096xi32>
    %shift_left3A_188 = arith.constant 13 : i32
    %shift_left3A_189 = vector.broadcast %shift_left3A_188 : i32 to vector<32x4096xi32>
    %shift_left3A_190 = arith.shli %add3A_186, %shift_left3A_189 : vector<32x4096xi32>
    %shift_right_logical3A_191 = arith.constant 19 : i32
    %shift_right_logical3A_192 = vector.broadcast %shift_right_logical3A_191 : i32 to vector<32x4096xi32>
    %shift_right_logical3A_193 = arith.shrui %add3A_186, %shift_right_logical3A_192 : vector<32x4096xi32>
    %or3A_194 = arith.ori %shift_left3A_190, %shift_right_logical3A_193 : vector<32x4096xi32>
    %xor3A_195 = arith.xori %or3A_194, %add3A_187 : vector<32x4096xi32>
    %add3A_196 = arith.addi %add3A_187, %xor3A_195 : vector<32x4096xi32>
    %shift_left3A_197 = arith.constant 15 : i32
    %shift_left3A_198 = vector.broadcast %shift_left3A_197 : i32 to vector<32x4096xi32>
    %shift_left3A_199 = arith.shli %xor3A_195, %shift_left3A_198 : vector<32x4096xi32>
    %shift_right_logical3A_200 = arith.constant 17 : i32
    %shift_right_logical3A_201 = vector.broadcast %shift_right_logical3A_200 : i32 to vector<32x4096xi32>
    %shift_right_logical3A_202 = arith.shrui %xor3A_195, %shift_right_logical3A_201 : vector<32x4096xi32>
    %or3A_203 = arith.ori %shift_left3A_199, %shift_right_logical3A_202 : vector<32x4096xi32>
    %xor3A_204 = arith.xori %or3A_203, %add3A_196 : vector<32x4096xi32>
    %add3A_205 = arith.addi %add3A_196, %xor3A_204 : vector<32x4096xi32>
    %shift_left3A_206 = arith.constant 26 : i32
    %shift_left3A_207 = vector.broadcast %shift_left3A_206 : i32 to vector<32x4096xi32>
    %shift_left3A_208 = arith.shli %xor3A_204, %shift_left3A_207 : vector<32x4096xi32>
    %shift_right_logical3A_209 = arith.constant 6 : i32
    %shift_right_logical3A_210 = vector.broadcast %shift_right_logical3A_209 : i32 to vector<32x4096xi32>
    %shift_right_logical3A_211 = arith.shrui %xor3A_204, %shift_right_logical3A_210 : vector<32x4096xi32>
    %or3A_212 = arith.ori %shift_left3A_208, %shift_right_logical3A_211 : vector<32x4096xi32>
    %xor3A_213 = arith.xori %or3A_212, %add3A_205 : vector<32x4096xi32>
    %add3A_214 = arith.addi %add3A_205, %xor3A_213 : vector<32x4096xi32>
    %shift_left3A_215 = arith.constant 6 : i32
    %shift_left3A_216 = vector.broadcast %shift_left3A_215 : i32 to vector<32x4096xi32>
    %shift_left3A_217 = arith.shli %xor3A_213, %shift_left3A_216 : vector<32x4096xi32>
    %shift_right_logical3A_218 = arith.constant 26 : i32
    %shift_right_logical3A_219 = vector.broadcast %shift_right_logical3A_218 : i32 to vector<32x4096xi32>
    %shift_right_logical3A_220 = arith.shrui %xor3A_213, %shift_right_logical3A_219 : vector<32x4096xi32>
    %or3A_221 = arith.ori %shift_left3A_217, %shift_right_logical3A_220 : vector<32x4096xi32>
    %xor3A_222 = arith.xori %or3A_221, %add3A_214 : vector<32x4096xi32>
    %add3A_223 = vector.broadcast %xor3A_9 : i32 to vector<32x4096xi32>
    %add3A_224 = arith.addi %add3A_214, %add3A_223 : vector<32x4096xi32>
    %add3A_225 = arith.constant 0 : i32
    %add3A_226 = vector.broadcast %add3A_225 : i32 to vector<32x4096xi32>
    %add3A_227 = arith.addi %xor3A_222, %add3A_226 : vector<32x4096xi32>
    %add3A_228 = arith.constant 5 : i32
    %add3A_229 = vector.broadcast %add3A_228 : i32 to vector<32x4096xi32>
    %add3A_230 = arith.addi %add3A_227, %add3A_229 : vector<32x4096xi32>
    %xor3A_231 = arith.xori %add3A_224, %add3A_230 : vector<32x4096xi32>
    %shift_right_logical3A_232 = arith.constant 9 : i32
    %shift_right_logical3A_233 = vector.broadcast %shift_right_logical3A_232 : i32 to vector<32x4096xi32>
    %shift_right_logical3A_234 = arith.shrui %xor3A_231, %shift_right_logical3A_233 : vector<32x4096xi32>
    %or3A_235 = arith.constant 1065353216 : i32
    %or3A_236 = vector.broadcast %or3A_235 : i32 to vector<32x4096xi32>
    %or3A_237 = arith.ori %shift_right_logical3A_234, %or3A_236 : vector<32x4096xi32>
    %bitcast_convert_type3A = tpu.bitcast %or3A_237 : vector<32x4096xi32> -> vector<32x4096xf32>
    %sub3A = arith.constant 1.000000e+00 : f32
    %sub3A_238 = vector.broadcast %sub3A : f32 to vector<32x4096xf32>
    %sub3A_239 = arith.subf %bitcast_convert_type3A, %sub3A_238 : vector<32x4096xf32>
    %get3A = arith.constant 0 : index
    %get3A_240 = arith.constant 0 : index
    %get3A_241 = arith.constant 0 : index
    %get3A_242 = vector.load %arg1[%get3A, %get3A_240, %get3A_241] : memref<1x32x4096xf32, #tpu.memory_space<vmem>>, vector<1x32x4096xf32>
    %get3A_243 = vector.shape_cast %get3A_242 : vector<1x32x4096xf32> to vector<32x4096xf32>
    %reduce_max3A = arith.constant dense<0xFF800000> : vector<4096xf32>
    %reduce_max3A_244 = vector.multi_reduction <maximumf>, %get3A_243, %reduce_max3A [0] : vector<32x4096xf32> to vector<4096xf32>
    %broadcast_in_dim3A = vector.shape_cast %reduce_max3A_244 : vector<4096xf32> to vector<1x4096xf32>
    %sub3A_245 = vector.broadcast %broadcast_in_dim3A : vector<1x4096xf32> to vector<32x4096xf32>
    %sub3A_246 = arith.subf %get3A_243, %sub3A_245 : vector<32x4096xf32>
    %exp3A = math.exp %sub3A_246 : vector<32x4096xf32>
    %reduce_sum3A = arith.constant dense<0.000000e+00> : vector<4096xf32>
    %reduce_sum3A_247 = vector.multi_reduction <add>, %exp3A, %reduce_sum3A [0] : vector<32x4096xf32> to vector<4096xf32>
    %broadcast_in_dim3A_248 = vector.shape_cast %reduce_sum3A_247 : vector<4096xf32> to vector<1x4096xf32>
    %div3A = vector.broadcast %broadcast_in_dim3A_248 : vector<1x4096xf32> to vector<32x4096xf32>
    %div3A_249 = arith.divf %exp3A, %div3A : vector<32x4096xf32>
    %log3A = math.log %div3A_249 : vector<32x4096xf32>
    %add3A_250 = arith.constant 9.99999968E-21 : f32
    %add3A_251 = vector.broadcast %add3A_250 : f32 to vector<32x4096xf32>
    %add3A_252 = arith.addf %sub3A_239, %add3A_251 : vector<32x4096xf32>
    %log3A_253 = math.log %add3A_252 : vector<32x4096xf32>
    %neg3A = arith.constant 0.000000e+00 : f32
    %neg3A_254 = vector.broadcast %neg3A : f32 to vector<32x4096xf32>
    %neg3A_255 = arith.subf %neg3A_254, %log3A_253 : vector<32x4096xf32>
    %add3A_256 = arith.constant 9.99999968E-21 : f32
    %add3A_257 = vector.broadcast %add3A_256 : f32 to vector<32x4096xf32>
    %add3A_258 = arith.addf %neg3A_255, %add3A_257 : vector<32x4096xf32>
    %log3A_259 = math.log %add3A_258 : vector<32x4096xf32>
    %neg3A_260 = arith.constant 0.000000e+00 : f32
    %neg3A_261 = vector.broadcast %neg3A_260 : f32 to vector<32x4096xf32>
    %neg3A_262 = arith.subf %neg3A_261, %log3A_259 : vector<32x4096xf32>
    %add3A_263 = arith.addf %log3A, %neg3A_262 : vector<32x4096xf32>
    %slice3A = vector.extract_strided_slice %add3A_263 {offsets = [0, 0], sizes = [1, 4096], strides = [1, 1]} : vector<32x4096xf32> to vector<1x4096xf32>
    %reduce_max3A_264 = arith.constant dense<0xFF800000> : vector<4096xf32>
    %reduce_max3A_265 = vector.multi_reduction <maximumf>, %add3A_263, %reduce_max3A_264 [0] : vector<32x4096xf32> to vector<4096xf32>
    %broadcast_in_dim3A_266 = vector.shape_cast %reduce_max3A_265 : vector<4096xf32> to vector<1x4096xf32>
    %ge3A = arith.cmpf oge, %slice3A, %broadcast_in_dim3A_266 : vector<1x4096xf32>
    %convert_element_type3A = arith.extui %ge3A : vector<1x4096xi1> to vector<1x4096xi32>
    %convert_element_type3A_267 = arith.sitofp %convert_element_type3A : vector<1x4096xi32> to vector<1x4096xf32>
    %swap3A = arith.constant 0 : index
    %swap3A_268 = arith.constant 0 : index
    %swap3A_269 = arith.constant 0 : index
    %swap3A_270 = vector.load %arg2[%swap3A, %swap3A_268, %swap3A_269] : memref<1x1x4096xf32, #tpu.memory_space<vmem>>, vector<1x1x4096xf32>
    %swap3A_271 = vector.shape_cast %swap3A_270 : vector<1x1x4096xf32> to vector<1x4096xf32>
    %swap3A_272 = vector.shape_cast %convert_element_type3A_267 : vector<1x4096xf32> to vector<1x1x4096xf32>
    tpu.vector_store %arg2[%swap3A, %swap3A_268, %swap3A_269], %swap3A_272 {strides = array<i32>} : memref<1x1x4096xf32, #tpu.memory_space<vmem>>, vector<1x1x4096xf32>,
    return
  }
  func.func @transform_0(%arg0: i32) -> (i32, i32, i32) {
    %c0_i32 = arith.constant 0 : i32
    %c0_i32_0 = arith.constant 0 : i32
    %c0_i32_1 = arith.constant 0 : i32
    return %arg0, %c0_i32, %c0_i32_0 : i32, i32, i32
  }
  func.func @transform_1(%arg0: i32) -> (i32, i32, i32) {
    %c0_i32 = arith.constant 0 : i32
    %c0_i32_0 = arith.constant 0 : i32
    %c0_i32_1 = arith.constant 0 : i32
    return %arg0, %c0_i32, %c0_i32_0 : i32, i32, i32
  }
}

module attributes {stable_mosaic.version = 14 : i64} {
  func.func @_tc_tail_body(%arg0: i32, %arg1: memref<1x32x4096xf32, #tpu.memory_space<vmem>>, %arg2: memref<1x32x4096xf32, #tpu.memory_space<vmem>>, %arg3: memref<1x1x4096xf32, #tpu.memory_space<vmem>>) attributes {dimension_semantics = [#tpu.dimension_semantics<arbitrary>], iteration_bounds = array<i64: 20>, scalar_prefetch = 0 : i64, scratch_operands = 0 : i64, tpu.core_type = #tpu.core_type<tc>, window_params = [{transform_indices = @transform_0, window_bounds = array<i64: 1, 32, 4096>}, {transform_indices = @transform_1, window_bounds = array<i64: 1, 32, 4096>}, {transform_indices = @transform_2, window_bounds = array<i64: 1, 1, 4096>}]} {
    %get3A = arith.constant 0 : index
    %get3A_0 = arith.constant 0 : index
    %get3A_1 = arith.constant 0 : index
    %get3A_2 = vector.load %arg1[%get3A, %get3A_0, %get3A_1] : memref<1x32x4096xf32, #tpu.memory_space<vmem>>, vector<1x32x4096xf32>
    %get3A_3 = vector.shape_cast %get3A_2 : vector<1x32x4096xf32> to vector<32x4096xf32>
    %reduce_max3A = arith.constant dense<0xFF800000> : vector<4096xf32>
    %reduce_max3A_4 = vector.multi_reduction <maximumf>, %get3A_3, %reduce_max3A [0] : vector<32x4096xf32> to vector<4096xf32>
    %broadcast_in_dim3A = vector.shape_cast %reduce_max3A_4 : vector<4096xf32> to vector<1x4096xf32>
    %sub3A = vector.broadcast %broadcast_in_dim3A : vector<1x4096xf32> to vector<32x4096xf32>
    %sub3A_5 = arith.subf %get3A_3, %sub3A : vector<32x4096xf32>
    %exp3A = math.exp %sub3A_5 : vector<32x4096xf32>
    %reduce_sum3A = arith.constant dense<0.000000e+00> : vector<4096xf32>
    %reduce_sum3A_6 = vector.multi_reduction <add>, %exp3A, %reduce_sum3A [0] : vector<32x4096xf32> to vector<4096xf32>
    %broadcast_in_dim3A_7 = vector.shape_cast %reduce_sum3A_6 : vector<4096xf32> to vector<1x4096xf32>
    %div3A = vector.broadcast %broadcast_in_dim3A_7 : vector<1x4096xf32> to vector<32x4096xf32>
    %div3A_8 = arith.divf %exp3A, %div3A : vector<32x4096xf32>
    %log3A = math.log %div3A_8 : vector<32x4096xf32>
    %get3A_9 = arith.constant 0 : index
    %get3A_10 = arith.constant 0 : index
    %get3A_11 = arith.constant 0 : index
    %get3A_12 = vector.load %arg2[%get3A_9, %get3A_10, %get3A_11] : memref<1x32x4096xf32, #tpu.memory_space<vmem>>, vector<1x32x4096xf32>
    %get3A_13 = vector.shape_cast %get3A_12 : vector<1x32x4096xf32> to vector<32x4096xf32>
    %add3A = arith.constant 9.99999968E-21 : f32
    %add3A_14 = vector.broadcast %add3A : f32 to vector<32x4096xf32>
    %add3A_15 = arith.addf %get3A_13, %add3A_14 : vector<32x4096xf32>
    %log3A_16 = math.log %add3A_15 : vector<32x4096xf32>
    %neg3A = arith.constant 0.000000e+00 : f32
    %neg3A_17 = vector.broadcast %neg3A : f32 to vector<32x4096xf32>
    %neg3A_18 = arith.subf %neg3A_17, %log3A_16 : vector<32x4096xf32>
    %add3A_19 = arith.constant 9.99999968E-21 : f32
    %add3A_20 = vector.broadcast %add3A_19 : f32 to vector<32x4096xf32>
    %add3A_21 = arith.addf %neg3A_18, %add3A_20 : vector<32x4096xf32>
    %log3A_22 = math.log %add3A_21 : vector<32x4096xf32>
    %neg3A_23 = arith.constant 0.000000e+00 : f32
    %neg3A_24 = vector.broadcast %neg3A_23 : f32 to vector<32x4096xf32>
    %neg3A_25 = arith.subf %neg3A_24, %log3A_22 : vector<32x4096xf32>
    %add3A_26 = arith.addf %log3A, %neg3A_25 : vector<32x4096xf32>
    %slice3A = vector.extract_strided_slice %add3A_26 {offsets = [0, 0], sizes = [1, 4096], strides = [1, 1]} : vector<32x4096xf32> to vector<1x4096xf32>
    %reduce_max3A_27 = arith.constant dense<0xFF800000> : vector<4096xf32>
    %reduce_max3A_28 = vector.multi_reduction <maximumf>, %add3A_26, %reduce_max3A_27 [0] : vector<32x4096xf32> to vector<4096xf32>
    %broadcast_in_dim3A_29 = vector.shape_cast %reduce_max3A_28 : vector<4096xf32> to vector<1x4096xf32>
    %ge3A = arith.cmpf oge, %slice3A, %broadcast_in_dim3A_29 : vector<1x4096xf32>
    %convert_element_type3A = arith.extui %ge3A : vector<1x4096xi1> to vector<1x4096xi32>
    %convert_element_type3A_30 = arith.sitofp %convert_element_type3A : vector<1x4096xi32> to vector<1x4096xf32>
    %swap3A = arith.constant 0 : index
    %swap3A_31 = arith.constant 0 : index
    %swap3A_32 = arith.constant 0 : index
    %swap3A_33 = vector.load %arg3[%swap3A, %swap3A_31, %swap3A_32] : memref<1x1x4096xf32, #tpu.memory_space<vmem>>, vector<1x1x4096xf32>
    %swap3A_34 = vector.shape_cast %swap3A_33 : vector<1x1x4096xf32> to vector<1x4096xf32>
    %swap3A_35 = vector.shape_cast %convert_element_type3A_30 : vector<1x4096xf32> to vector<1x1x4096xf32>
    tpu.vector_store %arg3[%swap3A, %swap3A_31, %swap3A_32], %swap3A_35 {strides = array<i32>} : memref<1x1x4096xf32, #tpu.memory_space<vmem>>, vector<1x1x4096xf32>,
    return
  }
  func.func @transform_0(%arg0: i32) -> (i32, i32, i32) {
    %add3A = arith.constant 44 : i32
    %add3A_0 = arith.addi %arg0, %add3A : i32
    %c0_i32 = arith.constant 0 : i32
    %c0_i32_1 = arith.constant 0 : i32
    %c0_i32_2 = arith.constant 0 : i32
    return %add3A_0, %c0_i32, %c0_i32_1 : i32, i32, i32
  }
  func.func @transform_1(%arg0: i32) -> (i32, i32, i32) {
    %c0_i32 = arith.constant 0 : i32
    %c0_i32_0 = arith.constant 0 : i32
    %c0_i32_1 = arith.constant 0 : i32
    return %arg0, %c0_i32, %c0_i32_0 : i32, i32, i32
  }
  func.func @transform_2(%arg0: i32) -> (i32, i32, i32) {
    %c0_i32 = arith.constant 0 : i32
    %c0_i32_0 = arith.constant 0 : i32
    %c0_i32_1 = arith.constant 0 : i32
    return %arg0, %c0_i32, %c0_i32_0 : i32, i32, i32
  }
}

</mosaic_0001>

<sc_bundles>
// kernel: kernel.5.cloned.1.call-start
scs
__scs_entry_jumppad:
0x0: {  	(pc) =	sbr.rel $0x88, $3  }
0x1: {  	(tag) =	ssettag $0x0;
	lr =	simm.s32 $0x1  }
0x2: {  	[smem:$0x3FA0] =	sst lr;
	_ =	strace $0xD0000000  }
0x3: {  	_ = 	snop  }
0x4: {  	_ = 	snop  }
0x5: {  	_ = 	snop  }
0x6: {  	_ = 	snop  }
0x7: {  	_ = 	snop  }
__scs_overlays_trampoline_lowered:
0x8: {  	[smem:$0x3FAF] =	sst s0  }
0x9: {  	[smem:$0x3FB0] =	sst s1  }
0xa: {  	[smem:$0x3FB1] =	sst s2  }
0xb: {  	[smem:$0x3FB2] =	sst s3  }
0xc: {  	[smem:$0x3FB3] =	sst s4  }
0xd: {  	[smem:$0x3FB4] =	sst s5  }
0xe: {  	[smem:$0x3FB5] =	sst s6  }
0xf: {  	[smem:$0x3FB6] =	sst s7  }
0x10: {  	[smem:$0x3FB7] =	sst s8  }
0x11: {  	[smem:$0x3FB8] =	sst s9;
	s0 =	simm.s32 @!p0 $0x0  }
0x12: {  	s1 =	sld [smem:$0x3F9E];
	s0 =	simm.s32 @p0 $0x1  }
0x13: {  	[smem:$0x3FB9] =	sst s0;
	s0 =	simm.s32 @!p1 $0x0  }
0x14: {  	s2 =	sld [smem:$0x3F9D];
	s0 =	simm.s32 @p1 $0x1  }
0x15: {  	[smem:$0x3FBA] =	sst s0;
	s0 =	simm.s32 @!p2 $0x0  }
0x16: {  	s3 =	sld [smem:$0x3FDB];
	s0 =	simm.s32 @p2 $0x1  }
0x17: {  	s4 =	simm.s32 $0x1BF5;
	[smem:$0x3FBC] =	sst s0  }
0x18: {  	s0 =	sld [smem:$0x3F9F];
	_ =	swait.ge [sflag:s4], $0x0  }
0x19: {  	s7 =	sld [smem:$0x3FA0]  }
0x1a: {  	s8 =	sadd.s32 $0xFFFFE003, lr  }
0x1b: {  	s9 =	sadd.s32 $0xFFFFFEF7, lr;
	s5 =	simm.s32 $0xFFFFFFFF;
	p2 =	slt.u32 s8, $0xFFFFF086  }
0x1c: {  	p1 =	slt.u32 s9, $0xF7A;
	s5 =	simm.s32 @!p2 $0x0  }
0x1d: {  	s5 =	simm.s32 @p1 $0x1;
	p0 =	seq.s32 s7, s2  }
0x1e: {  	s7 =	smul.u32 @!p0 $0xF7A, s2;
	p2 =	seq.s32 @!p0 s5, $0x0  }
0x1f: {  	s9 =	smul.u32 $0xF7A, s1;
	s8 =	simm.s32 @!p0 $0x1BF5;
	p2 =	por !p2, p0  }
0x20: {  	[sflag:s8] =	ssyncset.s32 @!p0 $0xFFFFF086;
	s6 =	sadd.s32 @!p0 s3, s7;
	s7 =	simm.s32 @!p0 $0x108  }
0x21: {  	s3 =	sadd.s32 s3, s9;
	s6 =	sadd.s32 @!p0 $0x88, s6;
	s7 =	simm.s32 @p2 $0x1082  }
0x22: {  	[simem:s7], [sflag:s8] =	dma.local @!p0 [hbm:s6], $0xF7A  }
0x23: {  	s9 =	sor.u32 $0xD0000000, s2;
	s6 =	simm.s32 $0x108;
	_ =	swait.ge @!p0 [sflag:s8], $0x0  }
0x24: {  	s3 =	sadd.s32 $0x88, s3;
	s6 =	simm.s32 @!p1 $0x1082;
	[sflag:s4] =	ssyncset.s32 $0xFFFFF086  }
0x25: {  	[simem:s6], [sflag:s4] =	dma.local [hbm:s3], $0xF7A  }
0x26: {  	[smem:$0x3FA0] =	sst s1;
	(tag) =	ssettag s2;
	_ =	strace s9  }
0x27: {  	s1 =	sld [smem:$0x3FB0]  }
0x28: {  	s2 =	sld [smem:$0x3FB1]  }
0x29: {  	s4 =	sld [smem:$0x3FB3]  }
0x2a: {  	p0 =	seq.s32 s5, $0x0;
	s5 =	sld [smem:$0x3FB4]  }
0x2b: {  	s6 =	sld [smem:$0x3FB5]  }
0x2c: {  	s7 =	sld [smem:$0x3FB6]  }
0x2d: {  	s3 =	simm.s32 $0x108;
	s8 =	sld [smem:$0x3FB7]  }
0x2e: {  	s3 =	simm.s32 @!p0 $0x1082;
	s9 =	sld [smem:$0x3FB8]  }
0x2f: {  	lr =	sadd.s32 s0, s3;
	s0 =	sld [smem:$0x3FAF]  }
0x30: {  	s3 =	sld [smem:$0x3FB2]  }
0x31: {  	[smem:$0x3FBB] =	sst s10  }
0x32: {  	s10 =	sld [smem:$0x3FB9];
	_ =	sdelay $0x3  }
0x33: {  	p0 =	seq.s32 s10, $0x1;
	s10 =	sld [smem:$0x3FBB];
	_ =	sdelay $0x3  }
0x34: {  	[smem:$0x3FBB] =	sst s10  }
0x35: {  	s10 =	sld [smem:$0x3FBA];
	_ =	sdelay $0x3  }
0x36: {  	p1 =	seq.s32 s10, $0x1;
	s10 =	sld [smem:$0x3FBB];
	_ =	sdelay $0x3  }
0x37: {  	[smem:$0x3FBB] =	sst s10  }
0x38: {  	s10 =	sld [smem:$0x3FBC]  }
0x39: {  	_ = 	snop;
	(pc) =	sbr.ind lr, $3  }
0x3a: {  	_ = 	snop  }
0x3b: {  	_ = 	snop  }
0x3c: {  	p2 =	seq.s32 s10, $0x1;
	s10 =	sld [smem:$0x3FBB]  }
0x3d: {  	_ =	shalt  }
0x3e: {  	_ =	shalt  }
0x3f: {  	_ =	shalt  }
0x40: {  	_ =	shalt  }
0x41: {  	_ =	shalt  }
0x42: {  	_ =	shalt  }
0x43: {  	_ =	shalt  }
0x44: {  	_ =	shalt  }
0x45: {  	_ =	shalt  }
0x46: {  	_ =	shalt  }
0x47: {  	_ =	shalt  }
0x48: {  	_ =	shalt  }
0x49: {  	_ =	shalt  }
0x4a: {  	_ =	shalt  }
0x4b: {  	_ =	shalt  }
0x4c: {  	_ =	shalt  }
0x4d: {  	_ =	shalt  }
0x4e: {  	_ =	shalt  }
0x4f: {  	_ =	shalt  }
0x50: {  	_ =	shalt  }
0x51: {  	_ =	shalt  }
0x52: {  	_ =	shalt  }
0x53: {  	_ =	shalt  }
0x54: {  	_ =	shalt  }
0x55: {  	_ =	shalt  }
0x56: {  	_ =	shalt  }
0x57: {  	_ =	shalt  }
0x58: {  	_ =	shalt  }
0x59: {  	_ =	shalt  }
0x5a: {  	_ =	shalt  }
0x5b: {  	_ =	shalt  }
0x5c: {  	_ =	shalt  }
0x5d: {  	_ =	shalt  }
0x5e: {  	_ =	shalt  }
0x5f: {  	_ =	shalt  }
0x60: {  	_ =	shalt  }
0x61: {  	_ =	shalt  }
0x62: {  	_ =	shalt  }
0x63: {  	_ =	shalt  }
0x64: {  	_ =	shalt  }
0x65: {  	_ =	shalt  }
0x66: {  	_ =	shalt  }
0x67: {  	_ =	shalt  }
0x68: {  	_ =	shalt  }
0x69: {  	_ =	shalt  }
0x6a: {  	_ =	shalt  }
0x6b: {  	_ =	shalt  }
0x6c: {  	_ =	shalt  }
0x6d: {  	_ =	shalt  }
0x6e: {  	_ =	shalt  }
0x6f: {  	_ =	shalt  }
0x70: {  	_ =	shalt  }
0x71: {  	_ =	shalt  }
0x72: {  	_ =	shalt  }
0x73: {  	_ =	shalt  }
0x74: {  	_ =	shalt  }
0x75: {  	_ =	shalt  }
0x76: {  	_ =	shalt  }
0x77: {  	_ =	shalt  }
0x78: {  	_ =	shalt  }
0x79: {  	_ =	shalt  }
0x7a: {  	_ =	shalt  }
0x7b: {  	_ =	shalt  }
0x7c: {  	_ =	shalt  }
0x7d: {  	_ =	shalt  }
0x7e: {  	_ =	shalt  }
0x7f: {  	_ =	shalt  }
0x80: {  	_ =	shalt  }
0x81: {  	_ =	shalt  }
0x82: {  	_ =	shalt  }
0x83: {  	_ =	shalt  }
0x84: {  	_ =	shalt  }
0x85: {  	_ =	shalt  }
0x86: {  	_ =	shalt  }
0x87: {  	_ =	shalt  }
.Lfunc_end0:
.L_simem_size_0:
called_computation_lowered:
.L_overlay_start_0:
0x88: {  	s2 =	sld [smem:$0x3FD9]  }
0x89: {  	s3 =	sld [smem:$0x3FFE];
	_ =	sdelay $0x1  }
0x8a: {  	s1 =	srdreg.scid  }
0x8b: {  	s0 =	sand.u32 $0x1, s1  }
0x8c: {  	s16 =	sshll.u32 s0, $0xA;
	s2 =	sadd.s32 s3, s2  }
0x8d: {  	s2 =	sadd.s32 s2, s16  }
0x8e: {  	[smem:$0x3FC7] =	sst s2  }
0x8f: {  	_ = 	snop  }
0x90: {  	(tm) =	ssettm $0x1  }
0x91: {  	s17 =	sld [smem:$0x3FFB];
	_ =	sdelay $0x3  }
0x92: {  	_ =	strace s17  }
0x93: {  	s2 =	sld [smem:$0x3FFC];
	_ =	sdelay $0x3  }
0x94: {  	_ =	strace s2  }
0x95: {  	s2 =	sld [smem:$0x3FFD];
	_ =	sdelay $0x3  }
0x96: {  	_ =	strace s2  }
0x97: {  	_ =	strace $0x8FFFFFFF  }
0x98: {  	s18 =	sld [smem:$0x3FDB];
	_ =	sdelay $0x1  }
0x99: {  	s19 =	simm.s32 $_scs_section_size  }
0x9a: {  	s4 =	simm.s32 $_size__tile_overlayer_lowered;
	s5 =	simm.s32 $_tile_overlayer_lowered  }
0x9b: {  	s22 =	simm.s32 $0x1BFF;
	s21 =	sshll.u32 s5, $0x1;
	s2 =	sadd.s32 s19, s18  }
0x9c: {  	s6 =	simm.s32 $0x0;
	s20 =	sshll.u32 s4, $0x1;
	s4 =	sadd.s32 s21, s2  }
0x9d: {  	[timem:s6], [sflag:s22] =	dma.local [hbm:s4], s20  }
0x9e: {  	_ =	swait.ge [sflag:s22], s20  }
0x9f: {  	s3 =	ssub.s32 $0x0, s20;
	[sflag:s22] =	ssyncset.done $0x0  }
0xa0: {  	[sflag:s22] =	ssyncadd.s32 s3;
	_ =	sdelay $0x1  }
0xa1: {  	s23 =	simm.s32 $0x1B8B  }
0xa2: {  	_ =	swait.ge [sflag:s23], $0x1  }
0xa3: {  	[sflag:s23] =	ssyncset.done $0x0  }
0xa4: {  	s25 =	simm.s32 $0x1B8E;
	s24 =	sld [smem:$0x3FFE];
	[sflag:s23] =	ssyncadd.s32 $0xFFFFFFFF  }
0xa5: {  	s26 =	simm.s32 $execute0_lowered;
	[smem:$0x3FD2] =	sst s25  }
0xa6: {  	s4 =	sshll.u32 s26, $0x1;
	_ =	strace $0x80000046;
	[dreg:$0x1] =	wrdreg $0xFFFFFFFF  }
0xa7: {  	s28 =	simm.s32 $_size_execute0_lowered;
	s2 =	sadd.s32 s2, s4;
	[dreg:$0x0] =	wrdreg $0x0  }
0xa8: {  	s4 =	sshll.u32 s28, $0x1;
	[dreg:$0x2] =	wrdreg s2  }
0xa9: {  	[dreg:$0x3] =	wrdreg s4  }
0xaa: {  	[dreg:$0x4] =	wrdreg $0xC0  }
0xab: {  	_ =	task [dreg:s6], $0x5FFFF  }
0xac: {  	[dreg:$0x1] =	wrdreg $0xFFFFFFFF  }
0xad: {  	[dreg:$0x0] =	wrdreg $0x60  }
0xae: {  	[dreg:$0x2] =	wrdreg s24  }
0xaf: {  	[dreg:$0x3] =	wrdreg $0x9  }
0xb0: {  	_ =	task.clear_ibuf [dreg:s6], $0x4FFFF;
	_ =	strace $0x90000046  }
0xb1: {  	s29 =	simm.s32 $0x9;
	_ =	strace $0x80000048  }
0xb2: {  	_ =	swait.ge [sflag:s29], $0x1  }
0xb3: {  	[sflag:s29] =	ssyncadd.s32 $0xFFFFFFFF  }
0xb4: {  	_ =	strace $0x90000048  }
0xb5: {  	_ =	sfence  }
0xb6: {  	s30 =	sld [smem:$0x0];
	_ =	sdelay $0x2  }
0xb7: {  	s31 =	sshll.u32 s1, $0xD;
	s1 =	sshrl.u32 s1, $0x2  }
0xb8: {  	s3 =	sand.u32 $0x4000, s31;
	s1 =	sadd.s32 s1, s30  }
0xb9: {  	s0 =	sor.u32 s3, s0;
	s1 =	sshll.u32 s1, $0x11  }
0xba: {  	s0 =	sor.u32 s1, s0  }
0xbb: {  	s0 =	sadd.s32 $0x8F2B, s0  }
0xbc: {  	[sflag:s0] =	ssyncadd.remote.s32 $0x1  }
0xbd: {  	_ =	sfence.sel $0xFFFF  }
0xbe: {  	[dreg:$0x0] =	wrdreg $0xFFFFFFFF;
	(pc) =	sbr.abs _section_cstart, $3  }
0xbf: {  	[dreg:$0x1] =	wrdreg $0xFFFFFFFF  }
0xc0: {  	_ =	task.clear_ibuf [dreg:s6], $0x2FFFF;
	_ =	strace $0x9FFFFFFF  }
0xc1: {  	(tm) =	ssettm $0x7FFFFFFF  }
tec
execute0_lowered:
.L_overlay_start_1:
0x0: {  	(tag) =	ssettag $0x1  }
0x1: {  	s3 =	rddreg [dreg:$0x0]  }
0x2: {  	s0 =	rddreg [dreg:$0x1];
	s1 =	simm.s32 $0x0;
	s2 =	srdreg.scid  }
0x3: {  	[smem:$0x7FF] =	sst s1;
	s4 =	sand.u32 $0x1, s2  }
0x4: {  	s2 =	stileid.u32;
	s3 =	sadd.s32 $0x400, s3;
	_ =	strace $0x80000047  }
0x5: {  	s5 =	ssub.s32 $0x2, s4;
	s7 =	sshll.u32 s2, $0x1;
	s8 =	smul.u32 $0x28000, s2  }
0x6: {  	s31 =	smul.u32 $0x14000, s4;
	s6 =	sshrl.u32 s5, $0x1;
	s30 =	sor.u32 s4, s7  }
0x7: {  	v0 =	vlaneseq.u32;
	s7 =	simm.s32 $0x1;
	s5 =	ssub.s32 s5, s6;
	s4 =	smul.u32 $0x14000, s30  }
0x8: {  	v0 =	vadd.s32 $0x2A, v0;
	s6 =	sadd.s32 s31, s8;
	s8 =	simm.s32 $0x0;
	s5 =	smax.u32 s5, $0x1  }
.LBB2_1:
0x9: {  	s9 =	smov.u32 s6;
	s10 =	simm.s32 $0x0  }
.LBB2_2:
0xa: {  	s11 =	sadd.s32 $0x0, s9  }
0xb: {  	s12 =	sadd.s32 $0x580070, s11  }
0xc: {  	s13 =	sadd.s32 $0x580000, s11;
	s26 =	sadd.s32 $0x580010, s11;
	v4 =	vadd.s32 s12, v0  }
0xd: {  	s14 =	sadd.s32 $0x580040, s11;
	v5 =	vmov s13;
	v6 =	vor.u32 s13, v0;
	v1 =	vadd.s32 s26, v0  }
0xe: {  	v8 =	vmov s14;
	v11 =	vor.u32 s14, v0;
	v2 =	vshrl.u32 v4, $0x13  }
0xf: {  	v3 =	vshll.u32 v4, $0xD;
	v5 =	vshrl.u32 v5, $0x13;
	v14 =	vshll.u32 v6, $0xD  }
0x10: {  	s28 =	sadd.s32 $0x580020, s11;
	v35 =	vshrl.u32 v1, $0x13;
	v36 =	vshll.u32 v1, $0xD;
	v8 =	vshrl.u32 v8, $0x13  }
0x11: {  	s29 =	sadd.s32 $0x580030, s11;
	v19 =	vshll.u32 v11, $0xD;
	v7 =	vor.u32 v2, v3;
	v3 =	vadd.s32 s28, v0  }
0x12: {  	v2 =	vadd.s32 s29, v0;
	v5 =	vor.u32 v5, v14;
	v8 =	vor.u32 v8, v19  }
0x13: {  	v7 =	vxor.u32 v4, v7;
	v15 =	vshrl.u32 v3, $0x13;
	v18 =	vshll.u32 v3, $0xD  }
0x14: {  	v37 =	vshrl.u32 v2, $0x13;
	v38 =	vshll.u32 v2, $0xD;
	v5 =	vxor.u32 v6, v5  }
0x15: {  	v8 =	vxor.u32 v11, v8;
	v9 =	vshrl.u32 v7, $0x11;
	v10 =	vshll.u32 v7, $0xF  }
0x16: {  	v4 =	vadd.s32 v4, v7;
	v41 =	vor.u32 v15, v18;
	v42 =	vor.u32 v37, v38  }
0x17: {  	v50 =	vshrl.u32 v5, $0x11;
	v51 =	vshll.u32 v5, $0xF;
	v60 =	vshrl.u32 v8, $0x11  }
0x18: {  	s30 =	sadd.s32 $0x580050, s11;
	v61 =	vshll.u32 v8, $0xF;
	v5 =	vadd.s32 v6, v5;
	v7 =	vor.u32 v9, v10  }
0x19: {  	s11 =	sadd.s32 $0x580060, s11;
	v8 =	vadd.s32 v11, v8;
	v9 =	vadd.s32 s30, v0;
	v7 =	vxor.u32 v4, v7  }
0x1a: {  	v10 =	vadd.s32 s11, v0;
	v12 =	vshrl.u32 v7, $0x6;
	v13 =	vshll.u32 v7, $0x1A  }
0x1b: {  	v14 =	vxor.u32 v2, v42;
	v4 =	vadd.s32 v4, v7;
	v7 =	vor.u32 v12, v13  }
0x1c: {  	v37 =	vor.u32 v60, v61;
	v21 =	vshrl.u32 v9, $0x13;
	v7 =	vxor.u32 v4, v7  }
0x1d: {  	v39 =	vshll.u32 v9, $0xD;
	v16 =	vshrl.u32 v7, $0x1A;
	v17 =	vshll.u32 v7, $0x6  }
0x1e: {  	v22 =	vshrl.u32 v10, $0x13;
	v4 =	vadd.s32 v4, v7;
	v7 =	vor.u32 v16, v17  }
0x1f: {  	v24 =	vshll.u32 v10, $0xD;
	v58 =	vshrl.u32 v14, $0x11;
	v7 =	vxor.u32 v4, v7  }
0x20: {  	v26 =	vshll.u32 v14, $0xF;
	v2 =	vadd.s32 v2, v14;
	v7 =	vadd.s32 $0x1BD11BF1, v7  }
0x21: {  	v4 =	vadd.s32 v7, v4;
	v20 =	vshrl.u32 v7, $0xF;
	v7 =	vshll.u32 v7, $0x11  }
0x22: {  	v45 =	vor.u32 v21, v39;
	v4 =	vadd.s32 $0x2A, v4;
	v7 =	vor.u32 v20, v7  }
0x23: {  	v46 =	vor.u32 v22, v24;
	v12 =	vor.u32 v35, v36;
	v7 =	vxor.u32 v4, v7  }
0x24: {  	v13 =	vxor.u32 v3, v41;
	v40 =	vshrl.u32 v7, $0x3;
	v23 =	vshll.u32 v7, $0x1D  }
0x25: {  	v15 =	vxor.u32 v9, v45;
	v4 =	vadd.s32 v4, v7;
	v7 =	vor.u32 v40, v23  }
0x26: {  	v36 =	vor.u32 v58, v26;
	v12 =	vxor.u32 v1, v12;
	v7 =	vxor.u32 v4, v7  }
0x27: {  	v56 =	vshrl.u32 v13, $0x11;
	v43 =	vshrl.u32 v7, $0x10;
	v44 =	vshll.u32 v7, $0x10  }
0x28: {  	v57 =	vshll.u32 v13, $0xF;
	v4 =	vadd.s32 v4, v7;
	v7 =	vor.u32 v43, v44  }
0x29: {  	v27 =	vshrl.u32 v15, $0x11;
	v30 =	vshll.u32 v15, $0xF;
	v7 =	vxor.u32 v4, v7  }
0x2a: {  	v3 =	vadd.s32 v3, v13;
	v47 =	vshrl.u32 v7, $0x8;
	v48 =	vshll.u32 v7, $0x18  }
0x2b: {  	v52 =	vshrl.u32 v12, $0x11;
	v4 =	vadd.s32 v4, v7;
	v7 =	vor.u32 v47, v48  }
0x2c: {  	v55 =	vshll.u32 v12, $0xF;
	v33 =	vor.u32 v56, v57;
	v7 =	vxor.u32 v4, v7  }
0x2d: {  	v38 =	vor.u32 v27, v30;
	v1 =	vadd.s32 v1, v12;
	v7 =	vadd.s32 $0x2, v7  }
0x2e: {  	v4 =	vadd.s32 v7, v4;
	v49 =	vshrl.u32 v7, $0x13;
	v7 =	vshll.u32 v7, $0xD  }
0x2f: {  	v16 =	vxor.u32 v10, v46;
	v4 =	vadd.s32 $0x1BD11BF0, v4;
	v7 =	vor.u32 v49, v7  }
0x30: {  	v17 =	vor.u32 v50, v51;
	v32 =	vor.u32 v52, v55;
	v7 =	vxor.u32 v4, v7  }
0x31: {  	v45 =	vxor.u32 v3, v33;
	v53 =	vshrl.u32 v7, $0x11;
	v54 =	vshll.u32 v7, $0xF  }
0x32: {  	v46 =	vxor.u32 v2, v36;
	v4 =	vadd.s32 v4, v7;
	v7 =	vor.u32 v53, v54  }
0x33: {  	v62 =	vshrl.u32 v16, $0x11;
	v63 =	vshll.u32 v16, $0xF;
	v7 =	vxor.u32 v4, v7  }
0x34: {  	v57 =	vshll.u32 v45, $0x1A;
	v59 =	vshrl.u32 v7, $0x6;
	v25 =	vshll.u32 v7, $0x1A  }
0x35: {  	v58 =	vshrl.u32 v46, $0x6;
	v4 =	vadd.s32 v4, v7;
	v7 =	vor.u32 v59, v25  }
0x36: {  	v3 =	vadd.s32 v3, v45;
	v2 =	vadd.s32 v2, v46;
	v7 =	vxor.u32 v4, v7  }
0x37: {  	v40 =	vor.u32 v62, v63;
	v28 =	vshrl.u32 v7, $0x1A;
	v29 =	vshll.u32 v7, $0x6  }
0x38: {  	v44 =	vxor.u32 v1, v32;
	v4 =	vadd.s32 v4, v7;
	v7 =	vor.u32 v28, v29  }
0x39: {  	v52 =	vshrl.u32 v44, $0x6;
	v47 =	vxor.u32 v8, v37;
	v7 =	vxor.u32 v4, v7  }
0x3a: {  	v60 =	vshrl.u32 v47, $0x6;
	v63 =	vshll.u32 v47, $0x1A;
	v7 =	vadd.s32 $0x2D, v7  }
0x3b: {  	v53 =	vshll.u32 v44, $0x1A;
	v34 =	vshrl.u32 v7, $0xF;
	v35 =	vshll.u32 v7, $0x11  }
0x3c: {  	v54 =	vshrl.u32 v45, $0x6;
	v4 =	vadd.s32 v4, v7;
	v7 =	vor.u32 v34, v35  }
0x3d: {  	v44 =	vadd.s32 v1, v44;
	v18 =	vor.u32 v52, v53;
	v7 =	vxor.u32 v4, v7  }
0x3e: {  	v59 =	vshll.u32 v46, $0x1A;
	v6 =	vshrl.u32 v7, $0x3;
	v39 =	vshll.u32 v7, $0x1D  }
0x3f: {  	v46 =	vxor.u32 v44, v18;
	v4 =	vadd.s32 v4, v7;
	v6 =	vor.u32 v6, v39  }
0x40: {  	v18 =	vshrl.u32 v46, $0x1A;
	v30 =	vadd.s32 v44, v46;
	v6 =	vxor.u32 v4, v6  }
0x41: {  	v7 =	vshrl.u32 v6, $0x10;
	v41 =	vshll.u32 v6, $0x10;
	v4 =	vadd.s32 v4, v6  }
0x42: {  	v6 =	vor.u32 v7, v41;
	v7 =	vadd.s32 v9, v15;
	v9 =	vadd.s32 v10, v16  }
0x43: {  	v10 =	vxor.u32 v5, v17;
	v41 =	vor.u32 v58, v59;
	v6 =	vxor.u32 v4, v6  }
0x44: {  	v15 =	vxor.u32 v7, v38;
	v48 =	vshrl.u32 v10, $0x6;
	v49 =	vxor.u32 v9, v40  }
0x45: {  	v51 =	vshll.u32 v10, $0x1A;
	v40 =	vor.u32 v54, v57;
	v5 =	vadd.s32 v5, v10  }
0x46: {  	v42 =	vshrl.u32 v6, $0x8;
	v43 =	vshll.u32 v6, $0x18;
	v4 =	vadd.s32 v4, v6  }
0x47: {  	v36 =	vshrl.u32 v15, $0x6;
	v37 =	vshll.u32 v15, $0x1A;
	v6 =	vor.u32 v42, v43  }
0x48: {  	v38 =	vshrl.u32 v49, $0x6;
	v32 =	vshll.u32 v49, $0x1A;
	v6 =	vxor.u32 v4, v6  }
0x49: {  	v16 =	vor.u32 v48, v51;
	v7 =	vadd.s32 v7, v15;
	v6 =	vadd.s32 $0x1BD11BF4, v6  }
0x4a: {  	v4 =	vadd.s32 v6, v4;
	v50 =	vshrl.u32 v6, $0x13;
	v6 =	vshll.u32 v6, $0xD  }
0x4b: {  	v48 =	vxor.u32 v2, v41;
	v4 =	vadd.s32 $0x2A, v4;
	v6 =	vor.u32 v50, v6  }
0x4c: {  	v42 =	vor.u32 v60, v63;
	v43 =	vor.u32 v38, v32;
	v6 =	vxor.u32 v4, v6  }
0x4d: {  	v45 =	vxor.u32 v5, v16;
	v55 =	vshrl.u32 v6, $0x11;
	v56 =	vshll.u32 v6, $0xF  }
0x4e: {  	v53 =	vshrl.u32 v48, $0x1A;
	v4 =	vadd.s32 v4, v6;
	v6 =	vor.u32 v55, v56  }
0x4f: {  	v54 =	vshll.u32 v48, $0x6;
	v2 =	vadd.s32 v2, v48;
	v6 =	vxor.u32 v4, v6  }
0x50: {  	v16 =	vshll.u32 v45, $0x6;
	v61 =	vshrl.u32 v6, $0x6;
	v62 =	vshll.u32 v6, $0x1A  }
0x51: {  	v63 =	vor.u32 v53, v54;
	v4 =	vadd.s32 v4, v6;
	v6 =	vor.u32 v61, v62  }
0x52: {  	v5 =	vadd.s32 v5, v45;
	v13 =	vxor.u32 v2, v63;
	v6 =	vxor.u32 v4, v6  }
0x53: {  	v13 =	vadd.s32 $0x1BD11BF1, v13;
	v39 =	vshrl.u32 v6, $0x1A;
	v31 =	vshll.u32 v6, $0x6  }
0x54: {  	v2 =	vadd.s32 v13, v2;
	v4 =	vadd.s32 v4, v6;
	v6 =	vor.u32 v39, v31  }
0x55: {  	v50 =	vshll.u32 v46, $0x6;
	v2 =	vadd.s32 $0x2A, v2;
	v6 =	vxor.u32 v4, v6  }
0x56: {  	v61 =	vor.u32 v18, v50;
	v4 =	vadd.s32 $0x1BD11BF0, v4;
	v6 =	vadd.s32 $0x5, v6  }
0x57: {  	v4 =	vxor.u32 v4, v6;
	v6 =	vor.u32 v36, v37;
	v37 =	vshrl.u32 v13, $0xF  }
0x58: {  	v13 =	vshll.u32 v13, $0x11;
	v4 =	vshrl.u32 v4, $0x9;
	v6 =	vxor.u32 v7, v6  }
0x59: {  	v13 =	vor.u32 v37, v13;
	v1 =	vor.u32 $0x3F800000, v4;
	v4 =	vadd.s32 v8, v47  }
0x5a: {  	v8 =	vadd.s32 v9, v49;
	v47 =	vxor.u32 v3, v40;
	v49 =	vshrl.u32 v45, $0x1A  }
0x5b: {  	v57 =	vshrl.u32 v6, $0x1A;
	v58 =	vshll.u32 v6, $0x6;
	v6 =	vadd.s32 v7, v6  }
0x5c: {  	v13 =	vxor.u32 v2, v13;
	v1 =	vadd.f32 $-1.000000000e+00, v1;
	v14 =	vxor.u32 v4, v42  }
0x5d: {  	v17 =	vxor.u32 v8, v43;
	v51 =	vshrl.u32 v47, $0x1A;
	v52 =	vshll.u32 v47, $0x6  }
0x5e: {  	v15 =	vor.u32 v49, v16;
	v27 =	vor.u32 v57, v58;
	v3 =	vadd.s32 v3, v47  }
0x5f: {  	v47 =	vshrl.u32 v13, $0x3;
	v48 =	vshll.u32 v13, $0x1D;
	v2 =	vadd.s32 v2, v13  }
0x60: {  	v55 =	vshrl.u32 v14, $0x1A;
	v56 =	vshll.u32 v14, $0x6;
	v59 =	vshrl.u32 v17, $0x1A  }
0x61: {  	v60 =	vshll.u32 v17, $0x6;
	v62 =	vor.u32 v51, v52;
	v4 =	vadd.s32 v4, v14  }
0x62: {  	v32 =	vxor.u32 v5, v15;
	v7 =	vadd.s32 v8, v17;
	v8 =	vxor.u32 v30, v61  }
0x63: {  	v33 =	vxor.u32 v6, v27;
	v57 =	vor.u32 v47, v48;
	v25 =	vor.u32 v55, v56  }
0x64: {  	v31 =	vor.u32 v59, v60;
	v12 =	vxor.u32 v3, v62;
	v11 =	vadd.s32 $0x1BD11BF1, v32  }
0x65: {  	v8 =	vadd.s32 $0x1BD11BF1, v8;
	v15 =	vadd.s32 $0x1BD11BF1, v33;
	v13 =	vxor.u32 v2, v57  }
0x66: {  	v14 =	vxor.u32 v4, v25;
	v10 =	vxor.u32 v7, v31;
	v12 =	vadd.s32 $0x1BD11BF1, v12  }
0x67: {  	v5 =	vadd.s32 v11, v5;
	v34 =	vshrl.u32 v11, $0xF;
	v11 =	vshll.u32 v11, $0x11  }
0x68: {  	v9 =	vadd.s32 v8, v30;
	v35 =	vshrl.u32 v8, $0xF;
	v8 =	vshll.u32 v8, $0x11  }
0x69: {  	v6 =	vadd.s32 v15, v6;
	v39 =	vshrl.u32 v15, $0xF;
	v15 =	vshll.u32 v15, $0x11  }
0x6a: {  	v2 =	vadd.s32 v2, v13;
	v14 =	vadd.s32 $0x1BD11BF1, v14;
	v10 =	vadd.s32 $0x1BD11BF1, v10  }
0x6b: {  	v3 =	vadd.s32 v12, v3;
	v36 =	vshrl.u32 v12, $0xF;
	v12 =	vshll.u32 v12, $0x11  }
0x6c: {  	v5 =	vadd.s32 $0x2A, v5;
	v11 =	vor.u32 v34, v11;
	v9 =	vadd.s32 $0x2A, v9  }
0x6d: {  	v8 =	vor.u32 v35, v8;
	v6 =	vadd.s32 $0x2A, v6;
	v15 =	vor.u32 v39, v15  }
0x6e: {  	v35 =	vshrl.u32 v13, $0x10;
	v4 =	vadd.s32 v14, v4;
	v38 =	vshrl.u32 v14, $0xF  }
0x6f: {  	v14 =	vshll.u32 v14, $0x11;
	v7 =	vadd.s32 v10, v7;
	v40 =	vshrl.u32 v10, $0xF  }
0x70: {  	v10 =	vshll.u32 v10, $0x11;
	v3 =	vadd.s32 $0x2A, v3;
	v12 =	vor.u32 v36, v12  }
0x71: {  	v11 =	vxor.u32 v5, v11;
	v8 =	vxor.u32 v9, v8;
	v15 =	vxor.u32 v6, v15  }
0x72: {  	v36 =	vshll.u32 v13, $0x10;
	v4 =	vadd.s32 $0x2A, v4;
	v14 =	vor.u32 v38, v14  }
0x73: {  	v7 =	vadd.s32 $0x2A, v7;
	v10 =	vor.u32 v40, v10;
	v12 =	vxor.u32 v3, v12  }
0x74: {  	v41 =	vshrl.u32 v11, $0x3;
	v42 =	vshll.u32 v11, $0x1D;
	v43 =	vshrl.u32 v8, $0x3  }
0x75: {  	v44 =	vshll.u32 v8, $0x1D;
	v51 =	vshrl.u32 v15, $0x3;
	v52 =	vshll.u32 v15, $0x1D  }
0x76: {  	v5 =	vadd.s32 v5, v11;
	v8 =	vadd.s32 v9, v8;
	v6 =	vadd.s32 v6, v15  }
0x77: {  	v14 =	vxor.u32 v4, v14;
	v10 =	vxor.u32 v7, v10;
	v45 =	vshrl.u32 v12, $0x3  }
0x78: {  	v46 =	vshll.u32 v12, $0x1D;
	v16 =	vor.u32 v41, v42;
	v55 =	vor.u32 v43, v44  }
0x79: {  	v59 =	vor.u32 v51, v52;
	v3 =	vadd.s32 v3, v12;
	v44 =	vor.u32 v35, v36  }
0x7a: {  	v49 =	vshrl.u32 v14, $0x3;
	v50 =	vshll.u32 v14, $0x1D;
	v53 =	vshrl.u32 v10, $0x3  }
0x7b: {  	v54 =	vshll.u32 v10, $0x1D;
	v56 =	vor.u32 v45, v46;
	v4 =	vadd.s32 v4, v14  }
0x7c: {  	v11 =	vxor.u32 v5, v16;
	v7 =	vadd.s32 v7, v10;
	v61 =	vxor.u32 v8, v55  }
0x7d: {  	v15 =	vxor.u32 v6, v59;
	v58 =	vor.u32 v49, v50;
	v60 =	vor.u32 v53, v54  }
0x7e: {  	v12 =	vxor.u32 v3, v56;
	v16 =	vshrl.u32 v11, $0x10;
	v62 =	vshll.u32 v11, $0x10  }
0x7f: {  	v63 =	vshrl.u32 v61, $0x10;
	v32 =	vshll.u32 v61, $0x10;
	v39 =	vshrl.u32 v15, $0x10  }
0x80: {  	v40 =	vshll.u32 v15, $0x10;
	v5 =	vadd.s32 v5, v11;
	v8 =	vadd.s32 v8, v61  }
0x81: {  	v6 =	vadd.s32 v6, v15;
	v50 =	vxor.u32 v2, v44;
	v14 =	vxor.u32 v4, v58  }
0x82: {  	v9 =	vxor.u32 v7, v60;
	v33 =	vshrl.u32 v12, $0x10;
	v34 =	vshll.u32 v12, $0x10  }
0x83: {  	v16 =	vor.u32 v16, v62;
	v18 =	vor.u32 v63, v32;
	v46 =	vor.u32 v39, v40  }
0x84: {  	v3 =	vadd.s32 v3, v12;
	v58 =	vshrl.u32 v50, $0x8;
	v59 =	vshll.u32 v50, $0x18  }
0x85: {  	v2 =	vadd.s32 v2, v50;
	v37 =	vshrl.u32 v14, $0x10;
	v38 =	vshll.u32 v14, $0x10  }
0x86: {  	v41 =	vshrl.u32 v9, $0x10;
	v42 =	vshll.u32 v9, $0x10;
	v43 =	vor.u32 v33, v34  }
0x87: {  	v4 =	vadd.s32 v4, v14;
	v47 =	vxor.u32 v5, v16;
	v48 =	vxor.u32 v8, v18  }
0x88: {  	v7 =	vadd.s32 v7, v9;
	v15 =	vxor.u32 v6, v46;
	v36 =	vor.u32 v58, v59  }
0x89: {  	v45 =	vor.u32 v37, v38;
	v17 =	vor.u32 v41, v42;
	v49 =	vxor.u32 v3, v43  }
0x8a: {  	v52 =	vshrl.u32 v47, $0x8;
	v54 =	vshll.u32 v47, $0x18;
	v18 =	vshrl.u32 v48, $0x8  }
0x8b: {  	v55 =	vshll.u32 v48, $0x18;
	v62 =	vshrl.u32 v15, $0x8;
	v63 =	vshll.u32 v15, $0x18  }
0x8c: {  	v5 =	vadd.s32 v5, v47;
	v8 =	vadd.s32 v8, v48;
	v6 =	vadd.s32 v6, v15  }
0x8d: {  	v41 =	vxor.u32 v2, v36;
	v51 =	vxor.u32 v4, v45;
	v53 =	vxor.u32 v7, v17  }
0x8e: {  	v56 =	vshrl.u32 v49, $0x8;
	v57 =	vshll.u32 v49, $0x18;
	v14 =	vor.u32 v52, v54  }
0x8f: {  	v33 =	vor.u32 v18, v55;
	v38 =	vor.u32 v62, v63;
	v3 =	vadd.s32 v3, v49  }
0x90: {  	v13 =	vadd.s32 $0x2, v41;
	v60 =	vshrl.u32 v51, $0x8;
	v61 =	vshll.u32 v51, $0x18  }
0x91: {  	v32 =	vshrl.u32 v53, $0x8;
	v34 =	vshll.u32 v53, $0x18;
	v35 =	vor.u32 v56, v57  }
0x92: {  	v4 =	vadd.s32 v4, v51;
	v7 =	vadd.s32 v7, v53;
	v39 =	vxor.u32 v5, v14  }
0x93: {  	v11 =	vxor.u32 v8, v33;
	v10 =	vxor.u32 v6, v38;
	v2 =	vadd.s32 v13, v2  }
0x94: {  	v47 =	vshrl.u32 v13, $0x13;
	v13 =	vshll.u32 v13, $0xD;
	v37 =	vor.u32 v60, v61  }
0x95: {  	v18 =	vor.u32 v32, v34;
	v40 =	vxor.u32 v3, v35;
	v9 =	vadd.s32 $0x2, v39  }
0x96: {  	v11 =	vadd.s32 $0x2, v11;
	v10 =	vadd.s32 $0x2, v10;
	v2 =	vadd.s32 $0x1BD11BF0, v2  }
0x97: {  	v13 =	vor.u32 v47, v13;
	v42 =	vxor.u32 v4, v37;
	v43 =	vxor.u32 v7, v18  }
0x98: {  	v12 =	vadd.s32 $0x2, v40;
	v5 =	vadd.s32 v9, v5;
	v44 =	vshrl.u32 v9, $0x13  }
0x99: {  	v9 =	vshll.u32 v9, $0xD;
	v8 =	vadd.s32 v11, v8;
	v45 =	vshrl.u32 v11, $0x13  }
0x9a: {  	v11 =	vshll.u32 v11, $0xD;
	v6 =	vadd.s32 v10, v6;
	v49 =	vshrl.u32 v10, $0x13  }
0x9b: {  	v10 =	vshll.u32 v10, $0xD;
	v13 =	vxor.u32 v2, v13;
	v14 =	vadd.s32 $0x2, v42  }
0x9c: {  	v15 =	vadd.s32 $0x2, v43;
	v3 =	vadd.s32 v12, v3;
	v46 =	vshrl.u32 v12, $0x13  }
0x9d: {  	v12 =	vshll.u32 v12, $0xD;
	v5 =	vadd.s32 $0x1BD11BF0, v5;
	v9 =	vor.u32 v44, v9  }
0x9e: {  	v8 =	vadd.s32 $0x1BD11BF0, v8;
	v11 =	vor.u32 v45, v11;
	v6 =	vadd.s32 $0x1BD11BF0, v6  }
0x9f: {  	v10 =	vor.u32 v49, v10;
	v57 =	vshrl.u32 v13, $0x11;
	v58 =	vshll.u32 v13, $0xF  }
0xa0: {  	v2 =	vadd.s32 v2, v13;
	v4 =	vadd.s32 v14, v4;
	v48 =	vshrl.u32 v14, $0x13  }
0xa1: {  	v14 =	vshll.u32 v14, $0xD;
	v7 =	vadd.s32 v15, v7;
	v50 =	vshrl.u32 v15, $0x13  }
0xa2: {  	v15 =	vshll.u32 v15, $0xD;
	v3 =	vadd.s32 $0x1BD11BF0, v3;
	v12 =	vor.u32 v46, v12  }
0xa3: {  	v9 =	vxor.u32 v5, v9;
	v11 =	vxor.u32 v8, v11;
	v10 =	vxor.u32 v6, v10  }
0xa4: {  	v34 =	vor.u32 v57, v58;
	v4 =	vadd.s32 $0x1BD11BF0, v4;
	v14 =	vor.u32 v48, v14  }
0xa5: {  	v7 =	vadd.s32 $0x1BD11BF0, v7;
	v15 =	vor.u32 v50, v15;
	v12 =	vxor.u32 v3, v12  }
0xa6: {  	v51 =	vshrl.u32 v9, $0x11;
	v52 =	vshll.u32 v9, $0xF;
	v53 =	vshrl.u32 v11, $0x11  }
0xa7: {  	v54 =	vshll.u32 v11, $0xF;
	v61 =	vshrl.u32 v10, $0x11;
	v62 =	vshll.u32 v10, $0xF  }
0xa8: {  	v5 =	vadd.s32 v5, v9;
	v8 =	vadd.s32 v8, v11;
	v6 =	vadd.s32 v6, v10  }
0xa9: {  	v13 =	vxor.u32 v2, v34;
	v14 =	vxor.u32 v4, v14;
	v15 =	vxor.u32 v7, v15  }
0xaa: {  	v55 =	vshrl.u32 v12, $0x11;
	v56 =	vshll.u32 v12, $0xF;
	v16 =	vor.u32 v51, v52  }
0xab: {  	v31 =	vor.u32 v53, v54;
	v36 =	vor.u32 v61, v62;
	v3 =	vadd.s32 v3, v12  }
0xac: {  	v44 =	vshrl.u32 v13, $0x6;
	v45 =	vshll.u32 v13, $0x1A;
	v2 =	vadd.s32 v2, v13  }
0xad: {  	v59 =	vshrl.u32 v14, $0x11;
	v60 =	vshll.u32 v14, $0xF;
	v63 =	vshrl.u32 v15, $0x11  }
0xae: {  	v32 =	vshll.u32 v15, $0xF;
	v33 =	vor.u32 v55, v56;
	v4 =	vadd.s32 v4, v14  }
0xaf: {  	v7 =	vadd.s32 v7, v15;
	v37 =	vxor.u32 v5, v16;
	v11 =	vxor.u32 v8, v31  }
0xb0: {  	v9 =	vxor.u32 v6, v36;
	v54 =	vor.u32 v44, v45;
	v35 =	vor.u32 v59, v60  }
0xb1: {  	v18 =	vor.u32 v63, v32;
	v12 =	vxor.u32 v3, v33;
	v38 =	vshrl.u32 v37, $0x6  }
0xb2: {  	v16 =	vshll.u32 v37, $0x1A;
	v40 =	vshrl.u32 v11, $0x6;
	v41 =	vshll.u32 v11, $0x1A  }
0xb3: {  	v48 =	vshrl.u32 v9, $0x6;
	v49 =	vshll.u32 v9, $0x1A;
	v5 =	vadd.s32 v5, v37  }
0xb4: {  	v8 =	vadd.s32 v8, v11;
	v6 =	vadd.s32 v6, v9;
	v13 =	vxor.u32 v2, v54  }
0xb5: {  	v14 =	vxor.u32 v4, v35;
	v39 =	vxor.u32 v7, v18;
	v42 =	vshrl.u32 v12, $0x6  }
0xb6: {  	v43 =	vshll.u32 v12, $0x1A;
	v15 =	vor.u32 v38, v16;
	v52 =	vor.u32 v40, v41  }
0xb7: {  	v56 =	vor.u32 v48, v49;
	v3 =	vadd.s32 v3, v12;
	v35 =	vshrl.u32 v13, $0x1A  }
0xb8: {  	v36 =	vshll.u32 v13, $0x6;
	v2 =	vadd.s32 v2, v13;
	v46 =	vshrl.u32 v14, $0x6  }
0xb9: {  	v47 =	vshll.u32 v14, $0x1A;
	v50 =	vshrl.u32 v39, $0x6;
	v51 =	vshll.u32 v39, $0x1A  }
0xba: {  	v53 =	vor.u32 v42, v43;
	v4 =	vadd.s32 v4, v14;
	v58 =	vxor.u32 v5, v15  }
0xbb: {  	v7 =	vadd.s32 v7, v39;
	v59 =	vxor.u32 v8, v52;
	v60 =	vxor.u32 v6, v56  }
0xbc: {  	v44 =	vor.u32 v35, v36;
	v55 =	vor.u32 v46, v47;
	v57 =	vor.u32 v50, v51  }
0xbd: {  	v12 =	vxor.u32 v3, v53;
	v61 =	vshrl.u32 v58, $0x1A;
	v62 =	vshll.u32 v58, $0x6  }
0xbe: {  	v63 =	vshrl.u32 v59, $0x1A;
	v32 =	vshll.u32 v59, $0x6;
	v39 =	vshrl.u32 v60, $0x1A  }
0xbf: {  	v40 =	vshll.u32 v60, $0x6;
	v5 =	vadd.s32 v5, v58;
	v8 =	vadd.s32 v8, v59  }
0xc0: {  	v6 =	vadd.s32 v6, v60;
	v50 =	vxor.u32 v2, v44;
	v14 =	vxor.u32 v4, v55  }
0xc1: {  	v10 =	vxor.u32 v7, v57;
	v33 =	vshrl.u32 v12, $0x1A;
	v34 =	vshll.u32 v12, $0x6  }
0xc2: {  	v16 =	vor.u32 v61, v62;
	v18 =	vor.u32 v63, v32;
	v46 =	vor.u32 v39, v40  }
0xc3: {  	v3 =	vadd.s32 v3, v12;
	v12 =	vadd.s32 $0x2D, v50;
	v37 =	vshrl.u32 v14, $0x1A  }
0xc4: {  	v38 =	vshll.u32 v14, $0x6;
	v41 =	vshrl.u32 v10, $0x1A;
	v42 =	vshll.u32 v10, $0x6  }
0xc5: {  	v43 =	vor.u32 v33, v34;
	v4 =	vadd.s32 v4, v14;
	v47 =	vxor.u32 v5, v16  }
0xc6: {  	v48 =	vxor.u32 v8, v18;
	v7 =	vadd.s32 v7, v10;
	v52 =	vxor.u32 v6, v46  }
0xc7: {  	v60 =	vshrl.u32 v12, $0xF;
	v61 =	vshll.u32 v12, $0x11;
	v2 =	vadd.s32 v2, v12  }
0xc8: {  	v45 =	vor.u32 v37, v38;
	v17 =	vor.u32 v41, v42;
	v49 =	vxor.u32 v3, v43  }
0xc9: {  	v9 =	vadd.s32 $0x2D, v47;
	v11 =	vadd.s32 $0x2D, v48;
	v14 =	vadd.s32 $0x2D, v52  }
0xca: {  	v37 =	vor.u32 v60, v61;
	v51 =	vxor.u32 v4, v45;
	v53 =	vxor.u32 v7, v17  }
0xcb: {  	v10 =	vadd.s32 $0x2D, v49;
	v54 =	vshrl.u32 v9, $0xF;
	v55 =	vshll.u32 v9, $0x11  }
0xcc: {  	v56 =	vshrl.u32 v11, $0xF;
	v57 =	vshll.u32 v11, $0x11;
	v32 =	vshrl.u32 v14, $0xF  }
0xcd: {  	v33 =	vshll.u32 v14, $0x11;
	v5 =	vadd.s32 v5, v9;
	v8 =	vadd.s32 v8, v11  }
0xce: {  	v6 =	vadd.s32 v6, v14;
	v12 =	vxor.u32 v2, v37;
	v13 =	vadd.s32 $0x2D, v51  }
0xcf: {  	v15 =	vadd.s32 $0x2D, v53;
	v58 =	vshrl.u32 v10, $0xF;
	v59 =	vshll.u32 v10, $0x11  }
0xd0: {  	v16 =	vor.u32 v54, v55;
	v18 =	vor.u32 v56, v57;
	v39 =	vor.u32 v32, v33  }
0xd1: {  	v3 =	vadd.s32 v3, v10;
	v49 =	vshrl.u32 v12, $0x3;
	v50 =	vshll.u32 v12, $0x1D  }
0xd2: {  	v2 =	vadd.s32 v2, v12;
	v62 =	vshrl.u32 v13, $0xF;
	v63 =	vshll.u32 v13, $0x11  }
0xd3: {  	v34 =	vshrl.u32 v15, $0xF;
	v35 =	vshll.u32 v15, $0x11;
	v36 =	vor.u32 v58, v59  }
0xd4: {  	v4 =	vadd.s32 v4, v13;
	v9 =	vxor.u32 v5, v16;
	v40 =	vxor.u32 v8, v18  }
0xd5: {  	v7 =	vadd.s32 v7, v15;
	v43 =	vxor.u32 v6, v39;
	v59 =	vor.u32 v49, v50  }
0xd6: {  	v38 =	vor.u32 v62, v63;
	v17 =	vor.u32 v34, v35;
	v41 =	vxor.u32 v3, v36  }
0xd7: {  	v42 =	vshrl.u32 v9, $0x3;
	v45 =	vshll.u32 v9, $0x1D;
	v18 =	vshrl.u32 v40, $0x3  }
0xd8: {  	v46 =	vshll.u32 v40, $0x1D;
	v53 =	vshrl.u32 v43, $0x3;
	v54 =	vshll.u32 v43, $0x1D  }
0xd9: {  	v5 =	vadd.s32 v5, v9;
	v8 =	vadd.s32 v8, v40;
	v6 =	vadd.s32 v6, v43  }
0xda: {  	v33 =	vxor.u32 v2, v59;
	v13 =	vxor.u32 v4, v38;
	v44 =	vxor.u32 v7, v17  }
0xdb: {  	v47 =	vshrl.u32 v41, $0x3;
	v48 =	vshll.u32 v41, $0x1D;
	v14 =	vor.u32 v42, v45  }
0xdc: {  	v56 =	vor.u32 v18, v46;
	v61 =	vor.u32 v53, v54;
	v3 =	vadd.s32 v3, v41  }
0xdd: {  	v42 =	vshrl.u32 v33, $0x10;
	v43 =	vshll.u32 v33, $0x10;
	v2 =	vadd.s32 v2, v33  }
0xde: {  	v51 =	vshrl.u32 v13, $0x3;
	v52 =	vshll.u32 v13, $0x1D;
	v55 =	vshrl.u32 v44, $0x3  }
0xdf: {  	v57 =	vshll.u32 v44, $0x1D;
	v58 =	vor.u32 v47, v48;
	v4 =	vadd.s32 v4, v13  }
0xe0: {  	v7 =	vadd.s32 v7, v44;
	v62 =	vxor.u32 v5, v14;
	v63 =	vxor.u32 v8, v56  }
0xe1: {  	v9 =	vxor.u32 v6, v61;
	v60 =	vor.u32 v51, v52;
	v18 =	vor.u32 v55, v57  }
0xe2: {  	v32 =	vxor.u32 v3, v58;
	v35 =	vshrl.u32 v62, $0x10;
	v36 =	vshll.u32 v62, $0x10  }
0xe3: {  	v38 =	vshrl.u32 v63, $0x10;
	v39 =	vshll.u32 v63, $0x10;
	v46 =	vshrl.u32 v9, $0x10  }
0xe4: {  	v47 =	vshll.u32 v9, $0x10;
	v52 =	vor.u32 v42, v43;
	v5 =	vadd.s32 v5, v62  }
0xe5: {  	v8 =	vadd.s32 v8, v63;
	v6 =	vadd.s32 v6, v9;
	v34 =	vxor.u32 v4, v60  }
0xe6: {  	v37 =	vxor.u32 v7, v18;
	v40 =	vshrl.u32 v32, $0x10;
	v41 =	vshll.u32 v32, $0x10  }
0xe7: {  	v15 =	vor.u32 v35, v36;
	v50 =	vor.u32 v38, v39;
	v54 =	vor.u32 v46, v47  }
0xe8: {  	v3 =	vadd.s32 v3, v32;
	v13 =	vxor.u32 v2, v52;
	v44 =	vshrl.u32 v34, $0x10  }
0xe9: {  	v45 =	vshll.u32 v34, $0x10;
	v48 =	vshrl.u32 v37, $0x10;
	v49 =	vshll.u32 v37, $0x10  }
0xea: {  	v51 =	vor.u32 v40, v41;
	v4 =	vadd.s32 v4, v34;
	v56 =	vxor.u32 v5, v15  }
0xeb: {  	v7 =	vadd.s32 v7, v37;
	v57 =	vxor.u32 v8, v50;
	v58 =	vxor.u32 v6, v54  }
0xec: {  	v33 =	vshrl.u32 v13, $0x8;
	v34 =	vshll.u32 v13, $0x18;
	v2 =	vadd.s32 v2, v13  }
0xed: {  	v53 =	vor.u32 v44, v45;
	v55 =	vor.u32 v48, v49;
	v12 =	vxor.u32 v3, v51  }
0xee: {  	v59 =	vshrl.u32 v56, $0x8;
	v60 =	vshll.u32 v56, $0x18;
	v61 =	vshrl.u32 v57, $0x8  }
0xef: {  	v62 =	vshll.u32 v57, $0x18;
	v37 =	vshrl.u32 v58, $0x8;
	v38 =	vshll.u32 v58, $0x18  }
0xf0: {  	v42 =	vor.u32 v33, v34;
	v5 =	vadd.s32 v5, v56;
	v8 =	vadd.s32 v8, v57  }
0xf1: {  	v6 =	vadd.s32 v6, v58;
	v14 =	vxor.u32 v4, v53;
	v10 =	vxor.u32 v7, v55  }
0xf2: {  	v63 =	vshrl.u32 v12, $0x8;
	v32 =	vshll.u32 v12, $0x18;
	v16 =	vor.u32 v59, v60  }
0xf3: {  	v18 =	vor.u32 v61, v62;
	v44 =	vor.u32 v37, v38;
	v3 =	vadd.s32 v3, v12  }
0xf4: {  	v48 =	vxor.u32 v2, v42;
	v35 =	vshrl.u32 v14, $0x8;
	v36 =	vshll.u32 v14, $0x18  }
0xf5: {  	v39 =	vshrl.u32 v10, $0x8;
	v40 =	vshll.u32 v10, $0x18;
	v41 =	vor.u32 v63, v32  }
0xf6: {  	v4 =	vadd.s32 v4, v14;
	v45 =	vxor.u32 v5, v16;
	v46 =	vxor.u32 v8, v18  }
0xf7: {  	v7 =	vadd.s32 v7, v10;
	v50 =	vxor.u32 v6, v44;
	v12 =	vadd.s32 $0x1BD11BF4, v48  }
0xf8: {  	v43 =	vor.u32 v35, v36;
	v17 =	vor.u32 v39, v40;
	v47 =	vxor.u32 v3, v41  }
0xf9: {  	v9 =	vadd.s32 $0x1BD11BF4, v45;
	v11 =	vadd.s32 $0x1BD11BF4, v46;
	v14 =	vadd.s32 $0x1BD11BF4, v50  }
0xfa: {  	v2 =	vadd.s32 v12, v2;
	v55 =	vshrl.u32 v12, $0x13;
	v12 =	vshll.u32 v12, $0xD  }
0xfb: {  	v49 =	vxor.u32 v4, v43;
	v51 =	vxor.u32 v7, v17;
	v10 =	vadd.s32 $0x1BD11BF4, v47  }
0xfc: {  	v5 =	vadd.s32 v9, v5;
	v52 =	vshrl.u32 v9, $0x13;
	v9 =	vshll.u32 v9, $0xD  }
0xfd: {  	v8 =	vadd.s32 v11, v8;
	v53 =	vshrl.u32 v11, $0x13;
	v11 =	vshll.u32 v11, $0xD  }
0xfe: {  	v6 =	vadd.s32 v14, v6;
	v57 =	vshrl.u32 v14, $0x13;
	v14 =	vshll.u32 v14, $0xD  }
0xff: {  	v2 =	vadd.s32 $0x2A, v2;
	v12 =	vor.u32 v55, v12;
	v13 =	vadd.s32 $0x1BD11BF4, v49  }
0x100: {  	v15 =	vadd.s32 $0x1BD11BF4, v51;
	v3 =	vadd.s32 v10, v3;
	v54 =	vshrl.u32 v10, $0x13  }
0x101: {  	v10 =	vshll.u32 v10, $0xD;
	v5 =	vadd.s32 $0x2A, v5;
	v9 =	vor.u32 v52, v9  }
0x102: {  	v8 =	vadd.s32 $0x2A, v8;
	v11 =	vor.u32 v53, v11;
	v6 =	vadd.s32 $0x2A, v6  }
0x103: {  	v14 =	vor.u32 v57, v14;
	v12 =	vxor.u32 v2, v12;
	v4 =	vadd.s32 v13, v4  }
0x104: {  	v56 =	vshrl.u32 v13, $0x13;
	v13 =	vshll.u32 v13, $0xD;
	v7 =	vadd.s32 v15, v7  }
0x105: {  	v58 =	vshrl.u32 v15, $0x13;
	v15 =	vshll.u32 v15, $0xD;
	v3 =	vadd.s32 $0x2A, v3  }
0x106: {  	v10 =	vor.u32 v54, v10;
	v9 =	vxor.u32 v5, v9;
	v11 =	vxor.u32 v8, v11  }
0x107: {  	v14 =	vxor.u32 v6, v14;
	v33 =	vshrl.u32 v12, $0x11;
	v34 =	vshll.u32 v12, $0xF  }
0x108: {  	v2 =	vadd.s32 v2, v12;
	v4 =	vadd.s32 $0x2A, v4;
	v13 =	vor.u32 v56, v13  }
0x109: {  	v7 =	vadd.s32 $0x2A, v7;
	v15 =	vor.u32 v58, v15;
	v10 =	vxor.u32 v3, v10  }
0x10a: {  	v59 =	vshrl.u32 v9, $0x11;
	v60 =	vshll.u32 v9, $0xF;
	v61 =	vshrl.u32 v11, $0x11  }
0x10b: {  	v62 =	vshll.u32 v11, $0xF;
	v37 =	vshrl.u32 v14, $0x11;
	v38 =	vshll.u32 v14, $0xF  }
0x10c: {  	v42 =	vor.u32 v33, v34;
	v5 =	vadd.s32 v5, v9;
	v8 =	vadd.s32 v8, v11  }
0x10d: {  	v6 =	vadd.s32 v6, v14;
	v13 =	vxor.u32 v4, v13;
	v15 =	vxor.u32 v7, v15  }
0x10e: {  	v63 =	vshrl.u32 v10, $0x11;
	v32 =	vshll.u32 v10, $0xF;
	v16 =	vor.u32 v59, v60  }
0x10f: {  	v18 =	vor.u32 v61, v62;
	v44 =	vor.u32 v37, v38;
	v3 =	vadd.s32 v3, v10  }
0x110: {  	v12 =	vxor.u32 v2, v42;
	v35 =	vshrl.u32 v13, $0x11;
	v36 =	vshll.u32 v13, $0xF  }
0x111: {  	v39 =	vshrl.u32 v15, $0x11;
	v40 =	vshll.u32 v15, $0xF;
	v41 =	vor.u32 v63, v32  }
0x112: {  	v4 =	vadd.s32 v4, v13;
	v9 =	vxor.u32 v5, v16;
	v45 =	vxor.u32 v8, v18  }
0x113: {  	v7 =	vadd.s32 v7, v15;
	v48 =	vxor.u32 v6, v44;
	v54 =	vshrl.u32 v12, $0x6  }
0x114: {  	v55 =	vshll.u32 v12, $0x1A;
	v2 =	vadd.s32 v2, v12;
	v43 =	vor.u32 v35, v36  }
0x115: {  	v17 =	vor.u32 v39, v40;
	v46 =	vxor.u32 v3, v41;
	v47 =	vshrl.u32 v9, $0x6  }
0x116: {  	v50 =	vshll.u32 v9, $0x1A;
	v18 =	vshrl.u32 v45, $0x6;
	v51 =	vshll.u32 v45, $0x1A  }
0x117: {  	v58 =	vshrl.u32 v48, $0x6;
	v59 =	vshll.u32 v48, $0x1A;
	v29 =	vor.u32 v54, v55  }
0x118: {  	v5 =	vadd.s32 v5, v9;
	v8 =	vadd.s32 v8, v45;
	v6 =	vadd.s32 v6, v48  }
0x119: {  	v13 =	vxor.u32 v4, v43;
	v49 =	vxor.u32 v7, v17;
	v52 =	vshrl.u32 v46, $0x6  }
0x11a: {  	v53 =	vshll.u32 v46, $0x1A;
	v14 =	vor.u32 v47, v50;
	v61 =	vor.u32 v18, v51  }
0x11b: {  	v31 =	vor.u32 v58, v59;
	v3 =	vadd.s32 v3, v46;
	v35 =	vxor.u32 v2, v29  }
0x11c: {  	v56 =	vshrl.u32 v13, $0x6;
	v57 =	vshll.u32 v13, $0x1A;
	v60 =	vshrl.u32 v49, $0x6  }
0x11d: {  	v62 =	vshll.u32 v49, $0x1A;
	v63 =	vor.u32 v52, v53;
	v4 =	vadd.s32 v4, v13  }
0x11e: {  	v7 =	vadd.s32 v7, v49;
	v32 =	vxor.u32 v5, v14;
	v33 =	vxor.u32 v8, v61  }
0x11f: {  	v9 =	vxor.u32 v6, v31;
	v44 =	vshrl.u32 v35, $0x1A;
	v45 =	vshll.u32 v35, $0x6  }
0x120: {  	v2 =	vadd.s32 v2, v35;
	v30 =	vor.u32 v56, v57;
	v18 =	vor.u32 v60, v62  }
0x121: {  	v34 =	vxor.u32 v3, v63;
	v37 =	vshrl.u32 v32, $0x1A;
	v38 =	vshll.u32 v32, $0x6  }
0x122: {  	v40 =	vshrl.u32 v33, $0x1A;
	v41 =	vshll.u32 v33, $0x6;
	v48 =	vshrl.u32 v9, $0x1A  }
0x123: {  	v49 =	vshll.u32 v9, $0x6;
	v54 =	vor.u32 v44, v45;
	v5 =	vadd.s32 v5, v32  }
0x124: {  	v8 =	vadd.s32 v8, v33;
	v6 =	vadd.s32 v6, v9;
	v36 =	vxor.u32 v4, v30  }
0x125: {  	v39 =	vxor.u32 v7, v18;
	v42 =	vshrl.u32 v34, $0x1A;
	v43 =	vshll.u32 v34, $0x6  }
0x126: {  	v15 =	vor.u32 v37, v38;
	v52 =	vor.u32 v40, v41;
	v56 =	vor.u32 v48, v49  }
0x127: {  	v3 =	vadd.s32 v3, v34;
	v13 =	vxor.u32 v2, v54;
	v2 =	vadd.s32 $0x1BD11BF0, v2  }
0x128: {  	v46 =	vshrl.u32 v36, $0x1A;
	v47 =	vshll.u32 v36, $0x6;
	v50 =	vshrl.u32 v39, $0x1A  }
0x129: {  	v51 =	vshll.u32 v39, $0x6;
	v53 =	vor.u32 v42, v43;
	v4 =	vadd.s32 v4, v36  }
0x12a: {  	v58 =	vxor.u32 v5, v15;
	v7 =	vadd.s32 v7, v39;
	v59 =	vxor.u32 v8, v52  }
0x12b: {  	v60 =	vxor.u32 v6, v56;
	v13 =	vadd.s32 $0x5, v13;
	v5 =	vadd.s32 $0x1BD11BF0, v5  }
0x12c: {  	v8 =	vadd.s32 $0x1BD11BF0, v8;
	v6 =	vadd.s32 $0x1BD11BF0, v6;
	v55 =	vor.u32 v46, v47  }
0x12d: {  	v57 =	vor.u32 v50, v51;
	v12 =	vxor.u32 v3, v53;
	v11 =	vadd.s32 $0x5, v58  }
0x12e: {  	v9 =	vadd.s32 $0x5, v59;
	v15 =	vadd.s32 $0x5, v60;
	v3 =	vadd.s32 $0x1BD11BF0, v3  }
0x12f: {  	v2 =	vxor.u32 v2, v13;
	v14 =	vxor.u32 v4, v55;
	v10 =	vxor.u32 v7, v57  }
0x130: {  	v12 =	vadd.s32 $0x5, v12;
	v4 =	vadd.s32 $0x1BD11BF0, v4;
	v5 =	vxor.u32 v5, v11  }
0x131: {  	v7 =	vadd.s32 $0x1BD11BF0, v7;
	v8 =	vxor.u32 v8, v9;
	v6 =	vxor.u32 v6, v15  }
0x132: {  	v2 =	vshrl.u32 v2, $0x9;
	v14 =	vadd.s32 $0x5, v14;
	v10 =	vadd.s32 $0x5, v10  }
0x133: {  	v3 =	vxor.u32 v3, v12;
	v5 =	vshrl.u32 v5, $0x9;
	v8 =	vshrl.u32 v8, $0x9  }
0x134: {  	v6 =	vshrl.u32 v6, $0x9;
	v61 =	vor.u32 $0x3F800000, v2;
	v4 =	vxor.u32 v4, v14  }
0x135: {  	s12 =	simm.s32 $0x40;
	v7 =	vxor.u32 v7, v10;
	v3 =	vshrl.u32 v3, $0x9;
	v5 =	vor.u32 $0x3F800000, v5  }
0x136: {  	[tilespmem:s12+$0x30] =	vst v1;
	v8 =	vor.u32 $0x3F800000, v8;
	v1 =	vadd.f32 $-1.000000000e+00, v61;
	v4 =	vshrl.u32 v4, $0x9  }
0x137: {  	v7 =	vshrl.u32 v7, $0x9;
	v3 =	vor.u32 $0x3F800000, v3;
	v63 =	vadd.f32 $-1.000000000e+00, v5  }
0x138: {  	s31 =	sshll.u32 s10, $0xC;
	v5 =	vor.u32 $0x3F800000, v6;
	v62 =	vor.u32 $0x3F800000, v4;
	v4 =	vadd.f32 $-1.000000000e+00, v8  }
0x139: {  	s14 =	sadd.s32 $0x80, s9;
	s13 =	simm.s32 $0x100;
	s11 =	sadd.s32 s4, s31;
	v2 =	vadd.f32 $-1.000000000e+00, v3;
	v7 =	vor.u32 $0x3F800000, v7;
	[tilespmem:s12+$0xFFFFFFC0] =	vst v63;
	v3 =	vadd.f32 $-1.000000000e+00, v62  }
.LBB2_3:
0x13a: {  	p0 =	sne.s32 s13, $0xF80;
	s15 =	sadd.s32 $0x580000, s14;
	s16 =	sadd.s32 $0x580070, s14;
	[tilespmem:s12+$0xFFFFFFD0] =	vst v4;
	v6 =	vadd.f32 $-1.000000000e+00, v5;
	v7 =	vadd.f32 $-1.000000000e+00, v7  }
0x13b: {  	s17 =	sadd.s32 $0x580020, s14;
	v8 =	vmov s15;
	v4 =	vor.u32 s15, v0;
	s15 =	sadd.s32 $0x580010, s14;
	v9 =	vadd.s32 s16, v0;
	[tilespmem:s12+$0xFFFFFFE0] =	vst v2  }
0x13c: {  	s16 =	sadd.s32 $0x580040, s14;
	v2 =	vadd.s32 s15, v0;
	s15 =	sadd.s32 $0x580030, s14;
	v10 =	vshrl.u32 v9, $0x13;
	v11 =	vshll.u32 v9, $0xD;
	[tilespmem:s12+$0x0] =	vst v3  }
0x13d: {  	v5 =	vadd.s32 s17, v0;
	v3 =	vadd.s32 s15, v0;
	s15 =	sadd.s32 $0x580050, s14;
	s14 =	sadd.s32 $0x580060, s14;
	v10 =	vor.u32 v10, v11;
	[tilespmem:s12+$0xFFFFFFF0] =	vst v1  }
0x13e: {  	v11 =	vmov s16;
	v1 =	vor.u32 s16, v0;
	v10 =	vxor.u32 v9, v10;
	[tilespmem:s12+$0x10] =	vst v6  }
0x13f: {  	v6 =	vadd.s32 s15, v0;
	v12 =	vshrl.u32 v10, $0x11;
	v13 =	vshll.u32 v10, $0xF;
	[tilespmem:s12+$0x20] =	vst v7  }
0x140: {  	v7 =	vadd.s32 s14, v0;
	v9 =	vadd.s32 v9, v10;
	v10 =	vor.u32 v12, v13  }
0x141: {  	v8 =	vshrl.u32 v8, $0x13;
	v12 =	vshll.u32 v4, $0xD;
	v10 =	vxor.u32 v9, v10  }
0x142: {  	v13 =	vshrl.u32 v2, $0x13;
	v14 =	vshrl.u32 v10, $0x6;
	v15 =	vshll.u32 v10, $0x1A  }
0x143: {  	v16 =	vshll.u32 v2, $0xD;
	v9 =	vadd.s32 v9, v10;
	v10 =	vor.u32 v14, v15  }
0x144: {  	v14 =	vshrl.u32 v5, $0x13;
	v15 =	vshll.u32 v5, $0xD;
	v10 =	vxor.u32 v9, v10  }
0x145: {  	v17 =	vshrl.u32 v3, $0x13;
	v18 =	vshrl.u32 v10, $0x1A;
	v19 =	vshll.u32 v10, $0x6  }
0x146: {  	v20 =	vshll.u32 v3, $0xD;
	v9 =	vadd.s32 v9, v10;
	v10 =	vor.u32 v18, v19  }
0x147: {  	v11 =	vshrl.u32 v11, $0x13;
	v18 =	vshll.u32 v1, $0xD;
	v10 =	vxor.u32 v9, v10  }
0x148: {  	v21 =	vshll.u32 v6, $0xD;
	v19 =	vshrl.u32 v6, $0x13;
	v10 =	vadd.s32 $0x1BD11BF1, v10  }
0x149: {  	v9 =	vadd.s32 v10, v9;
	v22 =	vshrl.u32 v10, $0xF;
	v10 =	vshll.u32 v10, $0x11  }
0x14a: {  	v23 =	vshrl.u32 v7, $0x13;
	v9 =	vadd.s32 $0x2A, v9;
	v10 =	vor.u32 v22, v10  }
0x14b: {  	v8 =	vor.u32 v8, v12;
	v12 =	vshll.u32 v7, $0xD;
	v10 =	vxor.u32 v9, v10  }
0x14c: {  	v13 =	vor.u32 v13, v16;
	v16 =	vshrl.u32 v10, $0x3;
	v22 =	vshll.u32 v10, $0x1D  }
0x14d: {  	v14 =	vor.u32 v14, v15;
	v9 =	vadd.s32 v9, v10;
	v10 =	vor.u32 v16, v22  }
0x14e: {  	v15 =	vor.u32 v17, v20;
	v11 =	vor.u32 v11, v18;
	v10 =	vxor.u32 v9, v10  }
0x14f: {  	v16 =	vor.u32 v19, v21;
	v17 =	vshrl.u32 v10, $0x10;
	v18 =	vshll.u32 v10, $0x10  }
0x150: {  	v12 =	vor.u32 v23, v12;
	v9 =	vadd.s32 v9, v10;
	v10 =	vor.u32 v17, v18  }
0x151: {  	v8 =	vxor.u32 v4, v8;
	v13 =	vxor.u32 v2, v13;
	v10 =	vxor.u32 v9, v10  }
0x152: {  	v14 =	vxor.u32 v5, v14;
	v17 =	vshrl.u32 v10, $0x8;
	v18 =	vshll.u32 v10, $0x18  }
0x153: {  	v15 =	vxor.u32 v3, v15;
	v9 =	vadd.s32 v9, v10;
	v10 =	vor.u32 v17, v18  }
0x154: {  	v11 =	vxor.u32 v1, v11;
	v16 =	vxor.u32 v6, v16;
	v10 =	vxor.u32 v9, v10  }
0x155: {  	v12 =	vxor.u32 v7, v12;
	v17 =	vshrl.u32 v8, $0x11;
	v10 =	vadd.s32 $0x2, v10  }
0x156: {  	v9 =	vadd.s32 v10, v9;
	v18 =	vshrl.u32 v10, $0x13;
	v10 =	vshll.u32 v10, $0xD  }
0x157: {  	v19 =	vshll.u32 v8, $0xF;
	v9 =	vadd.s32 $0x1BD11BF0, v9;
	v10 =	vor.u32 v18, v10  }
0x158: {  	v20 =	vshll.u32 v13, $0xF;
	v18 =	vshrl.u32 v13, $0x11;
	v10 =	vxor.u32 v9, v10  }
0x159: {  	v21 =	vshrl.u32 v14, $0x11;
	v22 =	vshrl.u32 v10, $0x11;
	v23 =	vshll.u32 v10, $0xF  }
0x15a: {  	v24 =	vshll.u32 v14, $0xF;
	v9 =	vadd.s32 v9, v10;
	v10 =	vor.u32 v22, v23  }
0x15b: {  	v22 =	vshrl.u32 v15, $0x11;
	v23 =	vshll.u32 v15, $0xF;
	v10 =	vxor.u32 v9, v10  }
0x15c: {  	v25 =	vshrl.u32 v11, $0x11;
	v26 =	vshrl.u32 v10, $0x6;
	v27 =	vshll.u32 v10, $0x1A  }
0x15d: {  	v28 =	vshll.u32 v11, $0xF;
	v9 =	vadd.s32 v9, v10;
	v10 =	vor.u32 v26, v27  }
0x15e: {  	v26 =	vshrl.u32 v16, $0x11;
	v27 =	vshll.u32 v16, $0xF;
	v10 =	vxor.u32 v9, v10  }
0x15f: {  	v29 =	vshrl.u32 v12, $0x11;
	v30 =	vshrl.u32 v10, $0x1A;
	v31 =	vshll.u32 v10, $0x6  }
0x160: {  	v32 =	vshll.u32 v12, $0xF;
	v9 =	vadd.s32 v9, v10;
	v10 =	vor.u32 v30, v31  }
0x161: {  	v17 =	vor.u32 v17, v19;
	v18 =	vor.u32 v18, v20;
	v10 =	vxor.u32 v9, v10  }
0x162: {  	v19 =	vor.u32 v21, v24;
	v20 =	vor.u32 v22, v23;
	v10 =	vadd.s32 $0x2D, v10  }
0x163: {  	v21 =	vor.u32 v25, v28;
	v22 =	vshrl.u32 v10, $0xF;
	v23 =	vshll.u32 v10, $0x11  }
0x164: {  	v24 =	vor.u32 v26, v27;
	v9 =	vadd.s32 v9, v10;
	v10 =	vor.u32 v22, v23  }
0x165: {  	v4 =	vadd.s32 v4, v8;
	v8 =	vor.u32 v29, v32;
	v10 =	vxor.u32 v9, v10  }
0x166: {  	v2 =	vadd.s32 v2, v13;
	v13 =	vshrl.u32 v10, $0x3;
	v22 =	vshll.u32 v10, $0x1D  }
0x167: {  	v5 =	vadd.s32 v5, v14;
	v9 =	vadd.s32 v9, v10;
	v10 =	vor.u32 v13, v22  }
0x168: {  	v3 =	vadd.s32 v3, v15;
	v1 =	vadd.s32 v1, v11;
	v10 =	vxor.u32 v9, v10  }
0x169: {  	v6 =	vadd.s32 v6, v16;
	v11 =	vshrl.u32 v10, $0x10;
	v13 =	vshll.u32 v10, $0x10  }
0x16a: {  	v7 =	vadd.s32 v7, v12;
	v9 =	vadd.s32 v9, v10;
	v10 =	vor.u32 v11, v13  }
0x16b: {  	v12 =	vxor.u32 v2, v18;
	v11 =	vxor.u32 v4, v17;
	v10 =	vxor.u32 v9, v10  }
0x16c: {  	v13 =	vxor.u32 v5, v19;
	v14 =	vshrl.u32 v10, $0x8;
	v15 =	vshll.u32 v10, $0x18  }
0x16d: {  	v16 =	vxor.u32 v3, v20;
	v9 =	vadd.s32 v9, v10;
	v10 =	vor.u32 v14, v15  }
0x16e: {  	v14 =	vxor.u32 v1, v21;
	v15 =	vxor.u32 v6, v24;
	v10 =	vxor.u32 v9, v10  }
0x16f: {  	v8 =	vxor.u32 v7, v8;
	v17 =	vshrl.u32 v11, $0x6;
	v10 =	vadd.s32 $0x1BD11BF4, v10  }
0x170: {  	v9 =	vadd.s32 v10, v9;
	v18 =	vshrl.u32 v10, $0x13;
	v10 =	vshll.u32 v10, $0xD  }
0x171: {  	v19 =	vshll.u32 v11, $0x1A;
	v9 =	vadd.s32 $0x2A, v9;
	v10 =	vor.u32 v18, v10  }
0x172: {  	v20 =	vshll.u32 v12, $0x1A;
	v18 =	vshrl.u32 v12, $0x6;
	v10 =	vxor.u32 v9, v10  }
0x173: {  	v21 =	vshrl.u32 v13, $0x6;
	v22 =	vshrl.u32 v10, $0x11;
	v23 =	vshll.u32 v10, $0xF  }
0x174: {  	v24 =	vshll.u32 v13, $0x1A;
	v9 =	vadd.s32 v9, v10;
	v10 =	vor.u32 v22, v23  }
0x175: {  	v22 =	vshrl.u32 v16, $0x6;
	v23 =	vshll.u32 v16, $0x1A;
	v10 =	vxor.u32 v9, v10  }
0x176: {  	v25 =	vshrl.u32 v14, $0x6;
	v26 =	vshrl.u32 v10, $0x6;
	v27 =	vshll.u32 v10, $0x1A  }
0x177: {  	v28 =	vshll.u32 v14, $0x1A;
	v9 =	vadd.s32 v9, v10;
	v10 =	vor.u32 v26, v27  }
0x178: {  	v26 =	vshrl.u32 v15, $0x6;
	v27 =	vshll.u32 v15, $0x1A;
	v10 =	vxor.u32 v9, v10  }
0x179: {  	v29 =	vshrl.u32 v8, $0x6;
	v30 =	vshrl.u32 v10, $0x1A;
	v31 =	vshll.u32 v10, $0x6  }
0x17a: {  	v32 =	vshll.u32 v8, $0x1A;
	v9 =	vadd.s32 v9, v10;
	v10 =	vor.u32 v30, v31  }
0x17b: {  	v17 =	vor.u32 v17, v19;
	v18 =	vor.u32 v18, v20;
	v10 =	vxor.u32 v9, v10  }
0x17c: {  	v19 =	vor.u32 v21, v24;
	v9 =	vadd.s32 $0x1BD11BF0, v9;
	v10 =	vadd.s32 $0x5, v10  }
0x17d: {  	v21 =	vor.u32 v25, v28;
	v20 =	vor.u32 v22, v23;
	v9 =	vxor.u32 v9, v10  }
0x17e: {  	v22 =	vor.u32 v29, v32;
	v10 =	vor.u32 v26, v27;
	v9 =	vshrl.u32 v9, $0x9  }
0x17f: {  	v2 =	vadd.s32 v2, v12;
	v4 =	vadd.s32 v4, v11;
	v9 =	vor.u32 $0x3F800000, v9  }
0x180: {  	v3 =	vadd.s32 v3, v16;
	v5 =	vadd.s32 v5, v13;
	v9 =	vadd.f32 $-1.000000000e+00, v9  }
0x181: {  	s12 =	sadd.s32 $0x80, s12;
	v7 =	vadd.s32 v7, v8;
	v1 =	vadd.s32 v1, v14;
	v6 =	vadd.s32 v6, v15  }
0x182: {  	v8 =	vxor.u32 v4, v17;
	v12 =	vxor.u32 v5, v19;
	v11 =	vxor.u32 v2, v18;
	[tilespmem:s12+$0x30] =	vst v9  }
0x183: {  	v13 =	vxor.u32 v1, v21;
	v10 =	vxor.u32 v6, v10;
	v9 =	vxor.u32 v3, v20  }
0x184: {  	v14 =	vshrl.u32 v8, $0x1A;
	v16 =	vxor.u32 v7, v22;
	v15 =	vshll.u32 v8, $0x6  }
0x185: {  	v19 =	vshrl.u32 v12, $0x1A;
	v17 =	vshrl.u32 v11, $0x1A;
	v18 =	vshll.u32 v11, $0x6  }
0x186: {  	v20 =	vshll.u32 v12, $0x6;
	v21 =	vshrl.u32 v9, $0x1A;
	v22 =	vshll.u32 v9, $0x6  }
0x187: {  	v24 =	vshll.u32 v13, $0x6;
	v23 =	vshrl.u32 v13, $0x1A;
	v25 =	vshrl.u32 v10, $0x1A  }
0x188: {  	v28 =	vshll.u32 v16, $0x6;
	v27 =	vshrl.u32 v16, $0x1A;
	v26 =	vshll.u32 v10, $0x6  }
0x189: {  	v14 =	vor.u32 v14, v15;
	v15 =	vor.u32 v17, v18;
	v17 =	vor.u32 v19, v20  }
0x18a: {  	v19 =	vor.u32 v23, v24;
	v20 =	vor.u32 v25, v26;
	v18 =	vor.u32 v21, v22  }
0x18b: {  	v4 =	vadd.s32 v4, v8;
	v2 =	vadd.s32 v2, v11;
	v8 =	vor.u32 v27, v28  }
0x18c: {  	v1 =	vadd.s32 v1, v13;
	v5 =	vadd.s32 v5, v12;
	v3 =	vadd.s32 v3, v9  }
0x18d: {  	v7 =	vadd.s32 v7, v16;
	v6 =	vadd.s32 v6, v10;
	v9 =	vxor.u32 v4, v14  }
0x18e: {  	v10 =	vxor.u32 v2, v15;
	v11 =	vxor.u32 v5, v17;
	v12 =	vxor.u32 v3, v18  }
0x18f: {  	v8 =	vxor.u32 v7, v8;
	v13 =	vxor.u32 v1, v19;
	v14 =	vxor.u32 v6, v20  }
0x190: {  	v10 =	vadd.s32 $0x1BD11BF1, v10;
	v9 =	vadd.s32 $0x1BD11BF1, v9;
	v11 =	vadd.s32 $0x1BD11BF1, v11  }
0x191: {  	v13 =	vadd.s32 $0x1BD11BF1, v13;
	v14 =	vadd.s32 $0x1BD11BF1, v14;
	v12 =	vadd.s32 $0x1BD11BF1, v12  }
0x192: {  	v8 =	vadd.s32 $0x1BD11BF1, v8;
	v4 =	vadd.s32 v9, v4;
	v15 =	vshrl.u32 v9, $0xF  }
0x193: {  	v2 =	vadd.s32 v10, v2;
	v16 =	vshrl.u32 v10, $0xF;
	v9 =	vshll.u32 v9, $0x11  }
0x194: {  	v10 =	vshll.u32 v10, $0x11;
	v5 =	vadd.s32 v11, v5;
	v17 =	vshrl.u32 v11, $0xF  }
0x195: {  	v11 =	vshll.u32 v11, $0x11;
	v3 =	vadd.s32 v12, v3;
	v18 =	vshrl.u32 v12, $0xF  }
0x196: {  	v1 =	vadd.s32 v13, v1;
	v19 =	vshrl.u32 v13, $0xF;
	v12 =	vshll.u32 v12, $0x11  }
0x197: {  	v13 =	vshll.u32 v13, $0x11;
	v6 =	vadd.s32 v14, v6;
	v20 =	vshrl.u32 v14, $0xF  }
0x198: {  	v7 =	vadd.s32 v8, v7;
	v21 =	vshrl.u32 v8, $0xF;
	v14 =	vshll.u32 v14, $0x11  }
0x199: {  	v8 =	vshll.u32 v8, $0x11;
	v4 =	vadd.s32 $0x2A, v4;
	v9 =	vor.u32 v15, v9  }
0x19a: {  	v2 =	vadd.s32 $0x2A, v2;
	v10 =	vor.u32 v16, v10;
	v5 =	vadd.s32 $0x2A, v5  }
0x19b: {  	v11 =	vor.u32 v17, v11;
	v3 =	vadd.s32 $0x2A, v3;
	v12 =	vor.u32 v18, v12  }
0x19c: {  	v1 =	vadd.s32 $0x2A, v1;
	v13 =	vor.u32 v19, v13;
	v6 =	vadd.s32 $0x2A, v6  }
0x19d: {  	v7 =	vadd.s32 $0x2A, v7;
	v8 =	vor.u32 v21, v8;
	v14 =	vor.u32 v20, v14  }
0x19e: {  	v10 =	vxor.u32 v2, v10;
	v9 =	vxor.u32 v4, v9;
	v11 =	vxor.u32 v5, v11  }
0x19f: {  	v13 =	vxor.u32 v1, v13;
	v14 =	vxor.u32 v6, v14;
	v12 =	vxor.u32 v3, v12  }
0x1a0: {  	v8 =	vxor.u32 v7, v8;
	v15 =	vshrl.u32 v9, $0x3;
	v16 =	vshll.u32 v9, $0x1D  }
0x1a1: {  	v17 =	vshrl.u32 v10, $0x3;
	v18 =	vshll.u32 v10, $0x1D;
	v19 =	vshrl.u32 v11, $0x3  }
0x1a2: {  	v20 =	vshll.u32 v11, $0x1D;
	v21 =	vshrl.u32 v12, $0x3;
	v22 =	vshll.u32 v12, $0x1D  }
0x1a3: {  	v23 =	vshrl.u32 v13, $0x3;
	v24 =	vshll.u32 v13, $0x1D;
	v25 =	vshrl.u32 v14, $0x3  }
0x1a4: {  	v27 =	vshrl.u32 v8, $0x3;
	v28 =	vshll.u32 v8, $0x1D;
	v26 =	vshll.u32 v14, $0x1D  }
0x1a5: {  	v15 =	vor.u32 v15, v16;
	v16 =	vor.u32 v17, v18;
	v17 =	vor.u32 v19, v20  }
0x1a6: {  	v19 =	vor.u32 v23, v24;
	v20 =	vor.u32 v25, v26;
	v18 =	vor.u32 v21, v22  }
0x1a7: {  	v2 =	vadd.s32 v2, v10;
	v4 =	vadd.s32 v4, v9;
	v9 =	vor.u32 v27, v28  }
0x1a8: {  	v5 =	vadd.s32 v5, v11;
	v1 =	vadd.s32 v1, v13;
	v3 =	vadd.s32 v3, v12  }
0x1a9: {  	v7 =	vadd.s32 v7, v8;
	v6 =	vadd.s32 v6, v14;
	v10 =	vxor.u32 v4, v15  }
0x1aa: {  	v8 =	vxor.u32 v2, v16;
	v11 =	vxor.u32 v5, v17;
	v12 =	vxor.u32 v3, v18  }
0x1ab: {  	v9 =	vxor.u32 v7, v9;
	v13 =	vxor.u32 v1, v19;
	v14 =	vxor.u32 v6, v20  }
0x1ac: {  	v15 =	vshrl.u32 v10, $0x10;
	v16 =	vshll.u32 v10, $0x10;
	v17 =	vshrl.u32 v8, $0x10  }
0x1ad: {  	v18 =	vshll.u32 v8, $0x10;
	v19 =	vshrl.u32 v11, $0x10;
	v20 =	vshll.u32 v11, $0x10  }
0x1ae: {  	v23 =	vshrl.u32 v13, $0x10;
	v21 =	vshrl.u32 v12, $0x10;
	v22 =	vshll.u32 v12, $0x10  }
0x1af: {  	v24 =	vshll.u32 v13, $0x10;
	v25 =	vshrl.u32 v14, $0x10;
	v26 =	vshll.u32 v14, $0x10  }
0x1b0: {  	v27 =	vshll.u32 v9, $0x10;
	v15 =	vor.u32 v15, v16;
	v16 =	vshrl.u32 v9, $0x10  }
0x1b1: {  	v17 =	vor.u32 v17, v18;
	v18 =	vor.u32 v19, v20;
	v19 =	vor.u32 v21, v22  }
0x1b2: {  	v20 =	vor.u32 v23, v24;
	v16 =	vor.u32 v16, v27;
	v21 =	vor.u32 v25, v26  }
0x1b3: {  	v4 =	vadd.s32 v4, v10;
	v2 =	vadd.s32 v2, v8;
	v5 =	vadd.s32 v5, v11  }
0x1b4: {  	v1 =	vadd.s32 v1, v13;
	v6 =	vadd.s32 v6, v14;
	v3 =	vadd.s32 v3, v12  }
0x1b5: {  	v7 =	vadd.s32 v7, v9;
	v8 =	vxor.u32 v4, v15;
	v10 =	vxor.u32 v2, v17  }
0x1b6: {  	v9 =	vxor.u32 v5, v18;
	v12 =	vxor.u32 v1, v20;
	v11 =	vxor.u32 v3, v19  }
0x1b7: {  	v13 =	vshrl.u32 v8, $0x8;
	v15 =	vxor.u32 v7, v16;
	v14 =	vxor.u32 v6, v21  }
0x1b8: {  	v16 =	vshll.u32 v8, $0x18;
	v17 =	vshrl.u32 v10, $0x8;
	v18 =	vshll.u32 v10, $0x18  }
0x1b9: {  	v19 =	vshrl.u32 v9, $0x8;
	v20 =	vshll.u32 v9, $0x18;
	v21 =	vshrl.u32 v11, $0x8  }
0x1ba: {  	v23 =	vshrl.u32 v12, $0x8;
	v24 =	vshll.u32 v12, $0x18;
	v22 =	vshll.u32 v11, $0x18  }
0x1bb: {  	v27 =	vshrl.u32 v15, $0x8;
	v25 =	vshrl.u32 v14, $0x8;
	v26 =	vshll.u32 v14, $0x18  }
0x1bc: {  	v13 =	vor.u32 v13, v16;
	v16 =	vor.u32 v17, v18;
	v17 =	vshll.u32 v15, $0x18  }
0x1bd: {  	v18 =	vor.u32 v19, v20;
	v20 =	vor.u32 v23, v24;
	v19 =	vor.u32 v21, v22  }
0x1be: {  	v4 =	vadd.s32 v4, v8;
	v8 =	vor.u32 v25, v26;
	v17 =	vor.u32 v27, v17  }
0x1bf: {  	v2 =	vadd.s32 v2, v10;
	v5 =	vadd.s32 v5, v9;
	v3 =	vadd.s32 v3, v11  }
0x1c0: {  	v1 =	vadd.s32 v1, v12;
	v7 =	vadd.s32 v7, v15;
	v6 =	vadd.s32 v6, v14  }
0x1c1: {  	v9 =	vxor.u32 v4, v13;
	v10 =	vxor.u32 v2, v16;
	v11 =	vxor.u32 v5, v18  }
0x1c2: {  	v13 =	vxor.u32 v1, v20;
	v12 =	vxor.u32 v3, v19;
	v8 =	vxor.u32 v6, v8  }
0x1c3: {  	v9 =	vadd.s32 $0x2, v9;
	v10 =	vadd.s32 $0x2, v10;
	v14 =	vxor.u32 v7, v17  }
0x1c4: {  	v11 =	vadd.s32 $0x2, v11;
	v13 =	vadd.s32 $0x2, v13;
	v12 =	vadd.s32 $0x2, v12  }
0x1c5: {  	v4 =	vadd.s32 v9, v4;
	v8 =	vadd.s32 $0x2, v8;
	v14 =	vadd.s32 $0x2, v14  }
0x1c6: {  	v15 =	vshrl.u32 v9, $0x13;
	v9 =	vshll.u32 v9, $0xD;
	v2 =	vadd.s32 v10, v2  }
0x1c7: {  	v16 =	vshrl.u32 v10, $0x13;
	v10 =	vshll.u32 v10, $0xD;
	v5 =	vadd.s32 v11, v5  }
0x1c8: {  	v17 =	vshrl.u32 v11, $0x13;
	v11 =	vshll.u32 v11, $0xD;
	v3 =	vadd.s32 v12, v3  }
0x1c9: {  	v1 =	vadd.s32 v13, v1;
	v18 =	vshrl.u32 v12, $0x13;
	v12 =	vshll.u32 v12, $0xD  }
0x1ca: {  	v19 =	vshrl.u32 v13, $0x13;
	v13 =	vshll.u32 v13, $0xD;
	v6 =	vadd.s32 v8, v6  }
0x1cb: {  	v20 =	vshrl.u32 v8, $0x13;
	v8 =	vshll.u32 v8, $0xD;
	v7 =	vadd.s32 v14, v7  }
0x1cc: {  	v4 =	vadd.s32 $0x1BD11BF0, v4;
	v21 =	vshrl.u32 v14, $0x13;
	v14 =	vshll.u32 v14, $0xD  }
0x1cd: {  	v9 =	vor.u32 v15, v9;
	v2 =	vadd.s32 $0x1BD11BF0, v2;
	v10 =	vor.u32 v16, v10  }
0x1ce: {  	v5 =	vadd.s32 $0x1BD11BF0, v5;
	v11 =	vor.u32 v17, v11;
	v3 =	vadd.s32 $0x1BD11BF0, v3  }
0x1cf: {  	v1 =	vadd.s32 $0x1BD11BF0, v1;
	v13 =	vor.u32 v19, v13;
	v12 =	vor.u32 v18, v12  }
0x1d0: {  	v6 =	vadd.s32 $0x1BD11BF0, v6;
	v8 =	vor.u32 v20, v8;
	v7 =	vadd.s32 $0x1BD11BF0, v7  }
0x1d1: {  	v9 =	vxor.u32 v4, v9;
	v10 =	vxor.u32 v2, v10;
	v14 =	vor.u32 v21, v14  }
0x1d2: {  	v11 =	vxor.u32 v5, v11;
	v13 =	vxor.u32 v1, v13;
	v12 =	vxor.u32 v3, v12  }
0x1d3: {  	v15 =	vshrl.u32 v9, $0x11;
	v8 =	vxor.u32 v6, v8;
	v14 =	vxor.u32 v7, v14  }
0x1d4: {  	v16 =	vshll.u32 v9, $0xF;
	v17 =	vshrl.u32 v10, $0x11;
	v18 =	vshll.u32 v10, $0xF  }
0x1d5: {  	v19 =	vshrl.u32 v11, $0x11;
	v20 =	vshll.u32 v11, $0xF;
	v21 =	vshrl.u32 v12, $0x11  }
0x1d6: {  	v23 =	vshrl.u32 v13, $0x11;
	v24 =	vshll.u32 v13, $0xF;
	v22 =	vshll.u32 v12, $0xF  }
0x1d7: {  	v25 =	vshrl.u32 v8, $0x11;
	v26 =	vshll.u32 v8, $0xF;
	v27 =	vshrl.u32 v14, $0x11  }
0x1d8: {  	v15 =	vor.u32 v15, v16;
	v16 =	vor.u32 v17, v18;
	v17 =	vshll.u32 v14, $0xF  }
0x1d9: {  	v18 =	vor.u32 v19, v20;
	v20 =	vor.u32 v23, v24;
	v19 =	vor.u32 v21, v22  }
0x1da: {  	v4 =	vadd.s32 v4, v9;
	v9 =	vor.u32 v25, v26;
	v17 =	vor.u32 v27, v17  }
0x1db: {  	v2 =	vadd.s32 v2, v10;
	v5 =	vadd.s32 v5, v11;
	v3 =	vadd.s32 v3, v12  }
0x1dc: {  	v1 =	vadd.s32 v1, v13;
	v6 =	vadd.s32 v6, v8;
	v7 =	vadd.s32 v7, v14  }
0x1dd: {  	v8 =	vxor.u32 v4, v15;
	v10 =	vxor.u32 v2, v16;
	v11 =	vxor.u32 v5, v18  }
0x1de: {  	v13 =	vxor.u32 v1, v20;
	v12 =	vxor.u32 v3, v19;
	v9 =	vxor.u32 v6, v9  }
0x1df: {  	v14 =	vshrl.u32 v8, $0x6;
	v15 =	vshll.u32 v8, $0x1A;
	v16 =	vxor.u32 v7, v17  }
0x1e0: {  	v17 =	vshrl.u32 v10, $0x6;
	v18 =	vshll.u32 v10, $0x1A;
	v19 =	vshrl.u32 v11, $0x6  }
0x1e1: {  	v20 =	vshll.u32 v11, $0x1A;
	v21 =	vshrl.u32 v12, $0x6;
	v22 =	vshll.u32 v12, $0x1A  }
0x1e2: {  	v23 =	vshrl.u32 v13, $0x6;
	v24 =	vshll.u32 v13, $0x1A;
	v25 =	vshrl.u32 v9, $0x6  }
0x1e3: {  	v26 =	vshll.u32 v9, $0x1A;
	v27 =	vshrl.u32 v16, $0x6;
	v28 =	vshll.u32 v16, $0x1A  }
0x1e4: {  	v14 =	vor.u32 v14, v15;
	v15 =	vor.u32 v17, v18;
	v17 =	vor.u32 v19, v20  }
0x1e5: {  	v19 =	vor.u32 v23, v24;
	v18 =	vor.u32 v21, v22;
	v20 =	vor.u32 v25, v26  }
0x1e6: {  	v4 =	vadd.s32 v4, v8;
	v2 =	vadd.s32 v2, v10;
	v8 =	vor.u32 v27, v28  }
0x1e7: {  	v5 =	vadd.s32 v5, v11;
	v1 =	vadd.s32 v1, v13;
	v3 =	vadd.s32 v3, v12  }
0x1e8: {  	v10 =	vxor.u32 v4, v14;
	v6 =	vadd.s32 v6, v9;
	v7 =	vadd.s32 v7, v16  }
0x1e9: {  	v9 =	vxor.u32 v2, v15;
	v11 =	vxor.u32 v5, v17;
	v12 =	vxor.u32 v3, v18  }
0x1ea: {  	v13 =	vxor.u32 v1, v19;
	v14 =	vxor.u32 v6, v20;
	v8 =	vxor.u32 v7, v8  }
0x1eb: {  	v15 =	vshrl.u32 v10, $0x1A;
	v16 =	vshll.u32 v10, $0x6;
	v17 =	vshrl.u32 v9, $0x1A  }
0x1ec: {  	v18 =	vshll.u32 v9, $0x6;
	v19 =	vshrl.u32 v11, $0x1A;
	v20 =	vshll.u32 v11, $0x6  }
0x1ed: {  	v23 =	vshrl.u32 v13, $0x1A;
	v21 =	vshrl.u32 v12, $0x1A;
	v22 =	vshll.u32 v12, $0x6  }
0x1ee: {  	v24 =	vshll.u32 v13, $0x6;
	v25 =	vshrl.u32 v14, $0x1A;
	v26 =	vshll.u32 v14, $0x6  }
0x1ef: {  	v15 =	vor.u32 v15, v16;
	v16 =	vshrl.u32 v8, $0x1A;
	v27 =	vshll.u32 v8, $0x6  }
0x1f0: {  	v17 =	vor.u32 v17, v18;
	v18 =	vor.u32 v19, v20;
	v19 =	vor.u32 v21, v22  }
0x1f1: {  	v20 =	vor.u32 v23, v24;
	v21 =	vor.u32 v25, v26;
	v16 =	vor.u32 v16, v27  }
0x1f2: {  	v4 =	vadd.s32 v4, v10;
	v2 =	vadd.s32 v2, v9;
	v5 =	vadd.s32 v5, v11  }
0x1f3: {  	v1 =	vadd.s32 v1, v13;
	v3 =	vadd.s32 v3, v12;
	v6 =	vadd.s32 v6, v14  }
0x1f4: {  	v9 =	vxor.u32 v4, v15;
	v7 =	vadd.s32 v7, v8;
	v10 =	vxor.u32 v2, v17  }
0x1f5: {  	v8 =	vxor.u32 v5, v18;
	v12 =	vxor.u32 v1, v20;
	v11 =	vxor.u32 v3, v19  }
0x1f6: {  	v9 =	vadd.s32 $0x2D, v9;
	v13 =	vxor.u32 v6, v21;
	v14 =	vxor.u32 v7, v16  }
0x1f7: {  	v10 =	vadd.s32 $0x2D, v10;
	v8 =	vadd.s32 $0x2D, v8;
	v11 =	vadd.s32 $0x2D, v11  }
0x1f8: {  	v12 =	vadd.s32 $0x2D, v12;
	v13 =	vadd.s32 $0x2D, v13;
	v14 =	vadd.s32 $0x2D, v14  }
0x1f9: {  	v15 =	vshrl.u32 v9, $0xF;
	v16 =	vshll.u32 v9, $0x11;
	v17 =	vshrl.u32 v10, $0xF  }
0x1fa: {  	v18 =	vshll.u32 v10, $0x11;
	v19 =	vshrl.u32 v8, $0xF;
	v20 =	vshll.u32 v8, $0x11  }
0x1fb: {  	v23 =	vshrl.u32 v12, $0xF;
	v21 =	vshrl.u32 v11, $0xF;
	v22 =	vshll.u32 v11, $0x11  }
0x1fc: {  	v24 =	vshll.u32 v12, $0x11;
	v25 =	vshrl.u32 v13, $0xF;
	v26 =	vshll.u32 v13, $0x11  }
0x1fd: {  	v15 =	vor.u32 v15, v16;
	v16 =	vshrl.u32 v14, $0xF;
	v27 =	vshll.u32 v14, $0x11  }
0x1fe: {  	v17 =	vor.u32 v17, v18;
	v18 =	vor.u32 v19, v20;
	v19 =	vor.u32 v21, v22  }
0x1ff: {  	v20 =	vor.u32 v23, v24;
	v21 =	vor.u32 v25, v26;
	v16 =	vor.u32 v16, v27  }
0x200: {  	v4 =	vadd.s32 v4, v9;
	v2 =	vadd.s32 v2, v10;
	v5 =	vadd.s32 v5, v8  }
0x201: {  	v1 =	vadd.s32 v1, v12;
	v3 =	vadd.s32 v3, v11;
	v6 =	vadd.s32 v6, v13  }
0x202: {  	v8 =	vxor.u32 v4, v15;
	v7 =	vadd.s32 v7, v14;
	v9 =	vxor.u32 v2, v17  }
0x203: {  	v10 =	vxor.u32 v5, v18;
	v12 =	vxor.u32 v1, v20;
	v11 =	vxor.u32 v3, v19  }
0x204: {  	v13 =	vshrl.u32 v8, $0x3;
	v14 =	vxor.u32 v6, v21;
	v15 =	vxor.u32 v7, v16  }
0x205: {  	v16 =	vshll.u32 v8, $0x1D;
	v17 =	vshrl.u32 v9, $0x3;
	v18 =	vshll.u32 v9, $0x1D  }
0x206: {  	v19 =	vshrl.u32 v10, $0x3;
	v20 =	vshll.u32 v10, $0x1D;
	v21 =	vshrl.u32 v11, $0x3  }
0x207: {  	v23 =	vshrl.u32 v12, $0x3;
	v24 =	vshll.u32 v12, $0x1D;
	v22 =	vshll.u32 v11, $0x1D  }
0x208: {  	v25 =	vshrl.u32 v14, $0x3;
	v26 =	vshll.u32 v14, $0x1D;
	v27 =	vshrl.u32 v15, $0x3  }
0x209: {  	v13 =	vor.u32 v13, v16;
	v16 =	vor.u32 v17, v18;
	v17 =	vshll.u32 v15, $0x1D  }
0x20a: {  	v18 =	vor.u32 v19, v20;
	v20 =	vor.u32 v23, v24;
	v19 =	vor.u32 v21, v22  }
0x20b: {  	v4 =	vadd.s32 v4, v8;
	v8 =	vor.u32 v25, v26;
	v17 =	vor.u32 v27, v17  }
0x20c: {  	v2 =	vadd.s32 v2, v9;
	v5 =	vadd.s32 v5, v10;
	v3 =	vadd.s32 v3, v11  }
0x20d: {  	v1 =	vadd.s32 v1, v12;
	v6 =	vadd.s32 v6, v14;
	v7 =	vadd.s32 v7, v15  }
0x20e: {  	v9 =	vxor.u32 v4, v13;
	v10 =	vxor.u32 v2, v16;
	v11 =	vxor.u32 v5, v18  }
0x20f: {  	v13 =	vxor.u32 v1, v20;
	v12 =	vxor.u32 v3, v19;
	v8 =	vxor.u32 v6, v8  }
0x210: {  	v14 =	vshrl.u32 v9, $0x10;
	v15 =	vshll.u32 v9, $0x10;
	v16 =	vxor.u32 v7, v17  }
0x211: {  	v17 =	vshrl.u32 v10, $0x10;
	v18 =	vshll.u32 v10, $0x10;
	v19 =	vshrl.u32 v11, $0x10  }
0x212: {  	v20 =	vshll.u32 v11, $0x10;
	v21 =	vshrl.u32 v12, $0x10;
	v22 =	vshll.u32 v12, $0x10  }
0x213: {  	v23 =	vshrl.u32 v13, $0x10;
	v24 =	vshll.u32 v13, $0x10;
	v25 =	vshrl.u32 v8, $0x10  }
0x214: {  	v26 =	vshll.u32 v8, $0x10;
	v27 =	vshrl.u32 v16, $0x10;
	v28 =	vshll.u32 v16, $0x10  }
0x215: {  	v14 =	vor.u32 v14, v15;
	v15 =	vor.u32 v17, v18;
	v17 =	vor.u32 v19, v20  }
0x216: {  	v19 =	vor.u32 v23, v24;
	v18 =	vor.u32 v21, v22;
	v20 =	vor.u32 v25, v26  }
0x217: {  	v4 =	vadd.s32 v4, v9;
	v2 =	vadd.s32 v2, v10;
	v9 =	vor.u32 v27, v28  }
0x218: {  	v5 =	vadd.s32 v5, v11;
	v1 =	vadd.s32 v1, v13;
	v3 =	vadd.s32 v3, v12  }
0x219: {  	v6 =	vadd.s32 v6, v8;
	v7 =	vadd.s32 v7, v16;
	v10 =	vxor.u32 v4, v14  }
0x21a: {  	v8 =	vxor.u32 v2, v15;
	v11 =	vxor.u32 v5, v17;
	v12 =	vxor.u32 v3, v18  }
0x21b: {  	v13 =	vxor.u32 v1, v19;
	v14 =	vxor.u32 v6, v20;
	v9 =	vxor.u32 v7, v9  }
0x21c: {  	v15 =	vshrl.u32 v10, $0x8;
	v16 =	vshll.u32 v10, $0x18;
	v17 =	vshrl.u32 v8, $0x8  }
0x21d: {  	v18 =	vshll.u32 v8, $0x18;
	v19 =	vshrl.u32 v11, $0x8;
	v20 =	vshll.u32 v11, $0x18  }
0x21e: {  	v23 =	vshrl.u32 v13, $0x8;
	v21 =	vshrl.u32 v12, $0x8;
	v22 =	vshll.u32 v12, $0x18  }
0x21f: {  	v24 =	vshll.u32 v13, $0x18;
	v25 =	vshrl.u32 v14, $0x8;
	v26 =	vshll.u32 v14, $0x18  }
0x220: {  	v15 =	vor.u32 v15, v16;
	v16 =	vshrl.u32 v9, $0x8;
	v27 =	vshll.u32 v9, $0x18  }
0x221: {  	v17 =	vor.u32 v17, v18;
	v18 =	vor.u32 v19, v20;
	v19 =	vor.u32 v21, v22  }
0x222: {  	v20 =	vor.u32 v23, v24;
	v21 =	vor.u32 v25, v26;
	v16 =	vor.u32 v16, v27  }
0x223: {  	v4 =	vadd.s32 v4, v10;
	v2 =	vadd.s32 v2, v8;
	v5 =	vadd.s32 v5, v11  }
0x224: {  	v1 =	vadd.s32 v1, v13;
	v3 =	vadd.s32 v3, v12;
	v6 =	vadd.s32 v6, v14  }
0x225: {  	v7 =	vadd.s32 v7, v9;
	v8 =	vxor.u32 v4, v15;
	v10 =	vxor.u32 v2, v17  }
0x226: {  	v9 =	vxor.u32 v5, v18;
	v12 =	vxor.u32 v1, v20;
	v11 =	vxor.u32 v3, v19  }
0x227: {  	v8 =	vadd.s32 $0x1BD11BF4, v8;
	v13 =	vxor.u32 v6, v21;
	v14 =	vxor.u32 v7, v16  }
0x228: {  	v10 =	vadd.s32 $0x1BD11BF4, v10;
	v9 =	vadd.s32 $0x1BD11BF4, v9;
	v11 =	vadd.s32 $0x1BD11BF4, v11  }
0x229: {  	v12 =	vadd.s32 $0x1BD11BF4, v12;
	v13 =	vadd.s32 $0x1BD11BF4, v13;
	v14 =	vadd.s32 $0x1BD11BF4, v14  }
0x22a: {  	v4 =	vadd.s32 v8, v4;
	v15 =	vshrl.u32 v8, $0x13;
	v8 =	vshll.u32 v8, $0xD  }
0x22b: {  	v2 =	vadd.s32 v10, v2;
	v16 =	vshrl.u32 v10, $0x13;
	v10 =	vshll.u32 v10, $0xD  }
0x22c: {  	v5 =	vadd.s32 v9, v5;
	v17 =	vshrl.u32 v9, $0x13;
	v9 =	vshll.u32 v9, $0xD  }
0x22d: {  	v3 =	vadd.s32 v11, v3;
	v18 =	vshrl.u32 v11, $0x13;
	v11 =	vshll.u32 v11, $0xD  }
0x22e: {  	v1 =	vadd.s32 v12, v1;
	v19 =	vshrl.u32 v12, $0x13;
	v12 =	vshll.u32 v12, $0xD  }
0x22f: {  	v6 =	vadd.s32 v13, v6;
	v20 =	vshrl.u32 v13, $0x13;
	v13 =	vshll.u32 v13, $0xD  }
0x230: {  	v7 =	vadd.s32 v14, v7;
	v21 =	vshrl.u32 v14, $0x13;
	v14 =	vshll.u32 v14, $0xD  }
0x231: {  	v4 =	vadd.s32 $0x2A, v4;
	v8 =	vor.u32 v15, v8;
	v2 =	vadd.s32 $0x2A, v2  }
0x232: {  	v10 =	vor.u32 v16, v10;
	v5 =	vadd.s32 $0x2A, v5;
	v9 =	vor.u32 v17, v9  }
0x233: {  	v1 =	vadd.s32 $0x2A, v1;
	v3 =	vadd.s32 $0x2A, v3;
	v11 =	vor.u32 v18, v11  }
0x234: {  	v12 =	vor.u32 v19, v12;
	v6 =	vadd.s32 $0x2A, v6;
	v13 =	vor.u32 v20, v13  }
0x235: {  	v8 =	vxor.u32 v4, v8;
	v7 =	vadd.s32 $0x2A, v7;
	v14 =	vor.u32 v21, v14  }
0x236: {  	v10 =	vxor.u32 v2, v10;
	v9 =	vxor.u32 v5, v9;
	v11 =	vxor.u32 v3, v11  }
0x237: {  	v12 =	vxor.u32 v1, v12;
	v13 =	vxor.u32 v6, v13;
	v14 =	vxor.u32 v7, v14  }
0x238: {  	v15 =	vshrl.u32 v8, $0x11;
	v16 =	vshll.u32 v8, $0xF;
	v17 =	vshrl.u32 v10, $0x11  }
0x239: {  	v18 =	vshll.u32 v10, $0xF;
	v19 =	vshrl.u32 v9, $0x11;
	v20 =	vshll.u32 v9, $0xF  }
0x23a: {  	v23 =	vshrl.u32 v12, $0x11;
	v21 =	vshrl.u32 v11, $0x11;
	v22 =	vshll.u32 v11, $0xF  }
0x23b: {  	v24 =	vshll.u32 v12, $0xF;
	v25 =	vshrl.u32 v13, $0x11;
	v26 =	vshll.u32 v13, $0xF  }
0x23c: {  	v15 =	vor.u32 v15, v16;
	v16 =	vshrl.u32 v14, $0x11;
	v27 =	vshll.u32 v14, $0xF  }
0x23d: {  	v17 =	vor.u32 v17, v18;
	v18 =	vor.u32 v19, v20;
	v19 =	vor.u32 v21, v22  }
0x23e: {  	v20 =	vor.u32 v23, v24;
	v21 =	vor.u32 v25, v26;
	v16 =	vor.u32 v16, v27  }
0x23f: {  	v4 =	vadd.s32 v4, v8;
	v2 =	vadd.s32 v2, v10;
	v5 =	vadd.s32 v5, v9  }
0x240: {  	v1 =	vadd.s32 v1, v12;
	v3 =	vadd.s32 v3, v11;
	v6 =	vadd.s32 v6, v13  }
0x241: {  	v7 =	vadd.s32 v7, v14;
	v8 =	vxor.u32 v4, v15;
	v9 =	vxor.u32 v2, v17  }
0x242: {  	v10 =	vxor.u32 v5, v18;
	v12 =	vxor.u32 v1, v20;
	v11 =	vxor.u32 v3, v19  }
0x243: {  	v13 =	vshrl.u32 v8, $0x6;
	v14 =	vxor.u32 v6, v21;
	v15 =	vxor.u32 v7, v16  }
0x244: {  	v16 =	vshll.u32 v8, $0x1A;
	v17 =	vshrl.u32 v9, $0x6;
	v18 =	vshll.u32 v9, $0x1A  }
0x245: {  	v19 =	vshrl.u32 v10, $0x6;
	v20 =	vshll.u32 v10, $0x1A;
	v21 =	vshrl.u32 v11, $0x6  }
0x246: {  	v23 =	vshrl.u32 v12, $0x6;
	v24 =	vshll.u32 v12, $0x1A;
	v22 =	vshll.u32 v11, $0x1A  }
0x247: {  	v25 =	vshrl.u32 v14, $0x6;
	v26 =	vshll.u32 v14, $0x1A;
	v27 =	vshrl.u32 v15, $0x6  }
0x248: {  	v13 =	vor.u32 v13, v16;
	v16 =	vor.u32 v17, v18;
	v17 =	vshll.u32 v15, $0x1A  }
0x249: {  	v18 =	vor.u32 v19, v20;
	v20 =	vor.u32 v23, v24;
	v19 =	vor.u32 v21, v22  }
0x24a: {  	v4 =	vadd.s32 v4, v8;
	v8 =	vor.u32 v25, v26;
	v17 =	vor.u32 v27, v17  }
0x24b: {  	v2 =	vadd.s32 v2, v9;
	v5 =	vadd.s32 v5, v10;
	v3 =	vadd.s32 v3, v11  }
0x24c: {  	v1 =	vadd.s32 v1, v12;
	v6 =	vadd.s32 v6, v14;
	v7 =	vadd.s32 v7, v15  }
0x24d: {  	v9 =	vxor.u32 v4, v13;
	v10 =	vxor.u32 v2, v16;
	v11 =	vxor.u32 v5, v18  }
0x24e: {  	v13 =	vxor.u32 v1, v20;
	v12 =	vxor.u32 v3, v19;
	v8 =	vxor.u32 v6, v8  }
0x24f: {  	v14 =	vshrl.u32 v9, $0x1A;
	v15 =	vshll.u32 v9, $0x6;
	v16 =	vxor.u32 v7, v17  }
0x250: {  	v17 =	vshrl.u32 v10, $0x1A;
	v18 =	vshll.u32 v10, $0x6;
	v19 =	vshrl.u32 v11, $0x1A  }
0x251: {  	v20 =	vshll.u32 v11, $0x6;
	v21 =	vshrl.u32 v12, $0x1A;
	v22 =	vshll.u32 v12, $0x6  }
0x252: {  	v23 =	vshrl.u32 v13, $0x1A;
	v24 =	vshll.u32 v13, $0x6;
	v25 =	vshrl.u32 v8, $0x1A  }
0x253: {  	v26 =	vshll.u32 v8, $0x6;
	v27 =	vshrl.u32 v16, $0x1A;
	v28 =	vshll.u32 v16, $0x6  }
0x254: {  	v14 =	vor.u32 v14, v15;
	v15 =	vor.u32 v17, v18;
	v17 =	vor.u32 v19, v20  }
0x255: {  	v19 =	vor.u32 v23, v24;
	v18 =	vor.u32 v21, v22;
	v20 =	vor.u32 v25, v26  }
0x256: {  	v4 =	vadd.s32 v4, v9;
	v2 =	vadd.s32 v2, v10;
	v9 =	vor.u32 v27, v28  }
0x257: {  	v5 =	vadd.s32 v5, v11;
	v1 =	vadd.s32 v1, v13;
	v3 =	vadd.s32 v3, v12  }
0x258: {  	v6 =	vadd.s32 v6, v8;
	v7 =	vadd.s32 v7, v16;
	v10 =	vxor.u32 v4, v14  }
0x259: {  	v8 =	vxor.u32 v2, v15;
	v11 =	vxor.u32 v5, v17;
	v12 =	vxor.u32 v3, v18  }
0x25a: {  	v13 =	vxor.u32 v1, v19;
	v14 =	vxor.u32 v6, v20;
	v9 =	vxor.u32 v7, v9  }
0x25b: {  	v10 =	vadd.s32 $0x5, v10;
	v8 =	vadd.s32 $0x5, v8;
	v11 =	vadd.s32 $0x5, v11  }
0x25c: {  	v13 =	vadd.s32 $0x5, v13;
	v12 =	vadd.s32 $0x5, v12;
	v14 =	vadd.s32 $0x5, v14  }
0x25d: {  	v4 =	vadd.s32 $0x1BD11BF0, v4;
	v2 =	vadd.s32 $0x1BD11BF0, v2;
	v9 =	vadd.s32 $0x5, v9  }
0x25e: {  	v5 =	vadd.s32 $0x1BD11BF0, v5;
	v1 =	vadd.s32 $0x1BD11BF0, v1;
	v3 =	vadd.s32 $0x1BD11BF0, v3  }
0x25f: {  	v6 =	vadd.s32 $0x1BD11BF0, v6;
	v7 =	vadd.s32 $0x1BD11BF0, v7;
	v4 =	vxor.u32 v4, v10  }
0x260: {  	v2 =	vxor.u32 v2, v8;
	v5 =	vxor.u32 v5, v11;
	v3 =	vxor.u32 v3, v12  }
0x261: {  	v1 =	vxor.u32 v1, v13;
	v6 =	vxor.u32 v6, v14;
	v7 =	vxor.u32 v7, v9  }
0x262: {  	v4 =	vshrl.u32 v4, $0x9;
	v2 =	vshrl.u32 v2, $0x9;
	v5 =	vshrl.u32 v5, $0x9  }
0x263: {  	v1 =	vshrl.u32 v1, $0x9;
	v3 =	vshrl.u32 v3, $0x9;
	v6 =	vshrl.u32 v6, $0x9  }
.Ltmp0:
0x264: {  	v4 =	vor.u32 $0x3F800000, v4;
	v2 =	vor.u32 $0x3F800000, v2;
	v7 =	vshrl.u32 v7, $0x9;
	(pc) =	sbr.rel @p0 .LBB2_3-.Ltmp0, $4  }
0x265: {  	v8 =	vor.u32 $0x3F800000, v5;
	v9 =	vor.u32 $0x3F800000, v1;
	v3 =	vor.u32 $0x3F800000, v3  }
0x266: {  	v1 =	vadd.f32 $-1.000000000e+00, v4;
	v5 =	vor.u32 $0x3F800000, v6;
	v7 =	vor.u32 $0x3F800000, v7  }
0x267: {  	v4 =	vadd.f32 $-1.000000000e+00, v2;
	v2 =	vadd.f32 $-1.000000000e+00, v8  }
0x268: {  	s14 =	sadd.s32 s13, s9;
	s13 =	sadd.s32 $0x80, s13;
	[tilespmem:s12+$0xFFFFFFC0] =	vst v1;
	v1 =	vadd.f32 $-1.000000000e+00, v3;
	v3 =	vadd.f32 $-1.000000000e+00, v9  }
0x269: {  	s13 =	sadd.s32 $0x580070, s14;
	v6 =	vadd.f32 $-1.000000000e+00, v5;
	s24 =	sadd.s32 $0x580000, s14;
	v5 =	vadd.f32 $-1.000000000e+00, v7  }
0x26a: {  	s28 =	sadd.s32 $0x580040, s14;
	s30 =	sadd.s32 $0x580060, s14;
	v11 =	vadd.s32 s13, v0;
	v12 =	vmov s24;
	v7 =	vor.u32 s24, v0  }
0x26b: {  	v16 =	vmov s28;
	v17 =	vadd.s32 s30, v0;
	v8 =	vshrl.u32 v11, $0x13  }
0x26c: {  	v9 =	vshll.u32 v11, $0xD;
	v12 =	vshrl.u32 v12, $0x13;
	v60 =	vshll.u32 v7, $0xD  }
0x26d: {  	s25 =	sadd.s32 $0x580010, s14;
	s15 =	sadd.s32 $0x580020, s14;
	v16 =	vshrl.u32 v16, $0x13;
	v28 =	vshrl.u32 v17, $0x13;
	v36 =	vshll.u32 v17, $0xD  }
0x26e: {  	s26 =	sadd.s32 $0x580030, s14;
	v10 =	vor.u32 v8, v9;
	v8 =	vadd.s32 s25, v0;
	v9 =	vadd.s32 s15, v0  }
0x26f: {  	v12 =	vor.u32 v12, v60;
	v13 =	vxor.u32 v11, v10;
	v10 =	vadd.s32 s26, v0  }
0x270: {  	v61 =	vshrl.u32 v8, $0x13;
	v20 =	vshll.u32 v8, $0xD;
	v23 =	vshrl.u32 v9, $0x13  }
0x271: {  	v63 =	vshll.u32 v9, $0xD;
	v12 =	vxor.u32 v7, v12;
	v14 =	vshrl.u32 v13, $0x11  }
0x272: {  	v15 =	vshll.u32 v13, $0xF;
	v11 =	vadd.s32 v11, v13;
	v33 =	vshrl.u32 v10, $0x13  }
0x273: {  	v24 =	vshll.u32 v10, $0xD;
	v37 =	vor.u32 v23, v63;
	v46 =	vshrl.u32 v12, $0x11  }
0x274: {  	s29 =	sadd.s32 $0x580050, s14;
	v47 =	vshll.u32 v12, $0xF;
	v7 =	vadd.s32 v7, v12;
	v58 =	vor.u32 v14, v15  }
0x275: {  	v14 =	vor.u32 s28, v0;
	v15 =	vadd.s32 s29, v0;
	v23 =	vor.u32 v46, v47  }
0x276: {  	v13 =	vxor.u32 v11, v58;
	v26 =	vshll.u32 v14, $0xD;
	v34 =	vshrl.u32 v15, $0x13  }
0x277: {  	v27 =	vshll.u32 v15, $0xD;
	v18 =	vshrl.u32 v13, $0x6;
	v19 =	vshll.u32 v13, $0x1A  }
0x278: {  	v11 =	vadd.s32 v11, v13;
	v16 =	vor.u32 v16, v26;
	v41 =	vor.u32 v34, v27  }
0x279: {  	v59 =	vor.u32 v18, v19;
	v19 =	vor.u32 v61, v20;
	v18 =	vor.u32 v28, v36  }
0x27a: {  	v20 =	vxor.u32 v9, v37;
	v16 =	vxor.u32 v14, v16;
	v13 =	vxor.u32 v11, v59  }
0x27b: {  	v19 =	vxor.u32 v8, v19;
	v18 =	vxor.u32 v17, v18;
	v53 =	vshrl.u32 v20, $0x11  }
0x27c: {  	v54 =	vshll.u32 v20, $0xF;
	v59 =	vshrl.u32 v16, $0x11;
	v60 =	vshll.u32 v16, $0xF  }
0x27d: {  	v9 =	vadd.s32 v9, v20;
	v21 =	vshrl.u32 v13, $0x1A;
	v22 =	vshll.u32 v13, $0x6  }
0x27e: {  	v14 =	vadd.s32 v14, v16;
	v11 =	vadd.s32 v11, v13;
	v62 =	vor.u32 v21, v22  }
0x27f: {  	v50 =	vshrl.u32 v19, $0x11;
	v52 =	vshll.u32 v19, $0xF;
	v13 =	vxor.u32 v11, v62  }
0x280: {  	v26 =	vor.u32 v53, v54;
	v8 =	vadd.s32 v8, v19;
	v13 =	vadd.s32 $0x1BD11BF1, v13  }
0x281: {  	v11 =	vadd.s32 v13, v11;
	v25 =	vshrl.u32 v13, $0xF;
	v13 =	vshll.u32 v13, $0x11  }
0x282: {  	v16 =	vadd.s32 v17, v18;
	v11 =	vadd.s32 $0x2A, v11;
	v13 =	vor.u32 v25, v13  }
0x283: {  	v19 =	vxor.u32 v7, v23;
	v22 =	vor.u32 v33, v24;
	v13 =	vxor.u32 v11, v13  }
0x284: {  	v21 =	vxor.u32 v15, v41;
	v29 =	vshrl.u32 v13, $0x3;
	v30 =	vshll.u32 v13, $0x1D  }
0x285: {  	v22 =	vxor.u32 v10, v22;
	v11 =	vadd.s32 v11, v13;
	v35 =	vor.u32 v29, v30  }
0x286: {  	v61 =	vshrl.u32 v21, $0x11;
	v62 =	vshll.u32 v21, $0xF;
	v13 =	vxor.u32 v11, v35  }
0x287: {  	v15 =	vadd.s32 v15, v21;
	v38 =	vshrl.u32 v13, $0x10;
	v39 =	vshll.u32 v13, $0x10  }
0x288: {  	v31 =	vshrl.u32 v22, $0x11;
	v11 =	vadd.s32 v11, v13;
	v40 =	vor.u32 v38, v39  }
0x289: {  	v58 =	vshll.u32 v22, $0xF;
	v24 =	vor.u32 v61, v62;
	v13 =	vxor.u32 v11, v40  }
0x28a: {  	v10 =	vadd.s32 v10, v22;
	v42 =	vshrl.u32 v13, $0x8;
	v43 =	vshll.u32 v13, $0x18  }
0x28b: {  	v63 =	vor.u32 v31, v58;
	v11 =	vadd.s32 v11, v13;
	v44 =	vor.u32 v42, v43  }
0x28c: {  	v25 =	vor.u32 v50, v52;
	v50 =	vxor.u32 v9, v26;
	v13 =	vxor.u32 v11, v44  }
0x28d: {  	v54 =	vxor.u32 v15, v24;
	v62 =	vshrl.u32 v50, $0x6;
	v13 =	vadd.s32 $0x2, v13  }
0x28e: {  	v11 =	vadd.s32 v13, v11;
	v45 =	vshrl.u32 v13, $0x13;
	v13 =	vshll.u32 v13, $0xD  }
0x28f: {  	v30 =	vor.u32 v59, v60;
	v11 =	vadd.s32 $0x1BD11BF0, v11;
	v13 =	vor.u32 v45, v13  }
0x290: {  	v9 =	vadd.s32 v9, v50;
	v52 =	vxor.u32 v14, v30;
	v13 =	vxor.u32 v11, v13  }
0x291: {  	v38 =	vshrl.u32 v18, $0x11;
	v48 =	vshrl.u32 v13, $0x11;
	v49 =	vshll.u32 v13, $0xF  }
0x292: {  	v39 =	vshll.u32 v18, $0xF;
	v11 =	vadd.s32 v11, v13;
	v51 =	vor.u32 v48, v49  }
0x293: {  	v49 =	vxor.u32 v8, v25;
	v13 =	vxor.u32 v11, v51;
	v51 =	vxor.u32 v10, v63  }
0x294: {  	v59 =	vshrl.u32 v49, $0x6;
	v55 =	vshrl.u32 v13, $0x6;
	v56 =	vshll.u32 v13, $0x1A  }
0x295: {  	v61 =	vshll.u32 v49, $0x1A;
	v11 =	vadd.s32 v11, v13;
	v57 =	vor.u32 v55, v56  }
0x296: {  	v63 =	vshll.u32 v50, $0x1A;
	v8 =	vadd.s32 v8, v49;
	v13 =	vxor.u32 v11, v57  }
0x297: {  	v32 =	vshrl.u32 v13, $0x1A;
	v11 =	vadd.s32 v11, v13;
	v13 =	vshll.u32 v13, $0x6  }
0x298: {  	v50 =	vadd.s32 v14, v52;
	v25 =	vor.u32 v59, v61;
	v13 =	vor.u32 v32, v13  }
0x299: {  	v26 =	vor.u32 v62, v63;
	v10 =	vadd.s32 v10, v51;
	v13 =	vxor.u32 v11, v13  }
0x29a: {  	v55 =	vshrl.u32 v19, $0x6;
	v56 =	vshll.u32 v19, $0x1A;
	v13 =	vadd.s32 $0x2D, v13  }
0x29b: {  	v19 =	vadd.s32 v7, v19;
	v22 =	vor.u32 v55, v56;
	v36 =	vshrl.u32 v13, $0xF  }
0x29c: {  	v37 =	vshll.u32 v13, $0x11;
	v11 =	vadd.s32 v11, v13;
	v13 =	vor.u32 v38, v39  }
0x29d: {  	v39 =	vshll.u32 v51, $0x1A;
	v29 =	vor.u32 v36, v37;
	v13 =	vxor.u32 v16, v13  }
0x29e: {  	v37 =	vshrl.u32 v51, $0x6;
	v51 =	vadd.s32 v15, v54;
	v29 =	vxor.u32 v11, v29  }
0x29f: {  	v40 =	vshrl.u32 v29, $0x3;
	v41 =	vshll.u32 v29, $0x1D;
	v11 =	vadd.s32 v11, v29  }
0x2a0: {  	v29 =	vor.u32 v37, v39;
	v42 =	vor.u32 v40, v41;
	v40 =	vshrl.u32 v52, $0x6  }
0x2a1: {  	v55 =	vxor.u32 v10, v29;
	v12 =	vxor.u32 v11, v42;
	v42 =	vshll.u32 v52, $0x1A  }
0x2a2: {  	v52 =	vxor.u32 v19, v22;
	v61 =	vshrl.u32 v55, $0x1A;
	v29 =	vshll.u32 v55, $0x6  }
0x2a3: {  	v10 =	vadd.s32 v10, v55;
	v43 =	vshrl.u32 v12, $0x10;
	v44 =	vshll.u32 v12, $0x10  }
0x2a4: {  	v11 =	vadd.s32 v11, v12;
	v30 =	vor.u32 v40, v42;
	v22 =	vshll.u32 v52, $0x6  }
0x2a5: {  	v28 =	vor.u32 v61, v29;
	v15 =	vadd.s32 v19, v52;
	v45 =	vor.u32 v43, v44  }
0x2a6: {  	v43 =	vshrl.u32 v54, $0x6;
	v44 =	vshll.u32 v54, $0x1A;
	v54 =	vxor.u32 v9, v26  }
0x2a7: {  	v56 =	vxor.u32 v50, v30;
	v12 =	vxor.u32 v11, v45;
	v45 =	vshrl.u32 v13, $0x6  }
0x2a8: {  	v26 =	vshrl.u32 v54, $0x1A;
	v30 =	vshrl.u32 v56, $0x1A;
	v62 =	vshll.u32 v56, $0x6  }
0x2a9: {  	v9 =	vadd.s32 v9, v54;
	v46 =	vshrl.u32 v12, $0x8;
	v47 =	vshll.u32 v12, $0x18  }
0x2aa: {  	v11 =	vadd.s32 v11, v12;
	v48 =	vor.u32 v46, v47;
	v46 =	vshll.u32 v13, $0x1A  }
0x2ab: {  	v47 =	vor.u32 v43, v44;
	v43 =	vxor.u32 v10, v28;
	v12 =	vxor.u32 v11, v48  }
0x2ac: {  	v13 =	vadd.s32 v16, v13;
	v19 =	vadd.s32 $0x1BD11BF1, v43;
	v12 =	vadd.s32 $0x1BD11BF4, v12  }
0x2ad: {  	v48 =	vor.u32 v45, v46;
	v10 =	vadd.s32 v19, v10;
	v11 =	vadd.s32 v12, v11  }
0x2ae: {  	v53 =	vshrl.u32 v12, $0x13;
	v12 =	vshll.u32 v12, $0xD;
	v10 =	vadd.s32 $0x2A, v10  }
0x2af: {  	v11 =	vadd.s32 $0x2A, v11;
	v12 =	vor.u32 v53, v12;
	v53 =	vxor.u32 v8, v25  }
0x2b0: {  	v12 =	vxor.u32 v11, v12;
	v59 =	vshrl.u32 v53, $0x1A;
	v25 =	vshll.u32 v53, $0x6  }
0x2b1: {  	v8 =	vadd.s32 v8, v53;
	v57 =	vshrl.u32 v12, $0x11;
	v58 =	vshll.u32 v12, $0xF  }
0x2b2: {  	v11 =	vadd.s32 v11, v12;
	v24 =	vor.u32 v59, v25;
	v60 =	vor.u32 v57, v58  }
0x2b3: {  	v57 =	vshrl.u32 v52, $0x1A;
	v58 =	vxor.u32 v13, v48;
	v48 =	vshrl.u32 v19, $0xF  }
0x2b4: {  	v19 =	vshll.u32 v19, $0x11;
	v12 =	vxor.u32 v11, v60;
	v60 =	vshll.u32 v54, $0x6  }
0x2b5: {  	v21 =	vor.u32 v57, v22;
	v37 =	vshll.u32 v58, $0x6;
	v13 =	vadd.s32 v13, v58  }
0x2b6: {  	v19 =	vor.u32 v48, v19;
	v35 =	vshrl.u32 v12, $0x6;
	v36 =	vshll.u32 v12, $0x1A  }
0x2b7: {  	v11 =	vadd.s32 v11, v12;
	v26 =	vor.u32 v26, v60;
	v40 =	vxor.u32 v15, v21  }
0x2b8: {  	v19 =	vxor.u32 v10, v19;
	v38 =	vor.u32 v35, v36;
	v36 =	vshrl.u32 v58, $0x1A  }
0x2b9: {  	v42 =	vxor.u32 v9, v26;
	v17 =	vadd.s32 $0x1BD11BF1, v40;
	v58 =	vshrl.u32 v19, $0x3  }
0x2ba: {  	v59 =	vshll.u32 v19, $0x1D;
	v10 =	vadd.s32 v10, v19;
	v12 =	vxor.u32 v11, v38  }
0x2bb: {  	v38 =	vor.u32 v30, v62;
	v39 =	vor.u32 v36, v37;
	v18 =	vadd.s32 $0x1BD11BF1, v42  }
0x2bc: {  	v15 =	vadd.s32 v17, v15;
	v45 =	vshrl.u32 v17, $0xF;
	v17 =	vshll.u32 v17, $0x11  }
0x2bd: {  	v28 =	vor.u32 v58, v59;
	v41 =	vshrl.u32 v12, $0x1A;
	v11 =	vadd.s32 v11, v12  }
0x2be: {  	v12 =	vshll.u32 v12, $0x6;
	v16 =	vxor.u32 v13, v39;
	v9 =	vadd.s32 v18, v9  }
0x2bf: {  	v15 =	vadd.s32 $0x2A, v15;
	v17 =	vor.u32 v45, v17;
	v19 =	vxor.u32 v10, v28  }
0x2c0: {  	v12 =	vor.u32 v41, v12;
	v41 =	vxor.u32 v8, v24;
	v16 =	vadd.s32 $0x1BD11BF1, v16  }
0x2c1: {  	v9 =	vadd.s32 $0x2A, v9;
	v17 =	vxor.u32 v15, v17;
	v28 =	vshrl.u32 v19, $0x10  }
0x2c2: {  	v10 =	vadd.s32 v10, v19;
	v12 =	vxor.u32 v11, v12;
	v11 =	vadd.s32 $0x1BD11BF0, v11  }
0x2c3: {  	v14 =	vadd.s32 $0x1BD11BF1, v41;
	v13 =	vadd.s32 v16, v13;
	v52 =	vshrl.u32 v17, $0x3  }
0x2c4: {  	v53 =	vshll.u32 v17, $0x1D;
	v15 =	vadd.s32 v15, v17;
	v41 =	vshll.u32 v19, $0x10  }
0x2c5: {  	v12 =	vadd.s32 $0x5, v12;
	v8 =	vadd.s32 v14, v8;
	v46 =	vshrl.u32 v14, $0xF  }
0x2c6: {  	v14 =	vshll.u32 v14, $0x11;
	v13 =	vadd.s32 $0x2A, v13;
	v28 =	vor.u32 v28, v41  }
0x2c7: {  	v11 =	vxor.u32 v11, v12;
	v12 =	vxor.u32 v51, v47;
	v47 =	vshrl.u32 v18, $0xF  }
0x2c8: {  	v18 =	vshll.u32 v18, $0x11;
	v8 =	vadd.s32 $0x2A, v8;
	v14 =	vor.u32 v46, v14  }
0x2c9: {  	v11 =	vshrl.u32 v11, $0x9;
	v63 =	vshrl.u32 v12, $0x1A;
	v35 =	vshll.u32 v12, $0x6  }
0x2ca: {  	v12 =	vadd.s32 v51, v12;
	v51 =	vshrl.u32 v16, $0xF;
	v16 =	vshll.u32 v16, $0x11  }
0x2cb: {  	v18 =	vor.u32 v47, v18;
	v14 =	vxor.u32 v8, v14;
	v49 =	vor.u32 $0x3F800000, v11  }
0x2cc: {  	v22 =	vor.u32 v63, v35;
	v11 =	vadd.s32 v50, v56;
	v16 =	vor.u32 v51, v16  }
0x2cd: {  	v18 =	vxor.u32 v9, v18;
	v54 =	vshrl.u32 v14, $0x3;
	v55 =	vshll.u32 v14, $0x1D  }
0x2ce: {  	v8 =	vadd.s32 v8, v14;
	v7 =	vadd.f32 $-1.000000000e+00, v49;
	v20 =	vxor.u32 v11, v38  }
0x2cf: {  	v44 =	vxor.u32 v12, v22;
	v16 =	vxor.u32 v13, v16;
	v56 =	vshrl.u32 v18, $0x3  }
0x2d0: {  	v57 =	vshll.u32 v18, $0x1D;
	v22 =	vor.u32 v52, v53;
	v24 =	vor.u32 v54, v55  }
0x2d1: {  	v9 =	vadd.s32 v9, v18;
	v52 =	vxor.u32 v10, v28;
	v20 =	vadd.s32 $0x1BD11BF1, v20  }
0x2d2: {  	v21 =	vadd.s32 $0x1BD11BF1, v44;
	v33 =	vshrl.u32 v16, $0x3;
	v26 =	vor.u32 v56, v57  }
0x2d3: {  	v34 =	vshll.u32 v16, $0x1D;
	v17 =	vxor.u32 v15, v22;
	v13 =	vadd.s32 v13, v16  }
0x2d4: {  	v37 =	vxor.u32 v8, v24;
	v28 =	vshrl.u32 v52, $0x8;
	v59 =	vshll.u32 v52, $0x18  }
0x2d5: {  	v10 =	vadd.s32 v10, v52;
	v11 =	vadd.s32 v20, v11;
	v49 =	vshrl.u32 v20, $0xF  }
0x2d6: {  	v20 =	vshll.u32 v20, $0x11;
	v12 =	vadd.s32 v21, v12;
	v50 =	vshrl.u32 v21, $0xF  }
0x2d7: {  	v21 =	vshll.u32 v21, $0x11;
	v36 =	vor.u32 v33, v34;
	v18 =	vxor.u32 v9, v26  }
0x2d8: {  	v22 =	vshrl.u32 v17, $0x10;
	v38 =	vshll.u32 v17, $0x10;
	v24 =	vshrl.u32 v37, $0x10  }
0x2d9: {  	v39 =	vshll.u32 v37, $0x10;
	v15 =	vadd.s32 v15, v17;
	v8 =	vadd.s32 v8, v37  }
0x2da: {  	v28 =	vor.u32 v28, v59;
	v11 =	vadd.s32 $0x2A, v11;
	v20 =	vor.u32 v49, v20  }
0x2db: {  	v12 =	vadd.s32 $0x2A, v12;
	v21 =	vor.u32 v50, v21;
	v14 =	vxor.u32 v13, v36  }
0x2dc: {  	v26 =	vshrl.u32 v18, $0x10;
	v40 =	vshll.u32 v18, $0x10;
	v22 =	vor.u32 v22, v38  }
0x2dd: {  	v24 =	vor.u32 v24, v39;
	v9 =	vadd.s32 v9, v18;
	v20 =	vxor.u32 v11, v20  }
0x2de: {  	v21 =	vxor.u32 v12, v21;
	v46 =	vshrl.u32 v14, $0x10;
	v26 =	vor.u32 v26, v40  }
0x2df: {  	v47 =	vshll.u32 v14, $0x10;
	v49 =	vxor.u32 v15, v22;
	v50 =	vxor.u32 v8, v24  }
0x2e0: {  	v13 =	vadd.s32 v13, v14;
	v40 =	vxor.u32 v10, v28;
	v60 =	vshrl.u32 v20, $0x3  }
0x2e1: {  	v61 =	vshll.u32 v20, $0x1D;
	v62 =	vshrl.u32 v21, $0x3;
	v63 =	vshll.u32 v21, $0x1D  }
0x2e2: {  	v11 =	vadd.s32 v11, v20;
	v12 =	vadd.s32 v12, v21;
	v25 =	vor.u32 v46, v47  }
0x2e3: {  	v51 =	vxor.u32 v9, v26;
	v54 =	vshrl.u32 v49, $0x8;
	v56 =	vshll.u32 v49, $0x18  }
0x2e4: {  	v24 =	vshrl.u32 v50, $0x8;
	v57 =	vshll.u32 v50, $0x18;
	v15 =	vadd.s32 v15, v49  }
0x2e5: {  	v8 =	vadd.s32 v8, v50;
	v19 =	vadd.s32 $0x2, v40;
	v35 =	vor.u32 v60, v61  }
0x2e6: {  	v23 =	vor.u32 v62, v63;
	v55 =	vxor.u32 v13, v25;
	v26 =	vshrl.u32 v51, $0x8  }
0x2e7: {  	v58 =	vshll.u32 v51, $0x18;
	v24 =	vor.u32 v24, v57;
	v9 =	vadd.s32 v9, v51  }
0x2e8: {  	v10 =	vadd.s32 v19, v10;
	v46 =	vshrl.u32 v19, $0x13;
	v19 =	vshll.u32 v19, $0xD  }
0x2e9: {  	v20 =	vxor.u32 v11, v35;
	v21 =	vxor.u32 v12, v23;
	v33 =	vshrl.u32 v55, $0x8  }
0x2ea: {  	v26 =	vor.u32 v26, v58;
	v34 =	vshll.u32 v55, $0x18;
	v13 =	vadd.s32 v13, v55  }
0x2eb: {  	v17 =	vxor.u32 v8, v24;
	v10 =	vadd.s32 $0x1BD11BF0, v10;
	v19 =	vor.u32 v46, v19  }
0x2ec: {  	v42 =	vshrl.u32 v20, $0x10;
	v43 =	vshll.u32 v20, $0x10;
	v44 =	vshrl.u32 v21, $0x10  }
0x2ed: {  	v45 =	vshll.u32 v21, $0x10;
	v11 =	vadd.s32 v11, v20;
	v12 =	vadd.s32 v12, v21  }
0x2ee: {  	v20 =	vor.u32 v54, v56;
	v37 =	vor.u32 v33, v34;
	v39 =	vxor.u32 v9, v26  }
0x2ef: {  	v17 =	vadd.s32 $0x2, v17;
	v19 =	vxor.u32 v10, v19;
	v48 =	vor.u32 v42, v43  }
0x2f0: {  	v23 =	vor.u32 v44, v45;
	v38 =	vxor.u32 v15, v20;
	v42 =	vxor.u32 v13, v37  }
0x2f1: {  	v18 =	vadd.s32 $0x2, v39;
	v8 =	vadd.s32 v17, v8;
	v44 =	vshrl.u32 v17, $0x13  }
0x2f2: {  	v17 =	vshll.u32 v17, $0xD;
	v56 =	vshrl.u32 v19, $0x11;
	v57 =	vshll.u32 v19, $0xF  }
0x2f3: {  	v10 =	vadd.s32 v10, v19;
	v53 =	vxor.u32 v11, v48;
	v21 =	vxor.u32 v12, v23  }
0x2f4: {  	v14 =	vadd.s32 $0x2, v38;
	v9 =	vadd.s32 v18, v9;
	v45 =	vshrl.u32 v18, $0x13  }
0x2f5: {  	v18 =	vshll.u32 v18, $0xD;
	v8 =	vadd.s32 $0x1BD11BF0, v8;
	v17 =	vor.u32 v44, v17  }
0x2f6: {  	v28 =	vor.u32 v56, v57;
	v60 =	vshrl.u32 v53, $0x8;
	v61 =	vshll.u32 v53, $0x18  }
0x2f7: {  	v62 =	vshrl.u32 v21, $0x8;
	v63 =	vshll.u32 v21, $0x18;
	v11 =	vadd.s32 v11, v53  }
0x2f8: {  	v12 =	vadd.s32 v12, v21;
	v15 =	vadd.s32 v14, v15;
	v21 =	vadd.s32 $0x2, v42  }
0x2f9: {  	v43 =	vshrl.u32 v14, $0x13;
	v14 =	vshll.u32 v14, $0xD;
	v9 =	vadd.s32 $0x1BD11BF0, v9  }
0x2fa: {  	v18 =	vor.u32 v45, v18;
	v17 =	vxor.u32 v8, v17;
	v19 =	vxor.u32 v10, v28  }
0x2fb: {  	v35 =	vor.u32 v60, v61;
	v36 =	vor.u32 v62, v63;
	v13 =	vadd.s32 v21, v13  }
0x2fc: {  	v15 =	vadd.s32 $0x1BD11BF0, v15;
	v49 =	vshrl.u32 v21, $0x13;
	v21 =	vshll.u32 v21, $0xD  }
0x2fd: {  	v14 =	vor.u32 v43, v14;
	v18 =	vxor.u32 v9, v18;
	v52 =	vshrl.u32 v17, $0x11  }
0x2fe: {  	v53 =	vshll.u32 v17, $0xF;
	v8 =	vadd.s32 v8, v17;
	v28 =	vshrl.u32 v19, $0x6  }
0x2ff: {  	v40 =	vshll.u32 v19, $0x1A;
	v10 =	vadd.s32 v10, v19;
	v41 =	vxor.u32 v11, v35  }
0x300: {  	v16 =	vxor.u32 v12, v36;
	v13 =	vadd.s32 $0x1BD11BF0, v13;
	v14 =	vxor.u32 v15, v14  }
0x301: {  	v21 =	vor.u32 v49, v21;
	v54 =	vshrl.u32 v18, $0x11;
	v55 =	vshll.u32 v18, $0xF  }
0x302: {  	v24 =	vor.u32 v52, v53;
	v9 =	vadd.s32 v9, v18;
	v28 =	vor.u32 v28, v40  }
0x303: {  	v20 =	vadd.s32 $0x2, v41;
	v16 =	vadd.s32 $0x2, v16;
	v50 =	vshrl.u32 v14, $0x11  }
0x304: {  	v21 =	vxor.u32 v13, v21;
	v51 =	vshll.u32 v14, $0xF;
	v26 =	vor.u32 v54, v55  }
0x305: {  	v14 =	vadd.s32 v15, v14;
	v17 =	vxor.u32 v8, v24;
	v19 =	vxor.u32 v10, v28  }
0x306: {  	v11 =	vadd.s32 v20, v11;
	v47 =	vshrl.u32 v20, $0x13;
	v20 =	vshll.u32 v20, $0xD  }
0x307: {  	v12 =	vadd.s32 v16, v12;
	v48 =	vshrl.u32 v16, $0x13;
	v16 =	vshll.u32 v16, $0xD  }
0x308: {  	v22 =	vor.u32 v50, v51;
	v62 =	vshrl.u32 v21, $0x11;
	v63 =	vshll.u32 v21, $0xF  }
0x309: {  	v13 =	vadd.s32 v13, v21;
	v18 =	vxor.u32 v9, v26;
	v24 =	vshrl.u32 v17, $0x6  }
0x30a: {  	v38 =	vshll.u32 v17, $0x1A;
	v8 =	vadd.s32 v8, v17;
	v28 =	vshrl.u32 v19, $0x1A  }
0x30b: {  	v56 =	vshll.u32 v19, $0x6;
	v10 =	vadd.s32 v10, v19;
	v11 =	vadd.s32 $0x1BD11BF0, v11  }
0x30c: {  	v20 =	vor.u32 v47, v20;
	v12 =	vadd.s32 $0x1BD11BF0, v12;
	v16 =	vor.u32 v48, v16  }
0x30d: {  	v35 =	vor.u32 v62, v63;
	v36 =	vxor.u32 v14, v22;
	v26 =	vshrl.u32 v18, $0x6  }
0x30e: {  	v39 =	vshll.u32 v18, $0x1A;
	v24 =	vor.u32 v24, v38;
	v9 =	vadd.s32 v9, v18  }
0x30f: {  	v28 =	vor.u32 v28, v56;
	v20 =	vxor.u32 v11, v20;
	v16 =	vxor.u32 v12, v16  }
0x310: {  	v37 =	vshrl.u32 v36, $0x6;
	v22 =	vshll.u32 v36, $0x1A;
	v23 =	vxor.u32 v13, v35  }
0x311: {  	v26 =	vor.u32 v26, v39;
	v14 =	vadd.s32 v14, v36;
	v50 =	vxor.u32 v8, v24  }
0x312: {  	v32 =	vxor.u32 v10, v28;
	v58 =	vshrl.u32 v20, $0x11;
	v59 =	vshll.u32 v20, $0xF  }
0x313: {  	v60 =	vshrl.u32 v16, $0x11;
	v61 =	vshll.u32 v16, $0xF;
	v11 =	vadd.s32 v11, v20  }
0x314: {  	v12 =	vadd.s32 v12, v16;
	v21 =	vor.u32 v37, v22;
	v45 =	vshrl.u32 v23, $0x6  }
0x315: {  	v46 =	vshll.u32 v23, $0x1A;
	v13 =	vadd.s32 v13, v23;
	v18 =	vxor.u32 v9, v26  }
0x316: {  	v24 =	vshrl.u32 v50, $0x1A;
	v54 =	vshll.u32 v50, $0x6;
	v8 =	vadd.s32 v8, v50  }
0x317: {  	v33 =	vor.u32 v58, v59;
	v34 =	vor.u32 v60, v61;
	v48 =	vor.u32 v45, v46  }
0x318: {  	v49 =	vxor.u32 v14, v21;
	v26 =	vshrl.u32 v18, $0x1A;
	v55 =	vshll.u32 v18, $0x6  }
0x319: {  	v24 =	vor.u32 v24, v54;
	v9 =	vadd.s32 v9, v18;
	v18 =	vadd.s32 $0x2D, v32  }
0x31a: {  	v20 =	vxor.u32 v11, v33;
	v15 =	vxor.u32 v12, v34;
	v16 =	vxor.u32 v13, v48  }
0x31b: {  	v52 =	vshrl.u32 v49, $0x1A;
	v53 =	vshll.u32 v49, $0x6;
	v26 =	vor.u32 v26, v55  }
0x31c: {  	v14 =	vadd.s32 v14, v49;
	v30 =	vxor.u32 v8, v24;
	v10 =	vadd.s32 v10, v18  }
0x31d: {  	v41 =	vshrl.u32 v20, $0x6;
	v42 =	vshll.u32 v20, $0x1A;
	v43 =	vshrl.u32 v15, $0x6  }
0x31e: {  	v44 =	vshll.u32 v15, $0x1A;
	v11 =	vadd.s32 v11, v20;
	v12 =	vadd.s32 v12, v15  }
0x31f: {  	v61 =	vshrl.u32 v16, $0x1A;
	v62 =	vshll.u32 v16, $0x6;
	v13 =	vadd.s32 v13, v16  }
0x320: {  	v31 =	vxor.u32 v9, v26;
	v17 =	vadd.s32 $0x2D, v30;
	v47 =	vor.u32 v41, v42  }
0x321: {  	v22 =	vor.u32 v43, v44;
	v25 =	vor.u32 v61, v62;
	v16 =	vadd.s32 $0x2D, v31  }
0x322: {  	v38 =	vshrl.u32 v17, $0xF;
	v39 =	vshll.u32 v17, $0x11;
	v42 =	vshrl.u32 v18, $0xF  }
0x323: {  	v43 =	vshll.u32 v18, $0x11;
	v8 =	vadd.s32 v8, v17;
	v20 =	vxor.u32 v11, v47  }
0x324: {  	v51 =	vxor.u32 v12, v22;
	v22 =	vor.u32 v52, v53;
	v35 =	vxor.u32 v13, v25  }
0x325: {  	v40 =	vshrl.u32 v16, $0xF;
	v41 =	vshll.u32 v16, $0x11;
	v24 =	vor.u32 v38, v39  }
0x326: {  	v28 =	vor.u32 v42, v43;
	v9 =	vadd.s32 v9, v16;
	v57 =	vshrl.u32 v20, $0x1A  }
0x327: {  	v58 =	vshll.u32 v20, $0x6;
	v59 =	vshrl.u32 v51, $0x1A;
	v60 =	vshll.u32 v51, $0x6  }
0x328: {  	v11 =	vadd.s32 v11, v20;
	v12 =	vadd.s32 v12, v51;
	v27 =	vxor.u32 v14, v22  }
0x329: {  	v21 =	vadd.s32 $0x2D, v35;
	v26 =	vor.u32 v40, v41;
	v51 =	vxor.u32 v8, v24  }
0x32a: {  	v18 =	vxor.u32 v10, v28;
	v63 =	vor.u32 v57, v58;
	v23 =	vor.u32 v59, v60  }
0x32b: {  	v15 =	vadd.s32 $0x2D, v27;
	v48 =	vshrl.u32 v21, $0xF;
	v49 =	vshll.u32 v21, $0x11  }
0x32c: {  	v13 =	vadd.s32 v13, v21;
	v52 =	vxor.u32 v9, v26;
	v24 =	vshrl.u32 v51, $0x3  }
0x32d: {  	v57 =	vshll.u32 v51, $0x1D;
	v28 =	vshrl.u32 v18, $0x3;
	v59 =	vshll.u32 v18, $0x1D  }
0x32e: {  	v8 =	vadd.s32 v8, v51;
	v10 =	vadd.s32 v10, v18;
	v33 =	vxor.u32 v11, v63  }
0x32f: {  	v34 =	vxor.u32 v12, v23;
	v36 =	vshrl.u32 v15, $0xF;
	v37 =	vshll.u32 v15, $0x11  }
0x330: {  	v25 =	vor.u32 v48, v49;
	v14 =	vadd.s32 v14, v15;
	v26 =	vshrl.u32 v52, $0x3  }
0x331: {  	v58 =	vshll.u32 v52, $0x1D;
	v24 =	vor.u32 v24, v57;
	v28 =	vor.u32 v28, v59  }
0x332: {  	v9 =	vadd.s32 v9, v52;
	v19 =	vadd.s32 $0x2D, v33;
	v20 =	vadd.s32 $0x2D, v34  }
0x333: {  	v22 =	vor.u32 v36, v37;
	v55 =	vxor.u32 v13, v25;
	v26 =	vor.u32 v26, v58  }
0x334: {  	v39 =	vxor.u32 v8, v24;
	v41 =	vxor.u32 v10, v28;
	v44 =	vshrl.u32 v19, $0xF  }
0x335: {  	v45 =	vshll.u32 v19, $0x11;
	v46 =	vshrl.u32 v20, $0xF;
	v47 =	vshll.u32 v20, $0x11  }
0x336: {  	v11 =	vadd.s32 v11, v19;
	v12 =	vadd.s32 v12, v20;
	v15 =	vxor.u32 v14, v22  }
0x337: {  	v33 =	vshrl.u32 v55, $0x3;
	v34 =	vshll.u32 v55, $0x1D;
	v13 =	vadd.s32 v13, v55  }
0x338: {  	v40 =	vxor.u32 v9, v26;
	v24 =	vshrl.u32 v39, $0x10;
	v28 =	vshrl.u32 v41, $0x10  }
0x339: {  	v8 =	vadd.s32 v8, v39;
	v10 =	vadd.s32 v10, v41;
	v50 =	vor.u32 v44, v45  }
0x33a: {  	v23 =	vor.u32 v46, v47;
	v53 =	vshrl.u32 v15, $0x3;
	v56 =	vshll.u32 v15, $0x1D  }
0x33b: {  	v14 =	vadd.s32 v14, v15;
	v37 =	vor.u32 v33, v34;
	v45 =	vshll.u32 v39, $0x10  }
0x33c: {  	v26 =	vshrl.u32 v40, $0x10;
	v46 =	vshll.u32 v40, $0x10;
	v47 =	vshll.u32 v41, $0x10  }
0x33d: {  	v9 =	vadd.s32 v9, v40;
	v19 =	vxor.u32 v11, v50;
	v54 =	vxor.u32 v12, v23  }
0x33e: {  	v20 =	vor.u32 v53, v56;
	v23 =	vxor.u32 v13, v37;
	v24 =	vor.u32 v24, v45  }
0x33f: {  	v26 =	vor.u32 v26, v46;
	v28 =	vor.u32 v28, v47;
	v60 =	vshrl.u32 v19, $0x3  }
0x340: {  	v61 =	vshll.u32 v19, $0x1D;
	v62 =	vshrl.u32 v54, $0x3;
	v63 =	vshll.u32 v54, $0x1D  }
0x341: {  	v11 =	vadd.s32 v11, v19;
	v12 =	vadd.s32 v12, v54;
	v38 =	vxor.u32 v14, v20  }
0x342: {  	v52 =	vshrl.u32 v23, $0x10;
	v53 =	vshll.u32 v23, $0x10;
	v13 =	vadd.s32 v13, v23  }
0x343: {  	v57 =	vxor.u32 v8, v24;
	v18 =	vxor.u32 v9, v26;
	v19 =	vxor.u32 v10, v28  }
0x344: {  	v35 =	vor.u32 v60, v61;
	v36 =	vor.u32 v62, v63;
	v43 =	vshrl.u32 v38, $0x10  }
0x345: {  	v44 =	vshll.u32 v38, $0x10;
	v14 =	vadd.s32 v14, v38;
	v55 =	vor.u32 v52, v53  }
0x346: {  	v24 =	vshrl.u32 v57, $0x8;
	v61 =	vshll.u32 v57, $0x18;
	v26 =	vshrl.u32 v18, $0x8  }
0x347: {  	v62 =	vshll.u32 v18, $0x18;
	v28 =	vshrl.u32 v19, $0x8;
	v63 =	vshll.u32 v19, $0x18  }
0x348: {  	v8 =	vadd.s32 v8, v57;
	v9 =	vadd.s32 v9, v18;
	v10 =	vadd.s32 v10, v19  }
0x349: {  	v42 =	vxor.u32 v11, v35;
	v15 =	vxor.u32 v12, v36;
	v21 =	vor.u32 v43, v44  }
0x34a: {  	v16 =	vxor.u32 v13, v55;
	v24 =	vor.u32 v24, v61;
	v26 =	vor.u32 v26, v62  }
0x34b: {  	v28 =	vor.u32 v28, v63;
	v48 =	vshrl.u32 v42, $0x10;
	v49 =	vshll.u32 v42, $0x10  }
0x34c: {  	v50 =	vshrl.u32 v15, $0x10;
	v51 =	vshll.u32 v15, $0x10;
	v11 =	vadd.s32 v11, v42  }
0x34d: {  	v56 =	vxor.u32 v14, v21;
	v12 =	vadd.s32 v12, v15;
	v40 =	vshrl.u32 v16, $0x8  }
0x34e: {  	v41 =	vshll.u32 v16, $0x18;
	v44 =	vxor.u32 v8, v24;
	v13 =	vadd.s32 v13, v16  }
0x34f: {  	v45 =	vxor.u32 v9, v26;
	v46 =	vxor.u32 v10, v28;
	v54 =	vor.u32 v48, v49  }
0x350: {  	v22 =	vor.u32 v50, v51;
	v59 =	vshrl.u32 v56, $0x8;
	v60 =	vshll.u32 v56, $0x18  }
0x351: {  	v25 =	vor.u32 v40, v41;
	v14 =	vadd.s32 v14, v56;
	v17 =	vadd.s32 $0x1BD11BF4, v44  }
0x352: {  	v16 =	vadd.s32 $0x1BD11BF4, v45;
	v18 =	vadd.s32 $0x1BD11BF4, v46;
	v20 =	vxor.u32 v11, v54  }
0x353: {  	v58 =	vxor.u32 v12, v22;
	v22 =	vor.u32 v59, v60;
	v49 =	vxor.u32 v13, v25  }
0x354: {  	v8 =	vadd.s32 v17, v8;
	v51 =	vshrl.u32 v17, $0x13;
	v17 =	vshll.u32 v17, $0xD  }
0x355: {  	v9 =	vadd.s32 v16, v9;
	v52 =	vshrl.u32 v16, $0x13;
	v16 =	vshll.u32 v16, $0xD  }
0x356: {  	v10 =	vadd.s32 v18, v10;
	v53 =	vshrl.u32 v18, $0x13;
	v18 =	vshll.u32 v18, $0xD  }
0x357: {  	v36 =	vshrl.u32 v20, $0x8;
	v37 =	vshll.u32 v20, $0x18;
	v38 =	vshrl.u32 v58, $0x8  }
0x358: {  	v39 =	vshll.u32 v58, $0x18;
	v11 =	vadd.s32 v11, v20;
	v12 =	vadd.s32 v12, v58  }
0x359: {  	v43 =	vxor.u32 v14, v22;
	v21 =	vadd.s32 $0x1BD11BF4, v49;
	v8 =	vadd.s32 $0x2A, v8  }
0x35a: {  	v17 =	vor.u32 v51, v17;
	v9 =	vadd.s32 $0x2A, v9;
	v16 =	vor.u32 v52, v16  }
0x35b: {  	v10 =	vadd.s32 $0x2A, v10;
	v18 =	vor.u32 v53, v18;
	v42 =	vor.u32 v36, v37  }
0x35c: {  	v23 =	vor.u32 v38, v39;
	v15 =	vadd.s32 $0x1BD11BF4, v43;
	v13 =	vadd.s32 v21, v13  }
0x35d: {  	v56 =	vshrl.u32 v21, $0x13;
	v21 =	vshll.u32 v21, $0xD;
	v17 =	vxor.u32 v8, v17  }
0x35e: {  	v16 =	vxor.u32 v9, v16;
	v18 =	vxor.u32 v10, v18;
	v47 =	vxor.u32 v11, v42  }
0x35f: {  	v48 =	vxor.u32 v12, v23;
	v14 =	vadd.s32 v15, v14;
	v50 =	vshrl.u32 v15, $0x13  }
0x360: {  	v15 =	vshll.u32 v15, $0xD;
	v13 =	vadd.s32 $0x2A, v13;
	v21 =	vor.u32 v56, v21  }
0x361: {  	v59 =	vshrl.u32 v17, $0x11;
	v60 =	vshll.u32 v17, $0xF;
	v61 =	vshrl.u32 v16, $0x11  }
0x362: {  	v62 =	vshll.u32 v16, $0xF;
	v63 =	vshrl.u32 v18, $0x11;
	v36 =	vshll.u32 v18, $0xF  }
0x363: {  	v8 =	vadd.s32 v8, v17;
	v9 =	vadd.s32 v9, v16;
	v10 =	vadd.s32 v10, v18  }
0x364: {  	v19 =	vadd.s32 $0x1BD11BF4, v47;
	v20 =	vadd.s32 $0x1BD11BF4, v48;
	v14 =	vadd.s32 $0x2A, v14  }
0x365: {  	v15 =	vor.u32 v50, v15;
	v21 =	vxor.u32 v13, v21;
	v24 =	vor.u32 v59, v60  }
0x366: {  	v26 =	vor.u32 v61, v62;
	v28 =	vor.u32 v63, v36;
	v11 =	vadd.s32 v19, v11  }
0x367: {  	v54 =	vshrl.u32 v19, $0x13;
	v19 =	vshll.u32 v19, $0xD;
	v12 =	vadd.s32 v20, v12  }
0x368: {  	v55 =	vshrl.u32 v20, $0x13;
	v20 =	vshll.u32 v20, $0xD;
	v15 =	vxor.u32 v14, v15  }
0x369: {  	v41 =	vshrl.u32 v21, $0x11;
	v42 =	vshll.u32 v21, $0xF;
	v44 =	vxor.u32 v8, v24  }
0x36a: {  	v13 =	vadd.s32 v13, v21;
	v45 =	vxor.u32 v9, v26;
	v18 =	vxor.u32 v10, v28  }
0x36b: {  	v11 =	vadd.s32 $0x2A, v11;
	v19 =	vor.u32 v54, v19;
	v12 =	vadd.s32 $0x2A, v12  }
0x36c: {  	v20 =	vor.u32 v55, v20;
	v57 =	vshrl.u32 v15, $0x11;
	v58 =	vshll.u32 v15, $0xF  }
0x36d: {  	v25 =	vor.u32 v41, v42;
	v14 =	vadd.s32 v14, v15;
	v24 =	vshrl.u32 v44, $0x6  }
0x36e: {  	v50 =	vshll.u32 v44, $0x1A;
	v26 =	vshrl.u32 v45, $0x6;
	v51 =	vshll.u32 v45, $0x1A  }
0x36f: {  	v28 =	vshrl.u32 v18, $0x6;
	v52 =	vshll.u32 v18, $0x1A;
	v8 =	vadd.s32 v8, v44  }
0x370: {  	v9 =	vadd.s32 v9, v45;
	v10 =	vadd.s32 v10, v18;
	v19 =	vxor.u32 v11, v19  }
0x371: {  	v20 =	vxor.u32 v12, v20;
	v22 =	vor.u32 v57, v58;
	v48 =	vxor.u32 v13, v25  }
0x372: {  	v24 =	vor.u32 v24, v50;
	v26 =	vor.u32 v26, v51;
	v28 =	vor.u32 v28, v52  }
0x373: {  	v37 =	vshrl.u32 v19, $0x11;
	v38 =	vshll.u32 v19, $0xF;
	v39 =	vshrl.u32 v20, $0x11  }
0x374: {  	v40 =	vshll.u32 v20, $0xF;
	v11 =	vadd.s32 v11, v19;
	v12 =	vadd.s32 v12, v20  }
0x375: {  	v15 =	vxor.u32 v14, v22;
	v57 =	vshrl.u32 v48, $0x6;
	v58 =	vshll.u32 v48, $0x1A  }
0x376: {  	v13 =	vadd.s32 v13, v48;
	v63 =	vxor.u32 v8, v24;
	v36 =	vxor.u32 v9, v26  }
0x377: {  	v43 =	vor.u32 v37, v38;
	v23 =	vor.u32 v39, v40;
	v46 =	vshrl.u32 v15, $0x6  }
0x378: {  	v49 =	vshll.u32 v15, $0x1A;
	v14 =	vadd.s32 v14, v15;
	v61 =	vor.u32 v57, v58  }
0x379: {  	v37 =	vxor.u32 v10, v28;
	v24 =	vshrl.u32 v63, $0x1A;
	v41 =	vshll.u32 v63, $0x6  }
0x37a: {  	v26 =	vshrl.u32 v36, $0x1A;
	v42 =	vshll.u32 v36, $0x6;
	v8 =	vadd.s32 v8, v63  }
0x37b: {  	v9 =	vadd.s32 v9, v36;
	v19 =	vxor.u32 v11, v43;
	v47 =	vxor.u32 v12, v23  }
0x37c: {  	v20 =	vor.u32 v46, v49;
	v23 =	vxor.u32 v13, v61;
	v28 =	vshrl.u32 v37, $0x1A  }
0x37d: {  	v43 =	vshll.u32 v37, $0x6;
	v24 =	vor.u32 v24, v41;
	v26 =	vor.u32 v26, v42  }
0x37e: {  	v10 =	vadd.s32 v10, v37;
	v53 =	vshrl.u32 v19, $0x6;
	v54 =	vshll.u32 v19, $0x1A  }
0x37f: {  	v55 =	vshrl.u32 v47, $0x6;
	v56 =	vshll.u32 v47, $0x1A;
	v11 =	vadd.s32 v11, v19  }
0x380: {  	v12 =	vadd.s32 v12, v47;
	v62 =	vxor.u32 v14, v20;
	v48 =	vshrl.u32 v23, $0x1A  }
0x381: {  	v49 =	vshll.u32 v23, $0x6;
	v28 =	vor.u32 v28, v43;
	v13 =	vadd.s32 v13, v23  }
0x382: {  	v18 =	vxor.u32 v9, v26;
	v59 =	vor.u32 v53, v54;
	v60 =	vor.u32 v55, v56  }
0x383: {  	v39 =	vshrl.u32 v62, $0x1A;
	v40 =	vshll.u32 v62, $0x6;
	v14 =	vadd.s32 v14, v62  }
0x384: {  	v51 =	vor.u32 v48, v49;
	v53 =	vxor.u32 v8, v24;
	v19 =	vxor.u32 v10, v28  }
0x385: {  	v18 =	vadd.s32 $0x5, v18;
	v8 =	vadd.s32 $0x1BD11BF0, v8;
	v55 =	vadd.s32 $0x1BD11BF0, v9  }
0x386: {  	v56 =	vadd.s32 $0x1BD11BF0, v10;
	v38 =	vxor.u32 v11, v59;
	v15 =	vxor.u32 v12, v60  }
0x387: {  	v21 =	vor.u32 v39, v40;
	v16 =	vxor.u32 v13, v51;
	v19 =	vadd.s32 $0x5, v19  }
0x388: {  	[tilespmem:s12+$0xFFFFFFD0] =	vst v4;
	v59 =	vadd.s32 $0x1BD11BF0, v13;
	v4 =	vxor.u32 v55, v18;
	v44 =	vshrl.u32 v38, $0x1A  }
0x389: {  	v45 =	vshll.u32 v38, $0x6;
	v46 =	vshrl.u32 v15, $0x1A;
	v47 =	vshll.u32 v15, $0x6  }
0x38a: {  	v11 =	vadd.s32 v11, v38;
	v52 =	vxor.u32 v14, v21;
	v12 =	vadd.s32 v12, v15  }
0x38b: {  	v15 =	vadd.s32 $0x5, v53;
	v14 =	vadd.s32 $0x1BD11BF0, v14;
	v16 =	vadd.s32 $0x5, v16  }
0x38c: {  	v60 =	vxor.u32 v56, v19;
	v4 =	vshrl.u32 v4, $0x9;
	v50 =	vor.u32 v44, v45  }
0x38d: {  	v22 =	vor.u32 v46, v47;
	v17 =	vadd.s32 $0x5, v52;
	v57 =	vadd.s32 $0x1BD11BF0, v11  }
0x38e: {  	[tilespmem:s12+$0x0] =	vst v3;
	v58 =	vadd.s32 $0x1BD11BF0, v12;
	v3 =	vxor.u32 v8, v15;
	v62 =	vxor.u32 v59, v16  }
0x38f: {  	[tilespmem:s12+$0xFFFFFFE0] =	vst v2;
	v4 =	vor.u32 $0x3F800000, v4;
	v63 =	vshrl.u32 v60, $0x9;
	v20 =	vxor.u32 v11, v50  }
0x390: {  	[tilespmem:s12+$0xFFFFFFF0] =	vst v1;
	v54 =	vxor.u32 v12, v22;
	v2 =	vxor.u32 v14, v17;
	v3 =	vshrl.u32 v3, $0x9  }
0x391: {  	[tilespmem:s12+$0x20] =	vst v5;
	v4 =	vadd.f32 $-1.000000000e+00, v4;
	v5 =	vor.u32 $0x3F800000, v63;
	v2 =	vshrl.u32 v2, $0x9  }
0x392: {  	s31 =	sadd.s32 $0x80, s12;
	[tilespmem:s12+$0x10] =	vst v6;
	v20 =	vadd.s32 $0x5, v20;
	v21 =	vadd.s32 $0x5, v54;
	v2 =	vor.u32 $0x3F800000, v2  }
0x393: {  	[tilespmem:s31+$0x30] =	vst v7;
	v3 =	vor.u32 $0x3F800000, v3;
	v1 =	vxor.u32 v57, v20;
	v2 =	vadd.f32 $-1.000000000e+00, v2  }
0x394: {  	v61 =	vxor.u32 v58, v21;
	v3 =	vadd.f32 $-1.000000000e+00, v3;
	[tilespmem:s31+$0xFFFFFFE0] =	vst v4;
	v1 =	vshrl.u32 v1, $0x9  }
0x395: {  	v5 =	vadd.f32 $-1.000000000e+00, v5;
	v1 =	vor.u32 $0x3F800000, v1;
	[tilespmem:s31+$0xFFFFFFC0] =	vst v2;
	v2 =	vshrl.u32 v61, $0x9  }
0x396: {  	[tilespmem:s31+$0xFFFFFFD0] =	vst v3;
	v3 =	vshrl.u32 v62, $0x9;
	v1 =	vadd.f32 $-1.000000000e+00, v1;
	v2 =	vor.u32 $0x3F800000, v2  }
0x397: {  	[tilespmem:s31+$0xFFFFFFF0] =	vst v5;
	v3 =	vor.u32 $0x3F800000, v3;
	v2 =	vadd.f32 $-1.000000000e+00, v2  }
0x398: {  	s10 =	sadd.s32 $0x1, s10;
	[tilespmem:s31+$0x0] =	vst v1;
	v1 =	vadd.f32 $-1.000000000e+00, v3  }
0x399: {  	s11 =	sshrl.u32 s11, $0x3;
	p0 =	sne.s32 s10, $0x14;
	[tilespmem:s31+$0x10] =	vst v2  }
.Ltmp1:
0x39a: {  	s11 =	sadd.s32 s3, s11;
	[tilespmem:s31+$0x20] =	vst v1;
	(pc) =	sbr.rel @p0 .LBB2_2-.Ltmp1, $4  }
0x39b: {  	[hbm4b:s11+s1] =	stream.linear.scatter [tilespmem:s1], [sflag:$0x1], $0x1000, $0x38;
	[tilespmem:$0x1000] =	vst v63  }
0x39c: {  	_ =	swait.ge [sflag:s7], $0x1000  }
0x39d: {  	[sflag:s7] =	ssyncset.done $0x0  }
0x39e: {  	s9 =	sadd.s32 $0x1000, s9;
	[sflag:s7] =	ssyncadd.s32 $0xFFFFF000  }
0x39f: {  	s8 =	sadd.s32 $0x1, s8  }
0x3a0: {  	p0 =	sne.s32 s8, s5  }
.Ltmp2:
0x3a1: {  	_ = 	snop;
	(pc) =	sbr.rel @p0 .LBB2_1-.Ltmp2, $1  }
0x3a2: {  	_ =	sdelay $0x3  }
0x3a3: {  	_ =	sfence.sel $0x180000  }
0x3a4: {  	[bflag:$0x0] =	sbarrier.arrive $0xFFFF  }
0x3a5: {  	p0 =	sne.s32 s2, $0x0;
	_ =	strace $0x90000047  }
0x3a6: {  	s0 =	sadd.s32 @!p0 $0x100000, s0;
	[bflag:$0x2] =	sbarrier.arrive $0xFFFF  }
0x3a7: {  	[sflag:s0] =	ssyncadd.tile.s32 @!p0 $0x1;
	_ =	shalt  }
.Lfunc_end2:
_tile_overlayer_lowered:
.L_overlay_start_2:
0x3a8: {  	(tag) =	ssettag $0x2  }
0x3a9: {  	s0 =	rddreg [dreg:$0x0];
	s2 =	stileid.u32  }
0x3aa: {  	s1 =	rddreg [dreg:$0x1];
	p0 =	sne.s32 s2, $0x0  }
0x3ab: {  	s3 =	rddreg [dreg:$0x2];
	[bflag:$0x3] =	sbarrier.arrive $0xFFFF;
	s2 =	simm.s32 @!p0 $0x1C01  }
0x3ac: {  	[timem:s3], [sflag:s2] =	dma.local @!p0 [hbm:s0], s1  }
0x3ad: {  	s0 =	simm.s32 @!p0 $0x1  }
0x3ae: {  	_ =	swait.ge @!p0 [sflag:s0], s1  }
0x3af: {  	s1 =	ssub.s32 @!p0 $0x0, s1;
	[sflag:s0] =	ssyncset.done @!p0 $0x0  }
0x3b0: {  	[sflag:s0] =	ssyncadd.s32 @!p0 s1  }
0x3b1: {  	[bflag:$0x3] =	sbarrier.arrive $0xFFFF  }
0x3b2: {  	_ =	shalt  }

</sc_bundles>
